<compile_context>
chip_gen: v7x
topology: tpu7x:2x2x1
jax: 0.10.2.dev20260603
libtpu: 0.0.44.dev20260713+nightly
codegen_flags: <defaults>
</compile_context>

<pallas_src>
import functools

import jax
import jax.numpy as jnp
from jax import lax
from jax.experimental import pallas as pl
from jax.experimental.pallas import tpu as pltpu
from jax.experimental.pallas import tpu_sc as plsc

NA = 10000
NB = 320000
NG = 64
D = 128
H = 64

NC = 2
NS = 16
NW = NC * NS
EPW = NB // NW
K = 40
CHUNKS = EPW // K
RPS = NA // NS


def _k0_body(u_ref, w_ref, b_ref, out_ref):
    out_ref[...] = jnp.dot(u_ref[...], w_ref[...],
                           preferred_element_type=jnp.float32) + b_ref[...]


def _u_proj(u, Wcat, bcat):
    return pl.pallas_call(
        _k0_body,
        out_shape=jax.ShapeDtypeStruct((NG, Wcat.shape[1]), jnp.float32),
    )(u, Wcat, bcat)


def _k1_body(h_ref, ag_ref, w_ref, b_ref, dh_ref, aeh0_ref, aeh1_ref,
             segg_ref, cnta_ref):
    y = jnp.dot(h_ref[...], w_ref[...],
                preferred_element_type=jnp.float32) + b_ref[...]
    dh_ref[...] = y[:, D:2 * D]
    aeh0_ref[...] = jnp.concatenate(
        [y[:, 0:H], y[:, 2 * D:2 * D + H]], axis=1)
    aeh1_ref[...] = jnp.concatenate(
        [y[:, H:D], y[:, 2 * D + H:3 * D]], axis=1)
    ag = ag_ref[...]
    onehot = (ag == lax.broadcasted_iota(jnp.int32, (1, NG), 1)
              ).astype(jnp.float32)
    ones = jnp.ones((h_ref.shape[0], D), jnp.float32)
    dn = (((0,), (0,)), ((), ()))
    seg = lax.dot_general(onehot, y[:, 3 * D:4 * D], dn,
                          preferred_element_type=jnp.float32)
    cnt = lax.dot_general(onehot, ones, dn,
                          preferred_element_type=jnp.float32)

    @pl.when(pl.program_id(0) == 0)
    def _():
        segg_ref[...] = jnp.zeros_like(segg_ref)
        cnta_ref[...] = jnp.zeros_like(cnta_ref)

    segg_ref[...] += seg
    cnta_ref[...] += cnt


def _h_proj(h, ag2d, Wcat, bcat):
    R = 1000
    grid = NA // R
    return pl.pallas_call(
        _k1_body,
        grid=(grid,),
        in_specs=[
            pl.BlockSpec((R, D), lambda i: (i, 0)),
            pl.BlockSpec((R, 1), lambda i: (i, 0)),
            pl.BlockSpec((D, 4 * D), lambda i: (0, 0)),
            pl.BlockSpec((1, 4 * D), lambda i: (0, 0)),
        ],
        out_specs=[
            pl.BlockSpec((R, D), lambda i: (i, 0)),
            pl.BlockSpec((R, D), lambda i: (i, 0)),
            pl.BlockSpec((R, D), lambda i: (i, 0)),
            pl.BlockSpec((NG, D), lambda i: (0, 0)),
            pl.BlockSpec((NG, D), lambda i: (0, 0)),
        ],
        out_shape=[
            jax.ShapeDtypeStruct((NA, D), jnp.float32),
            jax.ShapeDtypeStruct((NA, D), jnp.float32),
            jax.ShapeDtypeStruct((NA, D), jnp.float32),
            jax.ShapeDtypeStruct((NG, D), jnp.float32),
            jax.ShapeDtypeStruct((NG, D), jnp.float32),
        ],
    )(h, ag2d, Wcat, bcat)


def _k2_body(e_ref, bg_ref, w_ref, b_ref, cu_ref,
             becu0_ref, becu1_ref, segh_ref, cntb_ref):
    y = jnp.dot(e_ref[...], w_ref[...],
                preferred_element_type=jnp.float32) + b_ref[...]
    bg = bg_ref[...]
    onehot = (bg == lax.broadcasted_iota(jnp.int32, (1, NG), 1)
              ).astype(jnp.float32)
    becu = y[:, :D] + jnp.dot(onehot, cu_ref[...],
                              preferred_element_type=jnp.float32)
    becu0_ref[...] = becu[:, :H]
    becu1_ref[...] = becu[:, H:]
    he = y[:, D:]
    ones = jnp.ones((e_ref.shape[0], D), jnp.float32)
    dn = (((0,), (0,)), ((), ()))
    seg = lax.dot_general(onehot, he, dn, preferred_element_type=jnp.float32)
    cnt = lax.dot_general(onehot, ones, dn, preferred_element_type=jnp.float32)

    @pl.when(pl.program_id(0) == 0)
    def _():
        segh_ref[...] = jnp.zeros_like(segh_ref)
        cntb_ref[...] = jnp.zeros_like(cntb_ref)

    segh_ref[...] += seg
    cntb_ref[...] += cnt


def _e_proj(e, bg2d, Wcat, bcat, Cu):
    R = 4000
    grid = NB // R
    return pl.pallas_call(
        _k2_body,
        grid=(grid,),
        in_specs=[
            pl.BlockSpec((R, D), lambda i: (i, 0)),
            pl.BlockSpec((R, 1), lambda i: (i, 0)),
            pl.BlockSpec((D, 2 * D), lambda i: (0, 0)),
            pl.BlockSpec((1, 2 * D), lambda i: (0, 0)),
            pl.BlockSpec((NG, D), lambda i: (0, 0)),
        ],
        out_specs=[
            pl.BlockSpec((R, H), lambda i: (i, 0)),
            pl.BlockSpec((R, H), lambda i: (i, 0)),
            pl.BlockSpec((NG, D), lambda i: (0, 0)),
            pl.BlockSpec((NG, D), lambda i: (0, 0)),
        ],
        out_shape=[
            jax.ShapeDtypeStruct((NB, H), jnp.float32),
            jax.ShapeDtypeStruct((NB, H), jnp.float32),
            jax.ShapeDtypeStruct((NG, D), jnp.float32),
            jax.ShapeDtypeStruct((NG, D), jnp.float32),
        ],
    )(e, bg2d, Wcat, bcat, Cu)


def _sc_body(aeh0, aeh1, becu0, becu1, src_hbm, dst_hbm, zeros_hbm,
             ep0, ep1, nd0, nd1,
             idxs0, idxd0, idxs1, idxd1, aes0, aed0, aes1, aed1, bcu0, bcu1,
             ep_v, bufs, bufd, accum, sA0, sB0, sC0, sA1, sB1, sC1, sW):
    cid = lax.axis_index("c")
    sid = lax.axis_index("s")
    wid = sid * NC + cid
    edge_base = wid * EPW
    sets = ((idxs0, idxd0, aes0, aed0, bcu0, sA0, sB0, sC0),
            (idxs1, idxd1, aes1, aed1, bcu1, sA1, sB1, sC1))

    for aeh, becu, ep_out, nd_out in ((aeh0, becu0, ep0, nd0),
                                      (aeh1, becu1, ep1, nd1)):
        @pl.when(sid == 0)
        def _():
            pltpu.sync_copy(zeros_hbm, accum)
        plsc.subcore_barrier()

        def load_idx(st, c):
            base = edge_base + c * K
            pltpu.sync_copy(src_hbm.at[pl.ds(base, K)], st[0])
            pltpu.sync_copy(dst_hbm.at[pl.ds(base, K)], st[1])

        def fire(st, c):
            base = edge_base + c * K
            pltpu.async_copy(aeh.at[st[0]], st[2], st[5])
            pltpu.async_copy(aeh.at[st[1]], st[3], st[6])
            pltpu.async_copy(becu.at[pl.ds(base, K)], st[4], st[7])

        def drain(st):
            pltpu.make_async_copy(aeh.at[st[0]], st[2], st[5]).wait()
            pltpu.make_async_copy(aeh.at[st[1]], st[3], st[6]).wait()
            pltpu.make_async_copy(becu.at[pl.ds(0, K)], st[4], st[7]).wait()

        load_idx(sets[0], 0)
        fire(sets[0], 0)

        def pair(c2, carry):
            for b in range(2):
                cur = sets[b]
                nxt = sets[1 - b]
                c = 2 * c2 + b
                cn = jnp.minimum(c + 1, CHUNKS - 1)
                load_idx(nxt, cn)
                fire(nxt, cn)
                drain(cur)

                def drain_writes():
                    pltpu.make_async_copy(
                        ep_v, ep_out.at[pl.ds(0, K)], sW).wait()

                if b == 1:
                    drain_writes()
                else:
                    pl.when(c2 > 0)(drain_writes)

                def row(i, carry2):
                    def col(j, carry3):
                        s = pl.ds(j * 16, 16)
                        s2 = pl.ds(H + j * 16, 16)
                        a = cur[2][i, s] + cur[3][i, s] + cur[4][i, s]
                        ep_v[i, s] = a
                        sg = 1.0 / (1.0 + jnp.exp(-a))
                        bufs[i, s] = sg * cur[3][i, s2]
                        bufd[i, s] = sg * cur[2][i, s2]
                        bufs[i, s2] = sg
                        bufd[i, s2] = sg
                        return carry3
                    return lax.fori_loop(0, H // 16, col, carry2)
                lax.fori_loop(0, K, row, 0)

                base = edge_base + c * K
                pltpu.async_copy(ep_v, ep_out.at[pl.ds(base, K)], sW)
                pltpu.sync_copy(bufs, accum.at[cur[0]], add=True)
                pltpu.sync_copy(bufd, accum.at[cur[1]], add=True)
            return carry

        lax.fori_loop(0, CHUNKS // 2, pair, 0)
        drain(sets[0])
        pltpu.make_async_copy(ep_v, ep_out.at[pl.ds(0, K)], sW).wait()
        plsc.subcore_barrier()

        @pl.when(sid == 0)
        def _():
            pltpu.sync_copy(accum, nd_out.at[pl.ds(cid * NA, NA)])
        plsc.subcore_barrier()


def _sc_edges(aeh0, aeh1, becu0, becu1, src, dst, zeros):
    fn = pl.kernel(
        _sc_body,
        out_type=[
            jax.ShapeDtypeStruct((NB, H), jnp.float32),
            jax.ShapeDtypeStruct((NB, H), jnp.float32),
            jax.ShapeDtypeStruct((NC * NA, D), jnp.float32),
            jax.ShapeDtypeStruct((NC * NA, D), jnp.float32),
        ],
        mesh=plsc.VectorSubcoreMesh(core_axis_name="c", subcore_axis_name="s"),
        scratch_types=[
            pltpu.VMEM((K,), jnp.int32),
            pltpu.VMEM((K,), jnp.int32),
            pltpu.VMEM((K,), jnp.int32),
            pltpu.VMEM((K,), jnp.int32),
            pltpu.VMEM((K, D), jnp.float32),
            pltpu.VMEM((K, D), jnp.float32),
            pltpu.VMEM((K, D), jnp.float32),
            pltpu.VMEM((K, D), jnp.float32),
            pltpu.VMEM((K, H), jnp.float32),
            pltpu.VMEM((K, H), jnp.float32),
            pltpu.VMEM((K, H), jnp.float32),
            pltpu.VMEM((K, D), jnp.float32),
            pltpu.VMEM((K, D), jnp.float32),
            pltpu.VMEM_SHARED((NA, D), jnp.float32),
            pltpu.SemaphoreType.DMA,
            pltpu.SemaphoreType.DMA,
            pltpu.SemaphoreType.DMA,
            pltpu.SemaphoreType.DMA,
            pltpu.SemaphoreType.DMA,
            pltpu.SemaphoreType.DMA,
            pltpu.SemaphoreType.DMA,
        ],
    )
    return fn(aeh0, aeh1, becu0, becu1, src, dst, zeros)


def _k4_body(nd0a_ref, nd0b_ref, nd1a_ref, nd1b_ref, dh_ref, ag_ref,
             fu_ref, sn_ref, hpre_ref, stats_ref):
    num = jnp.concatenate(
        [nd0a_ref[:, :H] + nd0b_ref[:, :H],
         nd1a_ref[:, :H] + nd1b_ref[:, :H]], axis=1)
    den = jnp.concatenate(
        [nd0a_ref[:, H:] + nd0b_ref[:, H:],
         nd1a_ref[:, H:] + nd1b_ref[:, H:]], axis=1)
    gated = num / (den + 1e-6)
    ag = ag_ref[...]
    onehot = (ag == lax.broadcasted_iota(jnp.int32, (1, NG), 1)
              ).astype(jnp.float32)
    fug = jnp.dot(onehot, fu_ref[...], preferred_element_type=jnp.float32)
    x = (dh_ref[...] + gated + fug) * sn_ref[...]
    hpre_ref[...] = x
    s1 = jnp.sum(x, axis=0, keepdims=True)
    s2 = jnp.sum(x * x, axis=0, keepdims=True)
    st = jnp.concatenate([s1, s2, jnp.zeros((6, D), jnp.float32)], axis=0)

    @pl.when(pl.program_id(0) == 0)
    def _():
        stats_ref[...] = jnp.zeros_like(stats_ref)

    stats_ref[...] += st


def _h_assemble(nd0, nd1, Dh, ag2d, Fu, snorm_n):
    R = 1000
    grid = NA // R
    return pl.pallas_call(
        _k4_body,
        grid=(grid,),
        in_specs=[
            pl.BlockSpec((R, D), lambda i: (i, 0)),
            pl.BlockSpec((R, D), lambda i: (i + NA // R, 0)),
            pl.BlockSpec((R, D), lambda i: (i, 0)),
            pl.BlockSpec((R, D), lambda i: (i + NA // R, 0)),
            pl.BlockSpec((R, D), lambda i: (i, 0)),
            pl.BlockSpec((R, 1), lambda i: (i, 0)),
            pl.BlockSpec((NG, D), lambda i: (0, 0)),
            pl.BlockSpec((R, 1), lambda i: (i, 0)),
        ],
        out_specs=[
            pl.BlockSpec((R, D), lambda i: (i, 0)),
            pl.BlockSpec((8, D), lambda i: (0, 0)),
        ],
        out_shape=[
            jax.ShapeDtypeStruct((NA, D), jnp.float32),
            jax.ShapeDtypeStruct((8, D), jnp.float32),
        ],
    )(nd0, nd0, nd1, nd1, Dh, ag2d, Fu, snorm_n)


def _k5_body(ep0_ref, ep1_ref, sn_ref, stats_ref):
    x = jnp.concatenate([ep0_ref[...], ep1_ref[...]], axis=1) * sn_ref[...]
    s1 = jnp.sum(x, axis=0, keepdims=True)
    s2 = jnp.sum(x * x, axis=0, keepdims=True)
    st = jnp.concatenate([s1, s2, jnp.zeros((6, D), jnp.float32)], axis=0)

    @pl.when(pl.program_id(0) == 0)
    def _():
        stats_ref[...] = jnp.zeros_like(stats_ref)

    stats_ref[...] += st


def _e_stats(ep0, ep1, snorm_e):
    R = 4000
    grid = NB // R
    return pl.pallas_call(
        _k5_body,
        grid=(grid,),
        in_specs=[
            pl.BlockSpec((R, H), lambda i: (i, 0)),
            pl.BlockSpec((R, H), lambda i: (i, 0)),
            pl.BlockSpec((R, 1), lambda i: (i, 0)),
        ],
        out_specs=pl.BlockSpec((8, D), lambda i: (0, 0)),
        out_shape=jax.ShapeDtypeStruct((8, D), jnp.float32),
    )(ep0, ep1, snorm_e)


def _bn_elu(x, stats, n, gamma, beta):
    m = stats[0:1, :] / n
    v = stats[1:2, :] / n - m * m
    y = gamma * (x - m) * lax.rsqrt(v + 1e-5) + beta
    return jnp.where(y > 0, y, jnp.exp(jnp.minimum(y, 0.0)) - 1.0)


def _k6_body(ep0_ref, ep1_ref, sn_ref, stats_ref, g_ref, b_ref, out_ref):
    x = jnp.concatenate([ep0_ref[...], ep1_ref[...]], axis=1) * sn_ref[...]
    out_ref[...] = _bn_elu(x, stats_ref[...], float(NB), g_ref[...], b_ref[...])


def _e_apply(ep0, ep1, snorm_e, stats, gamma, beta):
    R = 4000
    grid = NB // R
    return pl.pallas_call(
        _k6_body,
        grid=(grid,),
        in_specs=[
            pl.BlockSpec((R, H), lambda i: (i, 0)),
            pl.BlockSpec((R, H), lambda i: (i, 0)),
            pl.BlockSpec((R, 1), lambda i: (i, 0)),
            pl.BlockSpec((8, D), lambda i: (0, 0)),
            pl.BlockSpec((1, D), lambda i: (0, 0)),
            pl.BlockSpec((1, D), lambda i: (0, 0)),
        ],
        out_specs=pl.BlockSpec((R, D), lambda i: (i, 0)),
        out_shape=jax.ShapeDtypeStruct((NB, D), jnp.float32),
    )(ep0, ep1, snorm_e, stats, gamma, beta)


def _k7a_body(x_ref, stats_ref, g_ref, b_ref, out_ref):
    out_ref[...] = _bn_elu(x_ref[...], stats_ref[...], float(NA),
                           g_ref[...], b_ref[...])


def _h_apply(hpre, stats, gamma, beta):
    R = 1000
    grid = NA // R
    return pl.pallas_call(
        _k7a_body,
        grid=(grid,),
        in_specs=[
            pl.BlockSpec((R, D), lambda i: (i, 0)),
            pl.BlockSpec((8, D), lambda i: (0, 0)),
            pl.BlockSpec((1, D), lambda i: (0, 0)),
            pl.BlockSpec((1, D), lambda i: (0, 0)),
        ],
        out_specs=pl.BlockSpec((R, D), lambda i: (i, 0)),
        out_shape=jax.ShapeDtypeStruct((NA, D), jnp.float32),
    )(hpre, stats, gamma, beta)


def _k7b_body(u_ref, wi_ref, bi_ref, segg_ref, cnta_ref, segh_ref, cntb_ref,
              g_ref, b_ref, out_ref):
    iu = jnp.dot(u_ref[...], wi_ref[...],
                 preferred_element_type=jnp.float32) + bi_ref[...]
    x = (segg_ref[...] / jnp.maximum(cnta_ref[...], 1.0)
         + segh_ref[...] / jnp.maximum(cntb_ref[...], 1.0) + iu)
    m = jnp.mean(x, axis=0, keepdims=True)
    v = jnp.mean(x * x, axis=0, keepdims=True) - m * m
    y = g_ref[...] * (x - m) * lax.rsqrt(v + 1e-5) + b_ref[...]
    out_ref[...] = jnp.where(y > 0, y, jnp.exp(jnp.minimum(y, 0.0)) - 1.0)


def _u_update(u, WI, bI, segG, cntA, segH, cntB, gamma, beta):
    return pl.pallas_call(
        _k7b_body,
        out_shape=jax.ShapeDtypeStruct((NG, D), jnp.float32),
    )(u, WI, bI, segG, cntA, segH, cntB, gamma, beta)


@jax.jit
def kernel(h, e, u, bond_src, bond_dst, atom_graph, bond_graph, snorm_n,
           snorm_e, WA, bA, WB, bB, WC, bC, WD, bD, WE, bE, WF, bF, WG, bG,
           WH, bH, WI, bI, gamma_h, beta_h, gamma_e, beta_e, gamma_u, beta_u):
    ag2d = atom_graph.reshape(NA, 1)
    bg2d = bond_graph.reshape(NB, 1)

    cufu = _u_proj(u, jnp.concatenate([WC, WF], axis=1),
                   jnp.concatenate([bC, bF]).reshape(1, 2 * D))
    Cu = cufu[:, :D]
    Fu = cufu[:, D:]

    Wh = jnp.concatenate([WA, WD, WE, WG], axis=1)
    bh = jnp.concatenate([bA, bD, bE, bG]).reshape(1, 4 * D)
    Dh, aeh0, aeh1, segG, cntA = _h_proj(h, ag2d, Wh, bh)

    We = jnp.concatenate([WB, WH], axis=1)
    be = jnp.concatenate([bB, bH]).reshape(1, 2 * D)
    becu0, becu1, segH, cntB = _e_proj(e, bg2d, We, be, Cu)

    zeros = jnp.zeros((NA, D), jnp.float32)
    ep0, ep1, nd0, nd1 = _sc_edges(aeh0, aeh1, becu0, becu1,
                                   bond_src, bond_dst, zeros)

    hpre, hstats = _h_assemble(nd0, nd1, Dh, ag2d, Fu, snorm_n)

    estats = _e_stats(ep0, ep1, snorm_e)
    e_new = _e_apply(ep0, ep1, snorm_e, estats,
                     gamma_e.reshape(1, D), beta_e.reshape(1, D))

    h_new = _h_apply(hpre, hstats, gamma_h.reshape(1, D), beta_h.reshape(1, D))

    u_new = _u_update(u, WI, bI.reshape(1, D), segG, cntA, segH, cntB,
                      gamma_u.reshape(1, D), beta_u.reshape(1, D))

    return h_new, e_new, u_new

# --- scband reference (transcript-rebuilt; emitter-appended) ---
"""Pipeline reference for scband-gated-gcnlayer-15968688407203 (READ-ONLY COPY).

The authoritative reference and input builder live on the scoring server;
editing this copy changes nothing except your own understanding.
"""

import jax, jax.numpy as jnp
import numpy as np

N_ATOM = 10000
N_BOND = 320000
N_GLOB = 64
D = 128


def setup_inputs(seed: int = 0) -> dict:
    key = jax.random.key(seed)
    ks = jax.random.split(key, 40)
    inp = {}
    inp['h'] = jax.random.normal(ks[0], (N_ATOM, D), jnp.float32)
    inp['e'] = jax.random.normal(ks[1], (N_BOND, D), jnp.float32)
    inp['u'] = jax.random.normal(ks[2], (N_GLOB, D), jnp.float32)
    inp['bond_src'] = jax.random.randint(ks[3], (N_BOND,), 0, N_ATOM, jnp.int32)
    inp['bond_dst'] = jax.random.randint(ks[4], (N_BOND,), 0, N_ATOM, jnp.int32)
    inp['atom_graph'] = jnp.sort(jax.random.randint(ks[5], (N_ATOM,), 0, N_GLOB, jnp.int32))
    inp['bond_graph'] = jnp.sort(jax.random.randint(ks[6], (N_BOND,), 0, N_GLOB, jnp.int32))
    inp['snorm_n'] = jax.random.uniform(ks[7], (N_ATOM, 1), jnp.float32)
    inp['snorm_e'] = jax.random.uniform(ks[8], (N_BOND, 1), jnp.float32)
    i = 9
    for name in ['A', 'B', 'C', 'D', 'E', 'F', 'G', 'H', 'I']:
        inp['W' + name] = jax.random.normal(ks[i], (D, D), jnp.float32) * 0.05
        i += 1
        inp['b' + name] = jnp.zeros((D,), jnp.float32)
    for t in ['h', 'e', 'u']:
        inp['gamma_' + t] = jnp.ones((D,), jnp.float32)
        inp['beta_' + t] = jnp.zeros((D,), jnp.float32)
    return inp


def _bn(x, g, b):
    m = jnp.mean(x, axis=0)
    v = jnp.var(x, axis=0)
    return g * (x - m) / jnp.sqrt(v + 1e-5) + b


def _forward(fl, bond_src, bond_dst, atom_graph, bond_graph):
    lin = lambda x, n: x @ fl['W' + n] + fl['b' + n]
    h = fl['h']; e = fl['e']; u = fl['u']
    Ah = lin(h, 'A'); Dh = lin(h, 'D'); Eh = lin(h, 'E'); Gh = lin(h, 'G')
    Be = lin(e, 'B'); He = lin(e, 'H')
    Cu = lin(u, 'C'); Fu = lin(u, 'F'); Iu = lin(u, 'I')
    # bond update: a2b (sum of Ah from both endpoint atoms) + b2b (self Be) + g2b (Cu of owning graph)
    e_new = Ah[bond_src] + Ah[bond_dst] + Be + Cu[bond_graph]
    # atom update: b2a gated message with the 'other endpoint' Eh (select_not_equal semantics)
    sigma = jax.nn.sigmoid(e_new)
    dst = jnp.concatenate([bond_src, bond_dst])
    other = jnp.concatenate([bond_dst, bond_src])
    sig2 = jnp.concatenate([sigma, sigma], axis=0)
    num = jax.ops.segment_sum(sig2 * Eh[other], dst, num_segments=N_ATOM)
    den = jax.ops.segment_sum(sig2, dst, num_segments=N_ATOM)
    h_gated = num / (den + 1e-6)
    h_new = Dh + h_gated + Fu[atom_graph]
    # global update: a2g mean(Gh) + b2g mean(He) + g2g self Iu
    cnt_a = jnp.maximum(jax.ops.segment_sum(jnp.ones((N_ATOM,), jnp.float32), atom_graph, num_segments=N_GLOB), 1.0)[:, None]
    cnt_b = jnp.maximum(jax.ops.segment_sum(jnp.ones((N_BOND,), jnp.float32), bond_graph, num_segments=N_GLOB), 1.0)[:, None]
    u_new = (jax.ops.segment_sum(Gh, atom_graph, num_segments=N_GLOB) / cnt_a
             + jax.ops.segment_sum(He, bond_graph, num_segments=N_GLOB) / cnt_b
             + Iu)
    # graph norm
    h_new = h_new * fl['snorm_n']
    e_new = e_new * fl['snorm_e']
    # batch norm (training-mode batch statistics) + ELU activation
    h_new = jax.nn.elu(_bn(h_new, fl['gamma_h'], fl['beta_h']))
    e_new = jax.nn.elu(_bn(e_new, fl['gamma_e'], fl['beta_e']))
    u_new = jax.nn.elu(_bn(u_new, fl['gamma_u'], fl['beta_u']))
    # residual=False (input_dim==output_dim but constructor default residual=False); dropout=0.0 -> identity
    return h_new, e_new, u_new


def reference(h, e, u, bond_src, bond_dst, atom_graph, bond_graph, snorm_n, snorm_e,
              WA, bA, WB, bB, WC, bC, WD, bD, WE, bE, WF, bF, WG, bG, WH, bH, WI, bI,
              gamma_h, beta_h, gamma_e, beta_e, gamma_u, beta_u):
    fl = {
        'h': h, 'e': e, 'u': u,
        'snorm_n': snorm_n, 'snorm_e': snorm_e,
        'WA': WA, 'bA': bA, 'WB': WB, 'bB': bB, 'WC': WC, 'bC': bC,
        'WD': WD, 'bD': bD, 'WE': WE, 'bE': bE, 'WF': WF, 'bF': bF,
        'WG': WG, 'bG': bG, 'WH': WH, 'bH': bH, 'WI': WI, 'bI': bI,
        'gamma_h': gamma_h, 'beta_h': beta_h,
        'gamma_e': gamma_e, 'beta_e': beta_e,
        'gamma_u': gamma_u, 'beta_u': beta_u,
    }
    return _forward(fl, bond_src, bond_dst, atom_graph, bond_graph)

if __name__ == "__main__":
    import jax
    _d = setup_inputs()
    print(jax.jit(kernel)(*tuple(_d.values())))

</pallas_src>

<mosaic_0001>
#map = affine_map<(d0, d1) -> (0, 0)>
#map1 = affine_map<(d0, d1) -> (0)>
module attributes {stable_mosaic.version = 14 : i64} {
  func.func @_sc_body(%arg0: i32, %arg1: i32, %arg2: memref<10000x128xf32, #tpu.memory_space<hbm>>, %arg3: memref<10000x128xf32, #tpu.memory_space<hbm>>, %arg4: memref<320000x64xf32, #tpu.memory_space<hbm>>, %arg5: memref<320000x64xf32, #tpu.memory_space<hbm>>, %arg6: memref<320000xi32, #tpu.memory_space<hbm>>, %arg7: memref<320000xi32, #tpu.memory_space<hbm>>, %arg8: memref<10000x128xf32, #tpu.memory_space<hbm>>, %arg9: memref<320000x64xf32, #tpu.memory_space<hbm>>, %arg10: memref<320000x64xf32, #tpu.memory_space<hbm>>, %arg11: memref<20000x128xf32, #tpu.memory_space<hbm>>, %arg12: memref<20000x128xf32, #tpu.memory_space<hbm>>, %arg13: memref<40xi32, #tpu.memory_space<vmem>>, %arg14: memref<40xi32, #tpu.memory_space<vmem>>, %arg15: memref<40xi32, #tpu.memory_space<vmem>>, %arg16: memref<40xi32, #tpu.memory_space<vmem>>, %arg17: memref<40x128xf32, #tpu.memory_space<vmem>>, %arg18: memref<40x128xf32, #tpu.memory_space<vmem>>, %arg19: memref<40x128xf32, #tpu.memory_space<vmem>>, %arg20: memref<40x128xf32, #tpu.memory_space<vmem>>, %arg21: memref<40x64xf32, #tpu.memory_space<vmem>>, %arg22: memref<40x64xf32, #tpu.memory_space<vmem>>, %arg23: memref<40x64xf32, #tpu.memory_space<vmem>>, %arg24: memref<40x128xf32, #tpu.memory_space<vmem>>, %arg25: memref<40x128xf32, #tpu.memory_space<vmem>>, %arg26: memref<10000x128xf32, #tpu.memory_space<vmem_shared>>, %arg27: memref<!tpu.dma_semaphore, #tpu.memory_space<semaphore_mem>>, %arg28: memref<!tpu.dma_semaphore, #tpu.memory_space<semaphore_mem>>, %arg29: memref<!tpu.dma_semaphore, #tpu.memory_space<semaphore_mem>>, %arg30: memref<!tpu.dma_semaphore, #tpu.memory_space<semaphore_mem>>, %arg31: memref<!tpu.dma_semaphore, #tpu.memory_space<semaphore_mem>>, %arg32: memref<!tpu.dma_semaphore, #tpu.memory_space<semaphore_mem>>, %arg33: memref<!tpu.dma_semaphore, #tpu.memory_space<semaphore_mem>>) attributes {dimension_semantics = [#tpu.dimension_semantics<core_parallel>, #tpu.dimension_semantics<subcore_parallel>], iteration_bounds = array<i64: 2, 16>, scalar_prefetch = 0 : i64, scratch_operands = 21 : i64, tpu.core_type = #tpu.core_type<sc_vector_subcore>, window_params = [{transform_indices = #map}, {transform_indices = #map}, {transform_indices = #map}, {transform_indices = #map}, {transform_indices = #map1}, {transform_indices = #map1}, {transform_indices = #map}, {transform_indices = #map}, {transform_indices = #map}, {transform_indices = #map}, {transform_indices = #map}]} {
    %mul3A = arith.constant 2 : i32
    %mul3A_0 = arith.muli %arg1, %mul3A : i32
    %add3A = arith.addi %mul3A_0, %arg0 : i32
    %mul3A_1 = arith.constant 10000 : i32
    %mul3A_2 = arith.muli %add3A, %mul3A_1 : i32
    %eq3A = arith.constant 0 : i32
    %eq3A_3 = arith.cmpi eq, %arg1, %eq3A : i32
    %convert_element_type3A = arith.extui %eq3A_3 : i1 to i32
    %cond3A = arith.constant 0 : i32
    %cond3A_4 = arith.cmpi ne, %convert_element_type3A, %cond3A : i32
    scf.if %cond3A_4 {
      "tpu.region"() ({
        %run_scoped3A = tpu.sem_alloc : memref<!tpu.dma_semaphore, #tpu.memory_space<semaphore_mem>>
        tpu.enqueue_dma source(%arg8 : memref<10000x128xf32, #tpu.memory_space<hbm>>) target(%arg26 : memref<10000x128xf32, #tpu.memory_space<vmem_shared>>) target_semaphore(%run_scoped3A : memref<!tpu.dma_semaphore, #tpu.memory_space<semaphore_mem>>)
        tpu.wait_dma2 semaphore(%run_scoped3A : memref<!tpu.dma_semaphore, #tpu.memory_space<semaphore_mem>>) src(%arg8 : memref<10000x128xf32, #tpu.memory_space<hbm>>) dst(%arg26 : memref<10000x128xf32, #tpu.memory_space<vmem_shared>>)
        tpu.yield
      }) : () -> ()
    } else {
    }
    %barrier3A = arith.constant 0 : index
    tpu.barrier barrier_id(%barrier3A)
    %add3A_5 = arith.constant 0 : i32
    %add3A_6 = arith.addi %mul3A_2, %add3A_5 : i32
    "tpu.region"() ({
      %run_scoped3A = tpu.sem_alloc : memref<!tpu.dma_semaphore, #tpu.memory_space<semaphore_mem>>
      %dma_start3A_98 = tpu.memref_slice %arg6[%add3A_6] : memref<320000xi32, #tpu.memory_space<hbm>> -> memref<40xi32, #tpu.memory_space<hbm>>
      %dma_start3A_99 = tpu.memref_slice %arg6[%add3A_6] : memref<320000xi32, #tpu.memory_space<hbm>> -> memref<40xi32, #tpu.memory_space<hbm>>
      tpu.enqueue_dma source(%dma_start3A_99 : memref<40xi32, #tpu.memory_space<hbm>>) target(%arg13 : memref<40xi32, #tpu.memory_space<vmem>>) target_semaphore(%run_scoped3A : memref<!tpu.dma_semaphore, #tpu.memory_space<semaphore_mem>>)
      %dma_wait3A_100 = tpu.memref_slice %arg6[%add3A_6] : memref<320000xi32, #tpu.memory_space<hbm>> -> memref<40xi32, #tpu.memory_space<hbm>>
      %dma_wait3A_101 = tpu.memref_slice %arg6[%add3A_6] : memref<320000xi32, #tpu.memory_space<hbm>> -> memref<40xi32, #tpu.memory_space<hbm>>
      tpu.wait_dma2 semaphore(%run_scoped3A : memref<!tpu.dma_semaphore, #tpu.memory_space<semaphore_mem>>) src(%dma_wait3A_101 : memref<40xi32, #tpu.memory_space<hbm>>) dst(%arg13 : memref<40xi32, #tpu.memory_space<vmem>>)
      tpu.yield
    }) : () -> ()
    "tpu.region"() ({
      %run_scoped3A = tpu.sem_alloc : memref<!tpu.dma_semaphore, #tpu.memory_space<semaphore_mem>>
      %dma_start3A_98 = tpu.memref_slice %arg7[%add3A_6] : memref<320000xi32, #tpu.memory_space<hbm>> -> memref<40xi32, #tpu.memory_space<hbm>>
      %dma_start3A_99 = tpu.memref_slice %arg7[%add3A_6] : memref<320000xi32, #tpu.memory_space<hbm>> -> memref<40xi32, #tpu.memory_space<hbm>>
      tpu.enqueue_dma source(%dma_start3A_99 : memref<40xi32, #tpu.memory_space<hbm>>) target(%arg14 : memref<40xi32, #tpu.memory_space<vmem>>) target_semaphore(%run_scoped3A : memref<!tpu.dma_semaphore, #tpu.memory_space<semaphore_mem>>)
      %dma_wait3A_100 = tpu.memref_slice %arg7[%add3A_6] : memref<320000xi32, #tpu.memory_space<hbm>> -> memref<40xi32, #tpu.memory_space<hbm>>
      %dma_wait3A_101 = tpu.memref_slice %arg7[%add3A_6] : memref<320000xi32, #tpu.memory_space<hbm>> -> memref<40xi32, #tpu.memory_space<hbm>>
      tpu.wait_dma2 semaphore(%run_scoped3A : memref<!tpu.dma_semaphore, #tpu.memory_space<semaphore_mem>>) src(%dma_wait3A_101 : memref<40xi32, #tpu.memory_space<hbm>>) dst(%arg14 : memref<40xi32, #tpu.memory_space<vmem>>)
      tpu.yield
    }) : () -> ()
    %add3A_7 = arith.constant 0 : i32
    %add3A_8 = arith.addi %mul3A_2, %add3A_7 : i32
    %dma_start3A = arith.constant 0 : i32
    %dma_start3A_9 = arith.constant 0 : i32
    %dma_start3A_10 = tpu.memref_slice %arg2[%dma_start3A, %dma_start3A_9] : memref<10000x128xf32, #tpu.memory_space<hbm>> -> memref<10000x128xf32, #tpu.memory_space<hbm>>
    tpu.enqueue_indirect_dma source(%dma_start3A_10 : memref<10000x128xf32, #tpu.memory_space<hbm>>) target(%arg17 : memref<40x128xf32, #tpu.memory_space<vmem>>) offsets(%arg13 : memref<40xi32, #tpu.memory_space<vmem>>) semaphore(%arg27 : memref<!tpu.dma_semaphore, #tpu.memory_space<semaphore_mem>>)
    %dma_start3A_11 = arith.constant 0 : i32
    %dma_start3A_12 = arith.constant 0 : i32
    %dma_start3A_13 = tpu.memref_slice %arg2[%dma_start3A_11, %dma_start3A_12] : memref<10000x128xf32, #tpu.memory_space<hbm>> -> memref<10000x128xf32, #tpu.memory_space<hbm>>
    tpu.enqueue_indirect_dma source(%dma_start3A_13 : memref<10000x128xf32, #tpu.memory_space<hbm>>) target(%arg18 : memref<40x128xf32, #tpu.memory_space<vmem>>) offsets(%arg14 : memref<40xi32, #tpu.memory_space<vmem>>) semaphore(%arg28 : memref<!tpu.dma_semaphore, #tpu.memory_space<semaphore_mem>>)
    %dma_start3A_14 = arith.constant 0 : i32
    %dma_start3A_15 = tpu.memref_slice %arg4[%add3A_8, %dma_start3A_14] : memref<320000x64xf32, #tpu.memory_space<hbm>> -> memref<40x64xf32, #tpu.memory_space<hbm>>
    %dma_start3A_16 = arith.constant 0 : i32
    %dma_start3A_17 = tpu.memref_slice %arg4[%add3A_8, %dma_start3A_16] : memref<320000x64xf32, #tpu.memory_space<hbm>> -> memref<40x64xf32, #tpu.memory_space<hbm>>
    tpu.enqueue_dma source(%dma_start3A_17 : memref<40x64xf32, #tpu.memory_space<hbm>>) target(%arg21 : memref<40x64xf32, #tpu.memory_space<vmem>>) target_semaphore(%arg29 : memref<!tpu.dma_semaphore, #tpu.memory_space<semaphore_mem>>)
    %scan3A = arith.constant 0 : i32
    %scan3A_18 = arith.constant 0 : i32
    %scan3A_19 = arith.constant 125 : i32
    %scan3A_20 = arith.addi %scan3A_18, %scan3A_19 : i32
    %scan3A_21 = arith.constant 1 : i32
    scf.for %scan3A_98 = %scan3A_18 to %scan3A_20 step %scan3A_21  : i32 {
      %mul3A_99 = arith.constant 2 : i32
      %mul3A_100 = arith.muli %mul3A_99, %scan3A_98 : i32
      %add3A_101 = arith.constant 0 : i32
      %add3A_102 = arith.addi %mul3A_100, %add3A_101 : i32
      %add3A_103 = arith.constant 1 : i32
      %add3A_104 = arith.addi %add3A_102, %add3A_103 : i32
      %min3A = arith.constant 249 : i32
      %min3A_105 = arith.minsi %add3A_104, %min3A : i32
      %mul3A_106 = arith.constant 40 : i32
      %mul3A_107 = arith.muli %min3A_105, %mul3A_106 : i32
      %add3A_108 = arith.addi %mul3A_2, %mul3A_107 : i32
      "tpu.region"() ({
        %run_scoped3A = tpu.sem_alloc : memref<!tpu.dma_semaphore, #tpu.memory_space<semaphore_mem>>
        %dma_start3A_206 = tpu.memref_slice %arg6[%add3A_108] : memref<320000xi32, #tpu.memory_space<hbm>> -> memref<40xi32, #tpu.memory_space<hbm>>
        %dma_start3A_207 = tpu.memref_slice %arg6[%add3A_108] : memref<320000xi32, #tpu.memory_space<hbm>> -> memref<40xi32, #tpu.memory_space<hbm>>
        tpu.enqueue_dma source(%dma_start3A_207 : memref<40xi32, #tpu.memory_space<hbm>>) target(%arg15 : memref<40xi32, #tpu.memory_space<vmem>>) target_semaphore(%run_scoped3A : memref<!tpu.dma_semaphore, #tpu.memory_space<semaphore_mem>>)
        %dma_wait3A_208 = tpu.memref_slice %arg6[%add3A_108] : memref<320000xi32, #tpu.memory_space<hbm>> -> memref<40xi32, #tpu.memory_space<hbm>>
        %dma_wait3A_209 = tpu.memref_slice %arg6[%add3A_108] : memref<320000xi32, #tpu.memory_space<hbm>> -> memref<40xi32, #tpu.memory_space<hbm>>
        tpu.wait_dma2 semaphore(%run_scoped3A : memref<!tpu.dma_semaphore, #tpu.memory_space<semaphore_mem>>) src(%dma_wait3A_209 : memref<40xi32, #tpu.memory_space<hbm>>) dst(%arg15 : memref<40xi32, #tpu.memory_space<vmem>>)
        tpu.yield
      }) : () -> ()
      "tpu.region"() ({
        %run_scoped3A = tpu.sem_alloc : memref<!tpu.dma_semaphore, #tpu.memory_space<semaphore_mem>>
        %dma_start3A_206 = tpu.memref_slice %arg7[%add3A_108] : memref<320000xi32, #tpu.memory_space<hbm>> -> memref<40xi32, #tpu.memory_space<hbm>>
        %dma_start3A_207 = tpu.memref_slice %arg7[%add3A_108] : memref<320000xi32, #tpu.memory_space<hbm>> -> memref<40xi32, #tpu.memory_space<hbm>>
        tpu.enqueue_dma source(%dma_start3A_207 : memref<40xi32, #tpu.memory_space<hbm>>) target(%arg16 : memref<40xi32, #tpu.memory_space<vmem>>) target_semaphore(%run_scoped3A : memref<!tpu.dma_semaphore, #tpu.memory_space<semaphore_mem>>)
        %dma_wait3A_208 = tpu.memref_slice %arg7[%add3A_108] : memref<320000xi32, #tpu.memory_space<hbm>> -> memref<40xi32, #tpu.memory_space<hbm>>
        %dma_wait3A_209 = tpu.memref_slice %arg7[%add3A_108] : memref<320000xi32, #tpu.memory_space<hbm>> -> memref<40xi32, #tpu.memory_space<hbm>>
        tpu.wait_dma2 semaphore(%run_scoped3A : memref<!tpu.dma_semaphore, #tpu.memory_space<semaphore_mem>>) src(%dma_wait3A_209 : memref<40xi32, #tpu.memory_space<hbm>>) dst(%arg16 : memref<40xi32, #tpu.memory_space<vmem>>)
        tpu.yield
      }) : () -> ()
      %mul3A_109 = arith.constant 40 : i32
      %mul3A_110 = arith.muli %min3A_105, %mul3A_109 : i32
      %add3A_111 = arith.addi %mul3A_2, %mul3A_110 : i32
      %dma_start3A_112 = arith.constant 0 : i32
      %dma_start3A_113 = arith.constant 0 : i32
      %dma_start3A_114 = tpu.memref_slice %arg2[%dma_start3A_112, %dma_start3A_113] : memref<10000x128xf32, #tpu.memory_space<hbm>> -> memref<10000x128xf32, #tpu.memory_space<hbm>>
      tpu.enqueue_indirect_dma source(%dma_start3A_114 : memref<10000x128xf32, #tpu.memory_space<hbm>>) target(%arg19 : memref<40x128xf32, #tpu.memory_space<vmem>>) offsets(%arg15 : memref<40xi32, #tpu.memory_space<vmem>>) semaphore(%arg30 : memref<!tpu.dma_semaphore, #tpu.memory_space<semaphore_mem>>)
      %dma_start3A_115 = arith.constant 0 : i32
      %dma_start3A_116 = arith.constant 0 : i32
      %dma_start3A_117 = tpu.memref_slice %arg2[%dma_start3A_115, %dma_start3A_116] : memref<10000x128xf32, #tpu.memory_space<hbm>> -> memref<10000x128xf32, #tpu.memory_space<hbm>>
      tpu.enqueue_indirect_dma source(%dma_start3A_117 : memref<10000x128xf32, #tpu.memory_space<hbm>>) target(%arg20 : memref<40x128xf32, #tpu.memory_space<vmem>>) offsets(%arg16 : memref<40xi32, #tpu.memory_space<vmem>>) semaphore(%arg31 : memref<!tpu.dma_semaphore, #tpu.memory_space<semaphore_mem>>)
      %dma_start3A_118 = arith.constant 0 : i32
      %dma_start3A_119 = tpu.memref_slice %arg4[%add3A_111, %dma_start3A_118] : memref<320000x64xf32, #tpu.memory_space<hbm>> -> memref<40x64xf32, #tpu.memory_space<hbm>>
      %dma_start3A_120 = arith.constant 0 : i32
      %dma_start3A_121 = tpu.memref_slice %arg4[%add3A_111, %dma_start3A_120] : memref<320000x64xf32, #tpu.memory_space<hbm>> -> memref<40x64xf32, #tpu.memory_space<hbm>>
      tpu.enqueue_dma source(%dma_start3A_121 : memref<40x64xf32, #tpu.memory_space<hbm>>) target(%arg22 : memref<40x64xf32, #tpu.memory_space<vmem>>) target_semaphore(%arg32 : memref<!tpu.dma_semaphore, #tpu.memory_space<semaphore_mem>>)
      %dma_wait3A_122 = arith.constant 0 : i32
      %dma_wait3A_123 = arith.constant 0 : i32
      %dma_wait3A_124 = tpu.memref_slice %arg2[%dma_wait3A_122, %dma_wait3A_123] : memref<10000x128xf32, #tpu.memory_space<hbm>> -> memref<10000x128xf32, #tpu.memory_space<hbm>>
      tpu.wait_indirect_dma semaphore(%arg27 : memref<!tpu.dma_semaphore, #tpu.memory_space<semaphore_mem>>) src(%dma_wait3A_124 : memref<10000x128xf32, #tpu.memory_space<hbm>>) dst(%arg17 : memref<40x128xf32, #tpu.memory_space<vmem>>)
      %dma_wait3A_125 = arith.constant 0 : i32
      %dma_wait3A_126 = arith.constant 0 : i32
      %dma_wait3A_127 = tpu.memref_slice %arg2[%dma_wait3A_125, %dma_wait3A_126] : memref<10000x128xf32, #tpu.memory_space<hbm>> -> memref<10000x128xf32, #tpu.memory_space<hbm>>
      tpu.wait_indirect_dma semaphore(%arg28 : memref<!tpu.dma_semaphore, #tpu.memory_space<semaphore_mem>>) src(%dma_wait3A_127 : memref<10000x128xf32, #tpu.memory_space<hbm>>) dst(%arg18 : memref<40x128xf32, #tpu.memory_space<vmem>>)
      %dma_wait3A_128 = arith.constant 0 : i32
      %dma_wait3A_129 = arith.constant 0 : i32
      %dma_wait3A_130 = tpu.memref_slice %arg4[%dma_wait3A_128, %dma_wait3A_129] : memref<320000x64xf32, #tpu.memory_space<hbm>> -> memref<40x64xf32, #tpu.memory_space<hbm>>
      %dma_wait3A_131 = arith.constant 0 : i32
      %dma_wait3A_132 = arith.constant 0 : i32
      %dma_wait3A_133 = tpu.memref_slice %arg4[%dma_wait3A_131, %dma_wait3A_132] : memref<320000x64xf32, #tpu.memory_space<hbm>> -> memref<40x64xf32, #tpu.memory_space<hbm>>
      tpu.wait_dma2 semaphore(%arg29 : memref<!tpu.dma_semaphore, #tpu.memory_space<semaphore_mem>>) src(%dma_wait3A_133 : memref<40x64xf32, #tpu.memory_space<hbm>>) dst(%arg21 : memref<40x64xf32, #tpu.memory_space<vmem>>)
      %gt3A = arith.constant 0 : i32
      %gt3A_134 = arith.cmpi sgt, %scan3A_98, %gt3A : i32
      %convert_element_type3A_135 = arith.extui %gt3A_134 : i1 to i32
      %cond3A_136 = arith.constant 0 : i32
      %cond3A_137 = arith.cmpi ne, %convert_element_type3A_135, %cond3A_136 : i32
      scf.if %cond3A_137 {
        %dma_wait3A_206 = arith.constant 0 : i32
        %dma_wait3A_207 = arith.constant 0 : i32
        %dma_wait3A_208 = tpu.memref_slice %arg9[%dma_wait3A_206, %dma_wait3A_207] : memref<320000x64xf32, #tpu.memory_space<hbm>> -> memref<40x64xf32, #tpu.memory_space<hbm>>
        %dma_wait3A_209 = arith.constant 0 : i32
        %dma_wait3A_210 = arith.constant 0 : i32
        %dma_wait3A_211 = tpu.memref_slice %arg9[%dma_wait3A_209, %dma_wait3A_210] : memref<320000x64xf32, #tpu.memory_space<hbm>> -> memref<40x64xf32, #tpu.memory_space<hbm>>
        tpu.wait_dma2 semaphore(%arg33 : memref<!tpu.dma_semaphore, #tpu.memory_space<semaphore_mem>>) src(%arg23 : memref<40x64xf32, #tpu.memory_space<vmem>>) dst(%dma_wait3A_211 : memref<40x64xf32, #tpu.memory_space<hbm>>)
      } else {
      }
      %scan3A_138 = arith.constant 0 : i32
      %scan3A_139 = arith.constant 0 : i32
      %scan3A_140 = arith.constant 40 : i32
      %scan3A_141 = arith.addi %scan3A_139, %scan3A_140 : i32
      %scan3A_142 = arith.constant 1 : i32
      scf.for %scan3A_206 = %scan3A_139 to %scan3A_141 step %scan3A_142  : i32 {
        %scan3A_207 = arith.constant 0 : i32
        %scan3A_208 = arith.constant 4 : i32
        %scan3A_209 = arith.addi %scan3A_207, %scan3A_208 : i32
        %scan3A_210 = arith.constant 1 : i32
        scf.for %scan3A_212 = %scan3A_207 to %scan3A_209 step %scan3A_210  : i32 {
          %mul3A_213 = arith.constant 16 : i32
          %mul3A_214 = arith.muli %scan3A_212, %mul3A_213 : i32
          %mul3A_215 = arith.constant 16 : i32
          %mul3A_216 = arith.muli %scan3A_212, %mul3A_215 : i32
          %add3A_217 = arith.constant 64 : i32
          %add3A_218 = arith.addi %add3A_217, %mul3A_216 : i32
          %get3A = arith.index_cast %scan3A_206 : i32 to index
          %get3A_219 = arith.index_cast %mul3A_214 : i32 to index
          %get3A_220 = tpu.vector_load %arg17[%get3A, %get3A_219] {strides = array<i32>} : memref<40x128xf32, #tpu.memory_space<vmem>>, vector<1x16xf32>,
          %get3A_221 = vector.shape_cast %get3A_220 : vector<1x16xf32> to vector<16xf32>
          %get3A_222 = arith.index_cast %scan3A_206 : i32 to index
          %get3A_223 = arith.index_cast %mul3A_214 : i32 to index
          %get3A_224 = tpu.vector_load %arg18[%get3A_222, %get3A_223] {strides = array<i32>} : memref<40x128xf32, #tpu.memory_space<vmem>>, vector<1x16xf32>,
          %get3A_225 = vector.shape_cast %get3A_224 : vector<1x16xf32> to vector<16xf32>
          %add3A_226 = arith.addf %get3A_221, %get3A_225 : vector<16xf32>
          %get3A_227 = arith.index_cast %scan3A_206 : i32 to index
          %get3A_228 = arith.index_cast %mul3A_214 : i32 to index
          %get3A_229 = tpu.vector_load %arg21[%get3A_227, %get3A_228] {strides = array<i32>} : memref<40x64xf32, #tpu.memory_space<vmem>>, vector<1x16xf32>,
          %get3A_230 = vector.shape_cast %get3A_229 : vector<1x16xf32> to vector<16xf32>
          %add3A_231 = arith.addf %add3A_226, %get3A_230 : vector<16xf32>
          %swap3A = arith.index_cast %scan3A_206 : i32 to index
          %swap3A_232 = arith.index_cast %mul3A_214 : i32 to index
          %swap3A_233 = tpu.vector_load %arg23[%swap3A, %swap3A_232] {strides = array<i32>} : memref<40x64xf32, #tpu.memory_space<vmem>>, vector<1x16xf32>,
          %swap3A_234 = vector.shape_cast %swap3A_233 : vector<1x16xf32> to vector<16xf32>
          %swap3A_235 = vector.shape_cast %add3A_231 : vector<16xf32> to vector<1x16xf32>
          tpu.vector_store %arg23[%swap3A, %swap3A_232], %swap3A_235 {strides = array<i32>} : memref<40x64xf32, #tpu.memory_space<vmem>>, vector<1x16xf32>,
          %neg3A = arith.constant 0.000000e+00 : f32
          %neg3A_236 = vector.broadcast %neg3A : f32 to vector<16xf32>
          %neg3A_237 = arith.subf %neg3A_236, %add3A_231 : vector<16xf32>
          %exp3A = math.exp %neg3A_237 : vector<16xf32>
          %add3A_238 = arith.constant 1.000000e+00 : f32
          %add3A_239 = vector.broadcast %add3A_238 : f32 to vector<16xf32>
          %add3A_240 = arith.addf %add3A_239, %exp3A : vector<16xf32>
          %div3A = arith.constant 1.000000e+00 : f32
          %div3A_241 = vector.broadcast %div3A : f32 to vector<16xf32>
          %div3A_242 = arith.divf %div3A_241, %add3A_240 : vector<16xf32>
          %get3A_243 = arith.index_cast %scan3A_206 : i32 to index
          %get3A_244 = arith.index_cast %add3A_218 : i32 to index
          %get3A_245 = tpu.vector_load %arg18[%get3A_243, %get3A_244] {strides = array<i32>} : memref<40x128xf32, #tpu.memory_space<vmem>>, vector<1x16xf32>,
          %get3A_246 = vector.shape_cast %get3A_245 : vector<1x16xf32> to vector<16xf32>
          %mul3A_247 = arith.mulf %div3A_242, %get3A_246 : vector<16xf32>
          %swap3A_248 = arith.index_cast %scan3A_206 : i32 to index
          %swap3A_249 = arith.index_cast %mul3A_214 : i32 to index
          %swap3A_250 = tpu.vector_load %arg24[%swap3A_248, %swap3A_249] {strides = array<i32>} : memref<40x128xf32, #tpu.memory_space<vmem>>, vector<1x16xf32>,
          %swap3A_251 = vector.shape_cast %swap3A_250 : vector<1x16xf32> to vector<16xf32>
          %swap3A_252 = vector.shape_cast %mul3A_247 : vector<16xf32> to vector<1x16xf32>
          tpu.vector_store %arg24[%swap3A_248, %swap3A_249], %swap3A_252 {strides = array<i32>} : memref<40x128xf32, #tpu.memory_space<vmem>>, vector<1x16xf32>,
          %get3A_253 = arith.index_cast %scan3A_206 : i32 to index
          %get3A_254 = arith.index_cast %add3A_218 : i32 to index
          %get3A_255 = tpu.vector_load %arg17[%get3A_253, %get3A_254] {strides = array<i32>} : memref<40x128xf32, #tpu.memory_space<vmem>>, vector<1x16xf32>,
          %get3A_256 = vector.shape_cast %get3A_255 : vector<1x16xf32> to vector<16xf32>
          %mul3A_257 = arith.mulf %div3A_242, %get3A_256 : vector<16xf32>
          %swap3A_258 = arith.index_cast %scan3A_206 : i32 to index
          %swap3A_259 = arith.index_cast %mul3A_214 : i32 to index
          %swap3A_260 = tpu.vector_load %arg25[%swap3A_258, %swap3A_259] {strides = array<i32>} : memref<40x128xf32, #tpu.memory_space<vmem>>, vector<1x16xf32>,
          %swap3A_261 = vector.shape_cast %swap3A_260 : vector<1x16xf32> to vector<16xf32>
          %swap3A_262 = vector.shape_cast %mul3A_257 : vector<16xf32> to vector<1x16xf32>
          tpu.vector_store %arg25[%swap3A_258, %swap3A_259], %swap3A_262 {strides = array<i32>} : memref<40x128xf32, #tpu.memory_space<vmem>>, vector<1x16xf32>,
          %swap3A_263 = arith.index_cast %scan3A_206 : i32 to index
          %swap3A_264 = arith.index_cast %add3A_218 : i32 to index
          %swap3A_265 = tpu.vector_load %arg24[%swap3A_263, %swap3A_264] {strides = array<i32>} : memref<40x128xf32, #tpu.memory_space<vmem>>, vector<1x16xf32>,
          %swap3A_266 = vector.shape_cast %swap3A_265 : vector<1x16xf32> to vector<16xf32>
          %swap3A_267 = vector.shape_cast %div3A_242 : vector<16xf32> to vector<1x16xf32>
          tpu.vector_store %arg24[%swap3A_263, %swap3A_264], %swap3A_267 {strides = array<i32>} : memref<40x128xf32, #tpu.memory_space<vmem>>, vector<1x16xf32>,
          %swap3A_268 = arith.index_cast %scan3A_206 : i32 to index
          %swap3A_269 = arith.index_cast %add3A_218 : i32 to index
          %swap3A_270 = tpu.vector_load %arg25[%swap3A_268, %swap3A_269] {strides = array<i32>} : memref<40x128xf32, #tpu.memory_space<vmem>>, vector<1x16xf32>,
          %swap3A_271 = vector.shape_cast %swap3A_270 : vector<1x16xf32> to vector<16xf32>
          %swap3A_272 = vector.shape_cast %div3A_242 : vector<16xf32> to vector<1x16xf32>
          tpu.vector_store %arg25[%swap3A_268, %swap3A_269], %swap3A_272 {strides = array<i32>} : memref<40x128xf32, #tpu.memory_space<vmem>>, vector<1x16xf32>,
        }
        %scan3A_211 = arith.constant 4 : i32
      }
      %scan3A_143 = arith.constant 40 : i32
      %mul3A_144 = arith.constant 40 : i32
      %mul3A_145 = arith.muli %add3A_102, %mul3A_144 : i32
      %add3A_146 = arith.addi %mul3A_2, %mul3A_145 : i32
      %dma_start3A_147 = arith.constant 0 : i32
      %dma_start3A_148 = tpu.memref_slice %arg9[%add3A_146, %dma_start3A_147] : memref<320000x64xf32, #tpu.memory_space<hbm>> -> memref<40x64xf32, #tpu.memory_space<hbm>>
      %dma_start3A_149 = arith.constant 0 : i32
      %dma_start3A_150 = tpu.memref_slice %arg9[%add3A_146, %dma_start3A_149] : memref<320000x64xf32, #tpu.memory_space<hbm>> -> memref<40x64xf32, #tpu.memory_space<hbm>>
      tpu.enqueue_dma source(%arg23 : memref<40x64xf32, #tpu.memory_space<vmem>>) target(%dma_start3A_150 : memref<40x64xf32, #tpu.memory_space<hbm>>) target_semaphore(%arg33 : memref<!tpu.dma_semaphore, #tpu.memory_space<semaphore_mem>>)
      "tpu.region"() ({
        %run_scoped3A = tpu.sem_alloc : memref<!tpu.dma_semaphore, #tpu.memory_space<semaphore_mem>>
        %dma_start3A_206 = arith.constant 0 : i32
        %dma_start3A_207 = arith.constant 0 : i32
        %dma_start3A_208 = tpu.memref_slice %arg26[%dma_start3A_206, %dma_start3A_207] : memref<10000x128xf32, #tpu.memory_space<vmem_shared>> -> memref<10000x128xf32, #tpu.memory_space<vmem_shared>>
        tpu.enqueue_indirect_dma source(%arg24 : memref<40x128xf32, #tpu.memory_space<vmem>>) target(%dma_start3A_208 : memref<10000x128xf32, #tpu.memory_space<vmem_shared>>) offsets(%arg13 : memref<40xi32, #tpu.memory_space<vmem>>) semaphore(%run_scoped3A : memref<!tpu.dma_semaphore, #tpu.memory_space<semaphore_mem>>) {add = true}
        %dma_wait3A_209 = arith.constant 0 : i32
        %dma_wait3A_210 = arith.constant 0 : i32
        %dma_wait3A_211 = tpu.memref_slice %arg26[%dma_wait3A_209, %dma_wait3A_210] : memref<10000x128xf32, #tpu.memory_space<vmem_shared>> -> memref<10000x128xf32, #tpu.memory_space<vmem_shared>>
        tpu.wait_indirect_dma semaphore(%run_scoped3A : memref<!tpu.dma_semaphore, #tpu.memory_space<semaphore_mem>>) src(%arg24 : memref<40x128xf32, #tpu.memory_space<vmem>>) dst(%dma_wait3A_211 : memref<10000x128xf32, #tpu.memory_space<vmem_shared>>)
        tpu.yield
      }) : () -> ()
      "tpu.region"() ({
        %run_scoped3A = tpu.sem_alloc : memref<!tpu.dma_semaphore, #tpu.memory_space<semaphore_mem>>
        %dma_start3A_206 = arith.constant 0 : i32
        %dma_start3A_207 = arith.constant 0 : i32
        %dma_start3A_208 = tpu.memref_slice %arg26[%dma_start3A_206, %dma_start3A_207] : memref<10000x128xf32, #tpu.memory_space<vmem_shared>> -> memref<10000x128xf32, #tpu.memory_space<vmem_shared>>
        tpu.enqueue_indirect_dma source(%arg25 : memref<40x128xf32, #tpu.memory_space<vmem>>) target(%dma_start3A_208 : memref<10000x128xf32, #tpu.memory_space<vmem_shared>>) offsets(%arg14 : memref<40xi32, #tpu.memory_space<vmem>>) semaphore(%run_scoped3A : memref<!tpu.dma_semaphore, #tpu.memory_space<semaphore_mem>>) {add = true}
        %dma_wait3A_209 = arith.constant 0 : i32
        %dma_wait3A_210 = arith.constant 0 : i32
        %dma_wait3A_211 = tpu.memref_slice %arg26[%dma_wait3A_209, %dma_wait3A_210] : memref<10000x128xf32, #tpu.memory_space<vmem_shared>> -> memref<10000x128xf32, #tpu.memory_space<vmem_shared>>
        tpu.wait_indirect_dma semaphore(%run_scoped3A : memref<!tpu.dma_semaphore, #tpu.memory_space<semaphore_mem>>) src(%arg25 : memref<40x128xf32, #tpu.memory_space<vmem>>) dst(%dma_wait3A_211 : memref<10000x128xf32, #tpu.memory_space<vmem_shared>>)
        tpu.yield
      }) : () -> ()
      %mul3A_151 = arith.constant 2 : i32
      %mul3A_152 = arith.muli %mul3A_151, %scan3A_98 : i32
      %add3A_153 = arith.constant 1 : i32
      %add3A_154 = arith.addi %mul3A_152, %add3A_153 : i32
      %add3A_155 = arith.constant 1 : i32
      %add3A_156 = arith.addi %add3A_154, %add3A_155 : i32
      %min3A_157 = arith.constant 249 : i32
      %min3A_158 = arith.minsi %add3A_156, %min3A_157 : i32
      %mul3A_159 = arith.constant 40 : i32
      %mul3A_160 = arith.muli %min3A_158, %mul3A_159 : i32
      %add3A_161 = arith.addi %mul3A_2, %mul3A_160 : i32
      "tpu.region"() ({
        %run_scoped3A = tpu.sem_alloc : memref<!tpu.dma_semaphore, #tpu.memory_space<semaphore_mem>>
        %dma_start3A_206 = tpu.memref_slice %arg6[%add3A_161] : memref<320000xi32, #tpu.memory_space<hbm>> -> memref<40xi32, #tpu.memory_space<hbm>>
        %dma_start3A_207 = tpu.memref_slice %arg6[%add3A_161] : memref<320000xi32, #tpu.memory_space<hbm>> -> memref<40xi32, #tpu.memory_space<hbm>>
        tpu.enqueue_dma source(%dma_start3A_207 : memref<40xi32, #tpu.memory_space<hbm>>) target(%arg13 : memref<40xi32, #tpu.memory_space<vmem>>) target_semaphore(%run_scoped3A : memref<!tpu.dma_semaphore, #tpu.memory_space<semaphore_mem>>)
        %dma_wait3A_208 = tpu.memref_slice %arg6[%add3A_161] : memref<320000xi32, #tpu.memory_space<hbm>> -> memref<40xi32, #tpu.memory_space<hbm>>
        %dma_wait3A_209 = tpu.memref_slice %arg6[%add3A_161] : memref<320000xi32, #tpu.memory_space<hbm>> -> memref<40xi32, #tpu.memory_space<hbm>>
        tpu.wait_dma2 semaphore(%run_scoped3A : memref<!tpu.dma_semaphore, #tpu.memory_space<semaphore_mem>>) src(%dma_wait3A_209 : memref<40xi32, #tpu.memory_space<hbm>>) dst(%arg13 : memref<40xi32, #tpu.memory_space<vmem>>)
        tpu.yield
      }) : () -> ()
      "tpu.region"() ({
        %run_scoped3A = tpu.sem_alloc : memref<!tpu.dma_semaphore, #tpu.memory_space<semaphore_mem>>
        %dma_start3A_206 = tpu.memref_slice %arg7[%add3A_161] : memref<320000xi32, #tpu.memory_space<hbm>> -> memref<40xi32, #tpu.memory_space<hbm>>
        %dma_start3A_207 = tpu.memref_slice %arg7[%add3A_161] : memref<320000xi32, #tpu.memory_space<hbm>> -> memref<40xi32, #tpu.memory_space<hbm>>
        tpu.enqueue_dma source(%dma_start3A_207 : memref<40xi32, #tpu.memory_space<hbm>>) target(%arg14 : memref<40xi32, #tpu.memory_space<vmem>>) target_semaphore(%run_scoped3A : memref<!tpu.dma_semaphore, #tpu.memory_space<semaphore_mem>>)
        %dma_wait3A_208 = tpu.memref_slice %arg7[%add3A_161] : memref<320000xi32, #tpu.memory_space<hbm>> -> memref<40xi32, #tpu.memory_space<hbm>>
        %dma_wait3A_209 = tpu.memref_slice %arg7[%add3A_161] : memref<320000xi32, #tpu.memory_space<hbm>> -> memref<40xi32, #tpu.memory_space<hbm>>
        tpu.wait_dma2 semaphore(%run_scoped3A : memref<!tpu.dma_semaphore, #tpu.memory_space<semaphore_mem>>) src(%dma_wait3A_209 : memref<40xi32, #tpu.memory_space<hbm>>) dst(%arg14 : memref<40xi32, #tpu.memory_space<vmem>>)
        tpu.yield
      }) : () -> ()
      %mul3A_162 = arith.constant 40 : i32
      %mul3A_163 = arith.muli %min3A_158, %mul3A_162 : i32
      %add3A_164 = arith.addi %mul3A_2, %mul3A_163 : i32
      %dma_start3A_165 = arith.constant 0 : i32
      %dma_start3A_166 = arith.constant 0 : i32
      %dma_start3A_167 = tpu.memref_slice %arg2[%dma_start3A_165, %dma_start3A_166] : memref<10000x128xf32, #tpu.memory_space<hbm>> -> memref<10000x128xf32, #tpu.memory_space<hbm>>
      tpu.enqueue_indirect_dma source(%dma_start3A_167 : memref<10000x128xf32, #tpu.memory_space<hbm>>) target(%arg17 : memref<40x128xf32, #tpu.memory_space<vmem>>) offsets(%arg13 : memref<40xi32, #tpu.memory_space<vmem>>) semaphore(%arg27 : memref<!tpu.dma_semaphore, #tpu.memory_space<semaphore_mem>>)
      %dma_start3A_168 = arith.constant 0 : i32
      %dma_start3A_169 = arith.constant 0 : i32
      %dma_start3A_170 = tpu.memref_slice %arg2[%dma_start3A_168, %dma_start3A_169] : memref<10000x128xf32, #tpu.memory_space<hbm>> -> memref<10000x128xf32, #tpu.memory_space<hbm>>
      tpu.enqueue_indirect_dma source(%dma_start3A_170 : memref<10000x128xf32, #tpu.memory_space<hbm>>) target(%arg18 : memref<40x128xf32, #tpu.memory_space<vmem>>) offsets(%arg14 : memref<40xi32, #tpu.memory_space<vmem>>) semaphore(%arg28 : memref<!tpu.dma_semaphore, #tpu.memory_space<semaphore_mem>>)
      %dma_start3A_171 = arith.constant 0 : i32
      %dma_start3A_172 = tpu.memref_slice %arg4[%add3A_164, %dma_start3A_171] : memref<320000x64xf32, #tpu.memory_space<hbm>> -> memref<40x64xf32, #tpu.memory_space<hbm>>
      %dma_start3A_173 = arith.constant 0 : i32
      %dma_start3A_174 = tpu.memref_slice %arg4[%add3A_164, %dma_start3A_173] : memref<320000x64xf32, #tpu.memory_space<hbm>> -> memref<40x64xf32, #tpu.memory_space<hbm>>
      tpu.enqueue_dma source(%dma_start3A_174 : memref<40x64xf32, #tpu.memory_space<hbm>>) target(%arg21 : memref<40x64xf32, #tpu.memory_space<vmem>>) target_semaphore(%arg29 : memref<!tpu.dma_semaphore, #tpu.memory_space<semaphore_mem>>)
      %dma_wait3A_175 = arith.constant 0 : i32
      %dma_wait3A_176 = arith.constant 0 : i32
      %dma_wait3A_177 = tpu.memref_slice %arg2[%dma_wait3A_175, %dma_wait3A_176] : memref<10000x128xf32, #tpu.memory_space<hbm>> -> memref<10000x128xf32, #tpu.memory_space<hbm>>
      tpu.wait_indirect_dma semaphore(%arg30 : memref<!tpu.dma_semaphore, #tpu.memory_space<semaphore_mem>>) src(%dma_wait3A_177 : memref<10000x128xf32, #tpu.memory_space<hbm>>) dst(%arg19 : memref<40x128xf32, #tpu.memory_space<vmem>>)
      %dma_wait3A_178 = arith.constant 0 : i32
      %dma_wait3A_179 = arith.constant 0 : i32
      %dma_wait3A_180 = tpu.memref_slice %arg2[%dma_wait3A_178, %dma_wait3A_179] : memref<10000x128xf32, #tpu.memory_space<hbm>> -> memref<10000x128xf32, #tpu.memory_space<hbm>>
      tpu.wait_indirect_dma semaphore(%arg31 : memref<!tpu.dma_semaphore, #tpu.memory_space<semaphore_mem>>) src(%dma_wait3A_180 : memref<10000x128xf32, #tpu.memory_space<hbm>>) dst(%arg20 : memref<40x128xf32, #tpu.memory_space<vmem>>)
      %dma_wait3A_181 = arith.constant 0 : i32
      %dma_wait3A_182 = arith.constant 0 : i32
      %dma_wait3A_183 = tpu.memref_slice %arg4[%dma_wait3A_181, %dma_wait3A_182] : memref<320000x64xf32, #tpu.memory_space<hbm>> -> memref<40x64xf32, #tpu.memory_space<hbm>>
      %dma_wait3A_184 = arith.constant 0 : i32
      %dma_wait3A_185 = arith.constant 0 : i32
      %dma_wait3A_186 = tpu.memref_slice %arg4[%dma_wait3A_184, %dma_wait3A_185] : memref<320000x64xf32, #tpu.memory_space<hbm>> -> memref<40x64xf32, #tpu.memory_space<hbm>>
      tpu.wait_dma2 semaphore(%arg32 : memref<!tpu.dma_semaphore, #tpu.memory_space<semaphore_mem>>) src(%dma_wait3A_186 : memref<40x64xf32, #tpu.memory_space<hbm>>) dst(%arg22 : memref<40x64xf32, #tpu.memory_space<vmem>>)
      %dma_wait3A_187 = arith.constant 0 : i32
      %dma_wait3A_188 = arith.constant 0 : i32
      %dma_wait3A_189 = tpu.memref_slice %arg9[%dma_wait3A_187, %dma_wait3A_188] : memref<320000x64xf32, #tpu.memory_space<hbm>> -> memref<40x64xf32, #tpu.memory_space<hbm>>
      %dma_wait3A_190 = arith.constant 0 : i32
      %dma_wait3A_191 = arith.constant 0 : i32
      %dma_wait3A_192 = tpu.memref_slice %arg9[%dma_wait3A_190, %dma_wait3A_191] : memref<320000x64xf32, #tpu.memory_space<hbm>> -> memref<40x64xf32, #tpu.memory_space<hbm>>
      tpu.wait_dma2 semaphore(%arg33 : memref<!tpu.dma_semaphore, #tpu.memory_space<semaphore_mem>>) src(%arg23 : memref<40x64xf32, #tpu.memory_space<vmem>>) dst(%dma_wait3A_192 : memref<40x64xf32, #tpu.memory_space<hbm>>)
      %scan3A_193 = arith.constant 0 : i32
      %scan3A_194 = arith.constant 0 : i32
      %scan3A_195 = arith.constant 40 : i32
      %scan3A_196 = arith.addi %scan3A_194, %scan3A_195 : i32
      %scan3A_197 = arith.constant 1 : i32
      scf.for %scan3A_206 = %scan3A_194 to %scan3A_196 step %scan3A_197  : i32 {
        %scan3A_207 = arith.constant 0 : i32
        %scan3A_208 = arith.constant 4 : i32
        %scan3A_209 = arith.addi %scan3A_207, %scan3A_208 : i32
        %scan3A_210 = arith.constant 1 : i32
        scf.for %scan3A_212 = %scan3A_207 to %scan3A_209 step %scan3A_210  : i32 {
          %mul3A_213 = arith.constant 16 : i32
          %mul3A_214 = arith.muli %scan3A_212, %mul3A_213 : i32
          %mul3A_215 = arith.constant 16 : i32
          %mul3A_216 = arith.muli %scan3A_212, %mul3A_215 : i32
          %add3A_217 = arith.constant 64 : i32
          %add3A_218 = arith.addi %add3A_217, %mul3A_216 : i32
          %get3A = arith.index_cast %scan3A_206 : i32 to index
          %get3A_219 = arith.index_cast %mul3A_214 : i32 to index
          %get3A_220 = tpu.vector_load %arg19[%get3A, %get3A_219] {strides = array<i32>} : memref<40x128xf32, #tpu.memory_space<vmem>>, vector<1x16xf32>,
          %get3A_221 = vector.shape_cast %get3A_220 : vector<1x16xf32> to vector<16xf32>
          %get3A_222 = arith.index_cast %scan3A_206 : i32 to index
          %get3A_223 = arith.index_cast %mul3A_214 : i32 to index
          %get3A_224 = tpu.vector_load %arg20[%get3A_222, %get3A_223] {strides = array<i32>} : memref<40x128xf32, #tpu.memory_space<vmem>>, vector<1x16xf32>,
          %get3A_225 = vector.shape_cast %get3A_224 : vector<1x16xf32> to vector<16xf32>
          %add3A_226 = arith.addf %get3A_221, %get3A_225 : vector<16xf32>
          %get3A_227 = arith.index_cast %scan3A_206 : i32 to index
          %get3A_228 = arith.index_cast %mul3A_214 : i32 to index
          %get3A_229 = tpu.vector_load %arg22[%get3A_227, %get3A_228] {strides = array<i32>} : memref<40x64xf32, #tpu.memory_space<vmem>>, vector<1x16xf32>,
          %get3A_230 = vector.shape_cast %get3A_229 : vector<1x16xf32> to vector<16xf32>
          %add3A_231 = arith.addf %add3A_226, %get3A_230 : vector<16xf32>
          %swap3A = arith.index_cast %scan3A_206 : i32 to index
          %swap3A_232 = arith.index_cast %mul3A_214 : i32 to index
          %swap3A_233 = tpu.vector_load %arg23[%swap3A, %swap3A_232] {strides = array<i32>} : memref<40x64xf32, #tpu.memory_space<vmem>>, vector<1x16xf32>,
          %swap3A_234 = vector.shape_cast %swap3A_233 : vector<1x16xf32> to vector<16xf32>
          %swap3A_235 = vector.shape_cast %add3A_231 : vector<16xf32> to vector<1x16xf32>
          tpu.vector_store %arg23[%swap3A, %swap3A_232], %swap3A_235 {strides = array<i32>} : memref<40x64xf32, #tpu.memory_space<vmem>>, vector<1x16xf32>,
          %neg3A = arith.constant 0.000000e+00 : f32
          %neg3A_236 = vector.broadcast %neg3A : f32 to vector<16xf32>
          %neg3A_237 = arith.subf %neg3A_236, %add3A_231 : vector<16xf32>
          %exp3A = math.exp %neg3A_237 : vector<16xf32>
          %add3A_238 = arith.constant 1.000000e+00 : f32
          %add3A_239 = vector.broadcast %add3A_238 : f32 to vector<16xf32>
          %add3A_240 = arith.addf %add3A_239, %exp3A : vector<16xf32>
          %div3A = arith.constant 1.000000e+00 : f32
          %div3A_241 = vector.broadcast %div3A : f32 to vector<16xf32>
          %div3A_242 = arith.divf %div3A_241, %add3A_240 : vector<16xf32>
          %get3A_243 = arith.index_cast %scan3A_206 : i32 to index
          %get3A_244 = arith.index_cast %add3A_218 : i32 to index
          %get3A_245 = tpu.vector_load %arg20[%get3A_243, %get3A_244] {strides = array<i32>} : memref<40x128xf32, #tpu.memory_space<vmem>>, vector<1x16xf32>,
          %get3A_246 = vector.shape_cast %get3A_245 : vector<1x16xf32> to vector<16xf32>
          %mul3A_247 = arith.mulf %div3A_242, %get3A_246 : vector<16xf32>
          %swap3A_248 = arith.index_cast %scan3A_206 : i32 to index
          %swap3A_249 = arith.index_cast %mul3A_214 : i32 to index
          %swap3A_250 = tpu.vector_load %arg24[%swap3A_248, %swap3A_249] {strides = array<i32>} : memref<40x128xf32, #tpu.memory_space<vmem>>, vector<1x16xf32>,
          %swap3A_251 = vector.shape_cast %swap3A_250 : vector<1x16xf32> to vector<16xf32>
          %swap3A_252 = vector.shape_cast %mul3A_247 : vector<16xf32> to vector<1x16xf32>
          tpu.vector_store %arg24[%swap3A_248, %swap3A_249], %swap3A_252 {strides = array<i32>} : memref<40x128xf32, #tpu.memory_space<vmem>>, vector<1x16xf32>,
          %get3A_253 = arith.index_cast %scan3A_206 : i32 to index
          %get3A_254 = arith.index_cast %add3A_218 : i32 to index
          %get3A_255 = tpu.vector_load %arg19[%get3A_253, %get3A_254] {strides = array<i32>} : memref<40x128xf32, #tpu.memory_space<vmem>>, vector<1x16xf32>,
          %get3A_256 = vector.shape_cast %get3A_255 : vector<1x16xf32> to vector<16xf32>
          %mul3A_257 = arith.mulf %div3A_242, %get3A_256 : vector<16xf32>
          %swap3A_258 = arith.index_cast %scan3A_206 : i32 to index
          %swap3A_259 = arith.index_cast %mul3A_214 : i32 to index
          %swap3A_260 = tpu.vector_load %arg25[%swap3A_258, %swap3A_259] {strides = array<i32>} : memref<40x128xf32, #tpu.memory_space<vmem>>, vector<1x16xf32>,
          %swap3A_261 = vector.shape_cast %swap3A_260 : vector<1x16xf32> to vector<16xf32>
          %swap3A_262 = vector.shape_cast %mul3A_257 : vector<16xf32> to vector<1x16xf32>
          tpu.vector_store %arg25[%swap3A_258, %swap3A_259], %swap3A_262 {strides = array<i32>} : memref<40x128xf32, #tpu.memory_space<vmem>>, vector<1x16xf32>,
          %swap3A_263 = arith.index_cast %scan3A_206 : i32 to index
          %swap3A_264 = arith.index_cast %add3A_218 : i32 to index
          %swap3A_265 = tpu.vector_load %arg24[%swap3A_263, %swap3A_264] {strides = array<i32>} : memref<40x128xf32, #tpu.memory_space<vmem>>, vector<1x16xf32>,
          %swap3A_266 = vector.shape_cast %swap3A_265 : vector<1x16xf32> to vector<16xf32>
          %swap3A_267 = vector.shape_cast %div3A_242 : vector<16xf32> to vector<1x16xf32>
          tpu.vector_store %arg24[%swap3A_263, %swap3A_264], %swap3A_267 {strides = array<i32>} : memref<40x128xf32, #tpu.memory_space<vmem>>, vector<1x16xf32>,
          %swap3A_268 = arith.index_cast %scan3A_206 : i32 to index
          %swap3A_269 = arith.index_cast %add3A_218 : i32 to index
          %swap3A_270 = tpu.vector_load %arg25[%swap3A_268, %swap3A_269] {strides = array<i32>} : memref<40x128xf32, #tpu.memory_space<vmem>>, vector<1x16xf32>,
          %swap3A_271 = vector.shape_cast %swap3A_270 : vector<1x16xf32> to vector<16xf32>
          %swap3A_272 = vector.shape_cast %div3A_242 : vector<16xf32> to vector<1x16xf32>
          tpu.vector_store %arg25[%swap3A_268, %swap3A_269], %swap3A_272 {strides = array<i32>} : memref<40x128xf32, #tpu.memory_space<vmem>>, vector<1x16xf32>,
        }
        %scan3A_211 = arith.constant 4 : i32
      }
      %scan3A_198 = arith.constant 40 : i32
      %mul3A_199 = arith.constant 40 : i32
      %mul3A_200 = arith.muli %add3A_154, %mul3A_199 : i32
      %add3A_201 = arith.addi %mul3A_2, %mul3A_200 : i32
      %dma_start3A_202 = arith.constant 0 : i32
      %dma_start3A_203 = tpu.memref_slice %arg9[%add3A_201, %dma_start3A_202] : memref<320000x64xf32, #tpu.memory_space<hbm>> -> memref<40x64xf32, #tpu.memory_space<hbm>>
      %dma_start3A_204 = arith.constant 0 : i32
      %dma_start3A_205 = tpu.memref_slice %arg9[%add3A_201, %dma_start3A_204] : memref<320000x64xf32, #tpu.memory_space<hbm>> -> memref<40x64xf32, #tpu.memory_space<hbm>>
      tpu.enqueue_dma source(%arg23 : memref<40x64xf32, #tpu.memory_space<vmem>>) target(%dma_start3A_205 : memref<40x64xf32, #tpu.memory_space<hbm>>) target_semaphore(%arg33 : memref<!tpu.dma_semaphore, #tpu.memory_space<semaphore_mem>>)
      "tpu.region"() ({
        %run_scoped3A = tpu.sem_alloc : memref<!tpu.dma_semaphore, #tpu.memory_space<semaphore_mem>>
        %dma_start3A_206 = arith.constant 0 : i32
        %dma_start3A_207 = arith.constant 0 : i32
        %dma_start3A_208 = tpu.memref_slice %arg26[%dma_start3A_206, %dma_start3A_207] : memref<10000x128xf32, #tpu.memory_space<vmem_shared>> -> memref<10000x128xf32, #tpu.memory_space<vmem_shared>>
        tpu.enqueue_indirect_dma source(%arg24 : memref<40x128xf32, #tpu.memory_space<vmem>>) target(%dma_start3A_208 : memref<10000x128xf32, #tpu.memory_space<vmem_shared>>) offsets(%arg15 : memref<40xi32, #tpu.memory_space<vmem>>) semaphore(%run_scoped3A : memref<!tpu.dma_semaphore, #tpu.memory_space<semaphore_mem>>) {add = true}
        %dma_wait3A_209 = arith.constant 0 : i32
        %dma_wait3A_210 = arith.constant 0 : i32
        %dma_wait3A_211 = tpu.memref_slice %arg26[%dma_wait3A_209, %dma_wait3A_210] : memref<10000x128xf32, #tpu.memory_space<vmem_shared>> -> memref<10000x128xf32, #tpu.memory_space<vmem_shared>>
        tpu.wait_indirect_dma semaphore(%run_scoped3A : memref<!tpu.dma_semaphore, #tpu.memory_space<semaphore_mem>>) src(%arg24 : memref<40x128xf32, #tpu.memory_space<vmem>>) dst(%dma_wait3A_211 : memref<10000x128xf32, #tpu.memory_space<vmem_shared>>)
        tpu.yield
      }) : () -> ()
      "tpu.region"() ({
        %run_scoped3A = tpu.sem_alloc : memref<!tpu.dma_semaphore, #tpu.memory_space<semaphore_mem>>
        %dma_start3A_206 = arith.constant 0 : i32
        %dma_start3A_207 = arith.constant 0 : i32
        %dma_start3A_208 = tpu.memref_slice %arg26[%dma_start3A_206, %dma_start3A_207] : memref<10000x128xf32, #tpu.memory_space<vmem_shared>> -> memref<10000x128xf32, #tpu.memory_space<vmem_shared>>
        tpu.enqueue_indirect_dma source(%arg25 : memref<40x128xf32, #tpu.memory_space<vmem>>) target(%dma_start3A_208 : memref<10000x128xf32, #tpu.memory_space<vmem_shared>>) offsets(%arg16 : memref<40xi32, #tpu.memory_space<vmem>>) semaphore(%run_scoped3A : memref<!tpu.dma_semaphore, #tpu.memory_space<semaphore_mem>>) {add = true}
        %dma_wait3A_209 = arith.constant 0 : i32
        %dma_wait3A_210 = arith.constant 0 : i32
        %dma_wait3A_211 = tpu.memref_slice %arg26[%dma_wait3A_209, %dma_wait3A_210] : memref<10000x128xf32, #tpu.memory_space<vmem_shared>> -> memref<10000x128xf32, #tpu.memory_space<vmem_shared>>
        tpu.wait_indirect_dma semaphore(%run_scoped3A : memref<!tpu.dma_semaphore, #tpu.memory_space<semaphore_mem>>) src(%arg25 : memref<40x128xf32, #tpu.memory_space<vmem>>) dst(%dma_wait3A_211 : memref<10000x128xf32, #tpu.memory_space<vmem_shared>>)
        tpu.yield
      }) : () -> ()
    }
    %scan3A_22 = arith.constant 125 : i32
    %dma_wait3A = arith.constant 0 : i32
    %dma_wait3A_23 = arith.constant 0 : i32
    %dma_wait3A_24 = tpu.memref_slice %arg2[%dma_wait3A, %dma_wait3A_23] : memref<10000x128xf32, #tpu.memory_space<hbm>> -> memref<10000x128xf32, #tpu.memory_space<hbm>>
    tpu.wait_indirect_dma semaphore(%arg27 : memref<!tpu.dma_semaphore, #tpu.memory_space<semaphore_mem>>) src(%dma_wait3A_24 : memref<10000x128xf32, #tpu.memory_space<hbm>>) dst(%arg17 : memref<40x128xf32, #tpu.memory_space<vmem>>)
    %dma_wait3A_25 = arith.constant 0 : i32
    %dma_wait3A_26 = arith.constant 0 : i32
    %dma_wait3A_27 = tpu.memref_slice %arg2[%dma_wait3A_25, %dma_wait3A_26] : memref<10000x128xf32, #tpu.memory_space<hbm>> -> memref<10000x128xf32, #tpu.memory_space<hbm>>
    tpu.wait_indirect_dma semaphore(%arg28 : memref<!tpu.dma_semaphore, #tpu.memory_space<semaphore_mem>>) src(%dma_wait3A_27 : memref<10000x128xf32, #tpu.memory_space<hbm>>) dst(%arg18 : memref<40x128xf32, #tpu.memory_space<vmem>>)
    %dma_wait3A_28 = arith.constant 0 : i32
    %dma_wait3A_29 = arith.constant 0 : i32
    %dma_wait3A_30 = tpu.memref_slice %arg4[%dma_wait3A_28, %dma_wait3A_29] : memref<320000x64xf32, #tpu.memory_space<hbm>> -> memref<40x64xf32, #tpu.memory_space<hbm>>
    %dma_wait3A_31 = arith.constant 0 : i32
    %dma_wait3A_32 = arith.constant 0 : i32
    %dma_wait3A_33 = tpu.memref_slice %arg4[%dma_wait3A_31, %dma_wait3A_32] : memref<320000x64xf32, #tpu.memory_space<hbm>> -> memref<40x64xf32, #tpu.memory_space<hbm>>
    tpu.wait_dma2 semaphore(%arg29 : memref<!tpu.dma_semaphore, #tpu.memory_space<semaphore_mem>>) src(%dma_wait3A_33 : memref<40x64xf32, #tpu.memory_space<hbm>>) dst(%arg21 : memref<40x64xf32, #tpu.memory_space<vmem>>)
    %dma_wait3A_34 = arith.constant 0 : i32
    %dma_wait3A_35 = arith.constant 0 : i32
    %dma_wait3A_36 = tpu.memref_slice %arg9[%dma_wait3A_34, %dma_wait3A_35] : memref<320000x64xf32, #tpu.memory_space<hbm>> -> memref<40x64xf32, #tpu.memory_space<hbm>>
    %dma_wait3A_37 = arith.constant 0 : i32
    %dma_wait3A_38 = arith.constant 0 : i32
    %dma_wait3A_39 = tpu.memref_slice %arg9[%dma_wait3A_37, %dma_wait3A_38] : memref<320000x64xf32, #tpu.memory_space<hbm>> -> memref<40x64xf32, #tpu.memory_space<hbm>>
    tpu.wait_dma2 semaphore(%arg33 : memref<!tpu.dma_semaphore, #tpu.memory_space<semaphore_mem>>) src(%arg23 : memref<40x64xf32, #tpu.memory_space<vmem>>) dst(%dma_wait3A_39 : memref<40x64xf32, #tpu.memory_space<hbm>>)
    %barrier3A_40 = arith.constant 0 : index
    tpu.barrier barrier_id(%barrier3A_40)
    %eq3A_41 = arith.constant 0 : i32
    %eq3A_42 = arith.cmpi eq, %arg1, %eq3A_41 : i32
    %convert_element_type3A_43 = arith.extui %eq3A_42 : i1 to i32
    %cond3A_44 = arith.constant 0 : i32
    %cond3A_45 = arith.cmpi ne, %convert_element_type3A_43, %cond3A_44 : i32
    scf.if %cond3A_45 {
      %mul3A_98 = arith.constant 10000 : i32
      %mul3A_99 = arith.muli %arg0, %mul3A_98 : i32
      "tpu.region"() ({
        %run_scoped3A = tpu.sem_alloc : memref<!tpu.dma_semaphore, #tpu.memory_space<semaphore_mem>>
        %dma_start3A_100 = arith.constant 0 : i32
        %dma_start3A_101 = tpu.memref_slice %arg11[%mul3A_99, %dma_start3A_100] : memref<20000x128xf32, #tpu.memory_space<hbm>> -> memref<10000x128xf32, #tpu.memory_space<hbm>>
        tpu.enqueue_dma source(%arg26 : memref<10000x128xf32, #tpu.memory_space<vmem_shared>>) target(%dma_start3A_101 : memref<10000x128xf32, #tpu.memory_space<hbm>>) target_semaphore(%run_scoped3A : memref<!tpu.dma_semaphore, #tpu.memory_space<semaphore_mem>>)
        %dma_wait3A_102 = arith.constant 0 : i32
        %dma_wait3A_103 = tpu.memref_slice %arg11[%mul3A_99, %dma_wait3A_102] : memref<20000x128xf32, #tpu.memory_space<hbm>> -> memref<10000x128xf32, #tpu.memory_space<hbm>>
        tpu.wait_dma2 semaphore(%run_scoped3A : memref<!tpu.dma_semaphore, #tpu.memory_space<semaphore_mem>>) src(%arg26 : memref<10000x128xf32, #tpu.memory_space<vmem_shared>>) dst(%dma_wait3A_103 : memref<10000x128xf32, #tpu.memory_space<hbm>>)
        tpu.yield
      }) : () -> ()
    } else {
    }
    %barrier3A_46 = arith.constant 0 : index
    tpu.barrier barrier_id(%barrier3A_46)
    %eq3A_47 = arith.constant 0 : i32
    %eq3A_48 = arith.cmpi eq, %arg1, %eq3A_47 : i32
    %convert_element_type3A_49 = arith.extui %eq3A_48 : i1 to i32
    %cond3A_50 = arith.constant 0 : i32
    %cond3A_51 = arith.cmpi ne, %convert_element_type3A_49, %cond3A_50 : i32
    scf.if %cond3A_51 {
      "tpu.region"() ({
        %run_scoped3A = tpu.sem_alloc : memref<!tpu.dma_semaphore, #tpu.memory_space<semaphore_mem>>
        tpu.enqueue_dma source(%arg8 : memref<10000x128xf32, #tpu.memory_space<hbm>>) target(%arg26 : memref<10000x128xf32, #tpu.memory_space<vmem_shared>>) target_semaphore(%run_scoped3A : memref<!tpu.dma_semaphore, #tpu.memory_space<semaphore_mem>>)
        tpu.wait_dma2 semaphore(%run_scoped3A : memref<!tpu.dma_semaphore, #tpu.memory_space<semaphore_mem>>) src(%arg8 : memref<10000x128xf32, #tpu.memory_space<hbm>>) dst(%arg26 : memref<10000x128xf32, #tpu.memory_space<vmem_shared>>)
        tpu.yield
      }) : () -> ()
    } else {
    }
    %barrier3A_52 = arith.constant 0 : index
    tpu.barrier barrier_id(%barrier3A_52)
    %add3A_53 = arith.constant 0 : i32
    %add3A_54 = arith.addi %mul3A_2, %add3A_53 : i32
    "tpu.region"() ({
      %run_scoped3A = tpu.sem_alloc : memref<!tpu.dma_semaphore, #tpu.memory_space<semaphore_mem>>
      %dma_start3A_98 = tpu.memref_slice %arg6[%add3A_54] : memref<320000xi32, #tpu.memory_space<hbm>> -> memref<40xi32, #tpu.memory_space<hbm>>
      %dma_start3A_99 = tpu.memref_slice %arg6[%add3A_54] : memref<320000xi32, #tpu.memory_space<hbm>> -> memref<40xi32, #tpu.memory_space<hbm>>
      tpu.enqueue_dma source(%dma_start3A_99 : memref<40xi32, #tpu.memory_space<hbm>>) target(%arg13 : memref<40xi32, #tpu.memory_space<vmem>>) target_semaphore(%run_scoped3A : memref<!tpu.dma_semaphore, #tpu.memory_space<semaphore_mem>>)
      %dma_wait3A_100 = tpu.memref_slice %arg6[%add3A_54] : memref<320000xi32, #tpu.memory_space<hbm>> -> memref<40xi32, #tpu.memory_space<hbm>>
      %dma_wait3A_101 = tpu.memref_slice %arg6[%add3A_54] : memref<320000xi32, #tpu.memory_space<hbm>> -> memref<40xi32, #tpu.memory_space<hbm>>
      tpu.wait_dma2 semaphore(%run_scoped3A : memref<!tpu.dma_semaphore, #tpu.memory_space<semaphore_mem>>) src(%dma_wait3A_101 : memref<40xi32, #tpu.memory_space<hbm>>) dst(%arg13 : memref<40xi32, #tpu.memory_space<vmem>>)
      tpu.yield
    }) : () -> ()
    "tpu.region"() ({
      %run_scoped3A = tpu.sem_alloc : memref<!tpu.dma_semaphore, #tpu.memory_space<semaphore_mem>>
      %dma_start3A_98 = tpu.memref_slice %arg7[%add3A_54] : memref<320000xi32, #tpu.memory_space<hbm>> -> memref<40xi32, #tpu.memory_space<hbm>>
      %dma_start3A_99 = tpu.memref_slice %arg7[%add3A_54] : memref<320000xi32, #tpu.memory_space<hbm>> -> memref<40xi32, #tpu.memory_space<hbm>>
      tpu.enqueue_dma source(%dma_start3A_99 : memref<40xi32, #tpu.memory_space<hbm>>) target(%arg14 : memref<40xi32, #tpu.memory_space<vmem>>) target_semaphore(%run_scoped3A : memref<!tpu.dma_semaphore, #tpu.memory_space<semaphore_mem>>)
      %dma_wait3A_100 = tpu.memref_slice %arg7[%add3A_54] : memref<320000xi32, #tpu.memory_space<hbm>> -> memref<40xi32, #tpu.memory_space<hbm>>
      %dma_wait3A_101 = tpu.memref_slice %arg7[%add3A_54] : memref<320000xi32, #tpu.memory_space<hbm>> -> memref<40xi32, #tpu.memory_space<hbm>>
      tpu.wait_dma2 semaphore(%run_scoped3A : memref<!tpu.dma_semaphore, #tpu.memory_space<semaphore_mem>>) src(%dma_wait3A_101 : memref<40xi32, #tpu.memory_space<hbm>>) dst(%arg14 : memref<40xi32, #tpu.memory_space<vmem>>)
      tpu.yield
    }) : () -> ()
    %add3A_55 = arith.constant 0 : i32
    %add3A_56 = arith.addi %mul3A_2, %add3A_55 : i32
    %dma_start3A_57 = arith.constant 0 : i32
    %dma_start3A_58 = arith.constant 0 : i32
    %dma_start3A_59 = tpu.memref_slice %arg3[%dma_start3A_57, %dma_start3A_58] : memref<10000x128xf32, #tpu.memory_space<hbm>> -> memref<10000x128xf32, #tpu.memory_space<hbm>>
    tpu.enqueue_indirect_dma source(%dma_start3A_59 : memref<10000x128xf32, #tpu.memory_space<hbm>>) target(%arg17 : memref<40x128xf32, #tpu.memory_space<vmem>>) offsets(%arg13 : memref<40xi32, #tpu.memory_space<vmem>>) semaphore(%arg27 : memref<!tpu.dma_semaphore, #tpu.memory_space<semaphore_mem>>)
    %dma_start3A_60 = arith.constant 0 : i32
    %dma_start3A_61 = arith.constant 0 : i32
    %dma_start3A_62 = tpu.memref_slice %arg3[%dma_start3A_60, %dma_start3A_61] : memref<10000x128xf32, #tpu.memory_space<hbm>> -> memref<10000x128xf32, #tpu.memory_space<hbm>>
    tpu.enqueue_indirect_dma source(%dma_start3A_62 : memref<10000x128xf32, #tpu.memory_space<hbm>>) target(%arg18 : memref<40x128xf32, #tpu.memory_space<vmem>>) offsets(%arg14 : memref<40xi32, #tpu.memory_space<vmem>>) semaphore(%arg28 : memref<!tpu.dma_semaphore, #tpu.memory_space<semaphore_mem>>)
    %dma_start3A_63 = arith.constant 0 : i32
    %dma_start3A_64 = tpu.memref_slice %arg5[%add3A_56, %dma_start3A_63] : memref<320000x64xf32, #tpu.memory_space<hbm>> -> memref<40x64xf32, #tpu.memory_space<hbm>>
    %dma_start3A_65 = arith.constant 0 : i32
    %dma_start3A_66 = tpu.memref_slice %arg5[%add3A_56, %dma_start3A_65] : memref<320000x64xf32, #tpu.memory_space<hbm>> -> memref<40x64xf32, #tpu.memory_space<hbm>>
    tpu.enqueue_dma source(%dma_start3A_66 : memref<40x64xf32, #tpu.memory_space<hbm>>) target(%arg21 : memref<40x64xf32, #tpu.memory_space<vmem>>) target_semaphore(%arg29 : memref<!tpu.dma_semaphore, #tpu.memory_space<semaphore_mem>>)
    %scan3A_67 = arith.constant 0 : i32
    %scan3A_68 = arith.constant 0 : i32
    %scan3A_69 = arith.constant 125 : i32
    %scan3A_70 = arith.addi %scan3A_68, %scan3A_69 : i32
    %scan3A_71 = arith.constant 1 : i32
    scf.for %scan3A_98 = %scan3A_68 to %scan3A_70 step %scan3A_71  : i32 {
      %mul3A_99 = arith.constant 2 : i32
      %mul3A_100 = arith.muli %mul3A_99, %scan3A_98 : i32
      %add3A_101 = arith.constant 0 : i32
      %add3A_102 = arith.addi %mul3A_100, %add3A_101 : i32
      %add3A_103 = arith.constant 1 : i32
      %add3A_104 = arith.addi %add3A_102, %add3A_103 : i32
      %min3A = arith.constant 249 : i32
      %min3A_105 = arith.minsi %add3A_104, %min3A : i32
      %mul3A_106 = arith.constant 40 : i32
      %mul3A_107 = arith.muli %min3A_105, %mul3A_106 : i32
      %add3A_108 = arith.addi %mul3A_2, %mul3A_107 : i32
      "tpu.region"() ({
        %run_scoped3A = tpu.sem_alloc : memref<!tpu.dma_semaphore, #tpu.memory_space<semaphore_mem>>
        %dma_start3A_206 = tpu.memref_slice %arg6[%add3A_108] : memref<320000xi32, #tpu.memory_space<hbm>> -> memref<40xi32, #tpu.memory_space<hbm>>
        %dma_start3A_207 = tpu.memref_slice %arg6[%add3A_108] : memref<320000xi32, #tpu.memory_space<hbm>> -> memref<40xi32, #tpu.memory_space<hbm>>
        tpu.enqueue_dma source(%dma_start3A_207 : memref<40xi32, #tpu.memory_space<hbm>>) target(%arg15 : memref<40xi32, #tpu.memory_space<vmem>>) target_semaphore(%run_scoped3A : memref<!tpu.dma_semaphore, #tpu.memory_space<semaphore_mem>>)
        %dma_wait3A_208 = tpu.memref_slice %arg6[%add3A_108] : memref<320000xi32, #tpu.memory_space<hbm>> -> memref<40xi32, #tpu.memory_space<hbm>>
        %dma_wait3A_209 = tpu.memref_slice %arg6[%add3A_108] : memref<320000xi32, #tpu.memory_space<hbm>> -> memref<40xi32, #tpu.memory_space<hbm>>
        tpu.wait_dma2 semaphore(%run_scoped3A : memref<!tpu.dma_semaphore, #tpu.memory_space<semaphore_mem>>) src(%dma_wait3A_209 : memref<40xi32, #tpu.memory_space<hbm>>) dst(%arg15 : memref<40xi32, #tpu.memory_space<vmem>>)
        tpu.yield
      }) : () -> ()
      "tpu.region"() ({
        %run_scoped3A = tpu.sem_alloc : memref<!tpu.dma_semaphore, #tpu.memory_space<semaphore_mem>>
        %dma_start3A_206 = tpu.memref_slice %arg7[%add3A_108] : memref<320000xi32, #tpu.memory_space<hbm>> -> memref<40xi32, #tpu.memory_space<hbm>>
        %dma_start3A_207 = tpu.memref_slice %arg7[%add3A_108] : memref<320000xi32, #tpu.memory_space<hbm>> -> memref<40xi32, #tpu.memory_space<hbm>>
        tpu.enqueue_dma source(%dma_start3A_207 : memref<40xi32, #tpu.memory_space<hbm>>) target(%arg16 : memref<40xi32, #tpu.memory_space<vmem>>) target_semaphore(%run_scoped3A : memref<!tpu.dma_semaphore, #tpu.memory_space<semaphore_mem>>)
        %dma_wait3A_208 = tpu.memref_slice %arg7[%add3A_108] : memref<320000xi32, #tpu.memory_space<hbm>> -> memref<40xi32, #tpu.memory_space<hbm>>
        %dma_wait3A_209 = tpu.memref_slice %arg7[%add3A_108] : memref<320000xi32, #tpu.memory_space<hbm>> -> memref<40xi32, #tpu.memory_space<hbm>>
        tpu.wait_dma2 semaphore(%run_scoped3A : memref<!tpu.dma_semaphore, #tpu.memory_space<semaphore_mem>>) src(%dma_wait3A_209 : memref<40xi32, #tpu.memory_space<hbm>>) dst(%arg16 : memref<40xi32, #tpu.memory_space<vmem>>)
        tpu.yield
      }) : () -> ()
      %mul3A_109 = arith.constant 40 : i32
      %mul3A_110 = arith.muli %min3A_105, %mul3A_109 : i32
      %add3A_111 = arith.addi %mul3A_2, %mul3A_110 : i32
      %dma_start3A_112 = arith.constant 0 : i32
      %dma_start3A_113 = arith.constant 0 : i32
      %dma_start3A_114 = tpu.memref_slice %arg3[%dma_start3A_112, %dma_start3A_113] : memref<10000x128xf32, #tpu.memory_space<hbm>> -> memref<10000x128xf32, #tpu.memory_space<hbm>>
      tpu.enqueue_indirect_dma source(%dma_start3A_114 : memref<10000x128xf32, #tpu.memory_space<hbm>>) target(%arg19 : memref<40x128xf32, #tpu.memory_space<vmem>>) offsets(%arg15 : memref<40xi32, #tpu.memory_space<vmem>>) semaphore(%arg30 : memref<!tpu.dma_semaphore, #tpu.memory_space<semaphore_mem>>)
      %dma_start3A_115 = arith.constant 0 : i32
      %dma_start3A_116 = arith.constant 0 : i32
      %dma_start3A_117 = tpu.memref_slice %arg3[%dma_start3A_115, %dma_start3A_116] : memref<10000x128xf32, #tpu.memory_space<hbm>> -> memref<10000x128xf32, #tpu.memory_space<hbm>>
      tpu.enqueue_indirect_dma source(%dma_start3A_117 : memref<10000x128xf32, #tpu.memory_space<hbm>>) target(%arg20 : memref<40x128xf32, #tpu.memory_space<vmem>>) offsets(%arg16 : memref<40xi32, #tpu.memory_space<vmem>>) semaphore(%arg31 : memref<!tpu.dma_semaphore, #tpu.memory_space<semaphore_mem>>)
      %dma_start3A_118 = arith.constant 0 : i32
      %dma_start3A_119 = tpu.memref_slice %arg5[%add3A_111, %dma_start3A_118] : memref<320000x64xf32, #tpu.memory_space<hbm>> -> memref<40x64xf32, #tpu.memory_space<hbm>>
      %dma_start3A_120 = arith.constant 0 : i32
      %dma_start3A_121 = tpu.memref_slice %arg5[%add3A_111, %dma_start3A_120] : memref<320000x64xf32, #tpu.memory_space<hbm>> -> memref<40x64xf32, #tpu.memory_space<hbm>>
      tpu.enqueue_dma source(%dma_start3A_121 : memref<40x64xf32, #tpu.memory_space<hbm>>) target(%arg22 : memref<40x64xf32, #tpu.memory_space<vmem>>) target_semaphore(%arg32 : memref<!tpu.dma_semaphore, #tpu.memory_space<semaphore_mem>>)
      %dma_wait3A_122 = arith.constant 0 : i32
      %dma_wait3A_123 = arith.constant 0 : i32
      %dma_wait3A_124 = tpu.memref_slice %arg3[%dma_wait3A_122, %dma_wait3A_123] : memref<10000x128xf32, #tpu.memory_space<hbm>> -> memref<10000x128xf32, #tpu.memory_space<hbm>>
      tpu.wait_indirect_dma semaphore(%arg27 : memref<!tpu.dma_semaphore, #tpu.memory_space<semaphore_mem>>) src(%dma_wait3A_124 : memref<10000x128xf32, #tpu.memory_space<hbm>>) dst(%arg17 : memref<40x128xf32, #tpu.memory_space<vmem>>)
      %dma_wait3A_125 = arith.constant 0 : i32
      %dma_wait3A_126 = arith.constant 0 : i32
      %dma_wait3A_127 = tpu.memref_slice %arg3[%dma_wait3A_125, %dma_wait3A_126] : memref<10000x128xf32, #tpu.memory_space<hbm>> -> memref<10000x128xf32, #tpu.memory_space<hbm>>
      tpu.wait_indirect_dma semaphore(%arg28 : memref<!tpu.dma_semaphore, #tpu.memory_space<semaphore_mem>>) src(%dma_wait3A_127 : memref<10000x128xf32, #tpu.memory_space<hbm>>) dst(%arg18 : memref<40x128xf32, #tpu.memory_space<vmem>>)
      %dma_wait3A_128 = arith.constant 0 : i32
      %dma_wait3A_129 = arith.constant 0 : i32
      %dma_wait3A_130 = tpu.memref_slice %arg5[%dma_wait3A_128, %dma_wait3A_129] : memref<320000x64xf32, #tpu.memory_space<hbm>> -> memref<40x64xf32, #tpu.memory_space<hbm>>
      %dma_wait3A_131 = arith.constant 0 : i32
      %dma_wait3A_132 = arith.constant 0 : i32
      %dma_wait3A_133 = tpu.memref_slice %arg5[%dma_wait3A_131, %dma_wait3A_132] : memref<320000x64xf32, #tpu.memory_space<hbm>> -> memref<40x64xf32, #tpu.memory_space<hbm>>
      tpu.wait_dma2 semaphore(%arg29 : memref<!tpu.dma_semaphore, #tpu.memory_space<semaphore_mem>>) src(%dma_wait3A_133 : memref<40x64xf32, #tpu.memory_space<hbm>>) dst(%arg21 : memref<40x64xf32, #tpu.memory_space<vmem>>)
      %gt3A = arith.constant 0 : i32
      %gt3A_134 = arith.cmpi sgt, %scan3A_98, %gt3A : i32
      %convert_element_type3A_135 = arith.extui %gt3A_134 : i1 to i32
      %cond3A_136 = arith.constant 0 : i32
      %cond3A_137 = arith.cmpi ne, %convert_element_type3A_135, %cond3A_136 : i32
      scf.if %cond3A_137 {
        %dma_wait3A_206 = arith.constant 0 : i32
        %dma_wait3A_207 = arith.constant 0 : i32
        %dma_wait3A_208 = tpu.memref_slice %arg10[%dma_wait3A_206, %dma_wait3A_207] : memref<320000x64xf32, #tpu.memory_space<hbm>> -> memref<40x64xf32, #tpu.memory_space<hbm>>
        %dma_wait3A_209 = arith.constant 0 : i32
        %dma_wait3A_210 = arith.constant 0 : i32
        %dma_wait3A_211 = tpu.memref_slice %arg10[%dma_wait3A_209, %dma_wait3A_210] : memref<320000x64xf32, #tpu.memory_space<hbm>> -> memref<40x64xf32, #tpu.memory_space<hbm>>
        tpu.wait_dma2 semaphore(%arg33 : memref<!tpu.dma_semaphore, #tpu.memory_space<semaphore_mem>>) src(%arg23 : memref<40x64xf32, #tpu.memory_space<vmem>>) dst(%dma_wait3A_211 : memref<40x64xf32, #tpu.memory_space<hbm>>)
      } else {
      }
      %scan3A_138 = arith.constant 0 : i32
      %scan3A_139 = arith.constant 0 : i32
      %scan3A_140 = arith.constant 40 : i32
      %scan3A_141 = arith.addi %scan3A_139, %scan3A_140 : i32
      %scan3A_142 = arith.constant 1 : i32
      scf.for %scan3A_206 = %scan3A_139 to %scan3A_141 step %scan3A_142  : i32 {
        %scan3A_207 = arith.constant 0 : i32
        %scan3A_208 = arith.constant 4 : i32
        %scan3A_209 = arith.addi %scan3A_207, %scan3A_208 : i32
        %scan3A_210 = arith.constant 1 : i32
        scf.for %scan3A_212 = %scan3A_207 to %scan3A_209 step %scan3A_210  : i32 {
          %mul3A_213 = arith.constant 16 : i32
          %mul3A_214 = arith.muli %scan3A_212, %mul3A_213 : i32
          %mul3A_215 = arith.constant 16 : i32
          %mul3A_216 = arith.muli %scan3A_212, %mul3A_215 : i32
          %add3A_217 = arith.constant 64 : i32
          %add3A_218 = arith.addi %add3A_217, %mul3A_216 : i32
          %get3A = arith.index_cast %scan3A_206 : i32 to index
          %get3A_219 = arith.index_cast %mul3A_214 : i32 to index
          %get3A_220 = tpu.vector_load %arg17[%get3A, %get3A_219] {strides = array<i32>} : memref<40x128xf32, #tpu.memory_space<vmem>>, vector<1x16xf32>,
          %get3A_221 = vector.shape_cast %get3A_220 : vector<1x16xf32> to vector<16xf32>
          %get3A_222 = arith.index_cast %scan3A_206 : i32 to index
          %get3A_223 = arith.index_cast %mul3A_214 : i32 to index
          %get3A_224 = tpu.vector_load %arg18[%get3A_222, %get3A_223] {strides = array<i32>} : memref<40x128xf32, #tpu.memory_space<vmem>>, vector<1x16xf32>,
          %get3A_225 = vector.shape_cast %get3A_224 : vector<1x16xf32> to vector<16xf32>
          %add3A_226 = arith.addf %get3A_221, %get3A_225 : vector<16xf32>
          %get3A_227 = arith.index_cast %scan3A_206 : i32 to index
          %get3A_228 = arith.index_cast %mul3A_214 : i32 to index
          %get3A_229 = tpu.vector_load %arg21[%get3A_227, %get3A_228] {strides = array<i32>} : memref<40x64xf32, #tpu.memory_space<vmem>>, vector<1x16xf32>,
          %get3A_230 = vector.shape_cast %get3A_229 : vector<1x16xf32> to vector<16xf32>
          %add3A_231 = arith.addf %add3A_226, %get3A_230 : vector<16xf32>
          %swap3A = arith.index_cast %scan3A_206 : i32 to index
          %swap3A_232 = arith.index_cast %mul3A_214 : i32 to index
          %swap3A_233 = tpu.vector_load %arg23[%swap3A, %swap3A_232] {strides = array<i32>} : memref<40x64xf32, #tpu.memory_space<vmem>>, vector<1x16xf32>,
          %swap3A_234 = vector.shape_cast %swap3A_233 : vector<1x16xf32> to vector<16xf32>
          %swap3A_235 = vector.shape_cast %add3A_231 : vector<16xf32> to vector<1x16xf32>
          tpu.vector_store %arg23[%swap3A, %swap3A_232], %swap3A_235 {strides = array<i32>} : memref<40x64xf32, #tpu.memory_space<vmem>>, vector<1x16xf32>,
          %neg3A = arith.constant 0.000000e+00 : f32
          %neg3A_236 = vector.broadcast %neg3A : f32 to vector<16xf32>
          %neg3A_237 = arith.subf %neg3A_236, %add3A_231 : vector<16xf32>
          %exp3A = math.exp %neg3A_237 : vector<16xf32>
          %add3A_238 = arith.constant 1.000000e+00 : f32
          %add3A_239 = vector.broadcast %add3A_238 : f32 to vector<16xf32>
          %add3A_240 = arith.addf %add3A_239, %exp3A : vector<16xf32>
          %div3A = arith.constant 1.000000e+00 : f32
          %div3A_241 = vector.broadcast %div3A : f32 to vector<16xf32>
          %div3A_242 = arith.divf %div3A_241, %add3A_240 : vector<16xf32>
          %get3A_243 = arith.index_cast %scan3A_206 : i32 to index
          %get3A_244 = arith.index_cast %add3A_218 : i32 to index
          %get3A_245 = tpu.vector_load %arg18[%get3A_243, %get3A_244] {strides = array<i32>} : memref<40x128xf32, #tpu.memory_space<vmem>>, vector<1x16xf32>,
          %get3A_246 = vector.shape_cast %get3A_245 : vector<1x16xf32> to vector<16xf32>
          %mul3A_247 = arith.mulf %div3A_242, %get3A_246 : vector<16xf32>
          %swap3A_248 = arith.index_cast %scan3A_206 : i32 to index
          %swap3A_249 = arith.index_cast %mul3A_214 : i32 to index
          %swap3A_250 = tpu.vector_load %arg24[%swap3A_248, %swap3A_249] {strides = array<i32>} : memref<40x128xf32, #tpu.memory_space<vmem>>, vector<1x16xf32>,
          %swap3A_251 = vector.shape_cast %swap3A_250 : vector<1x16xf32> to vector<16xf32>
          %swap3A_252 = vector.shape_cast %mul3A_247 : vector<16xf32> to vector<1x16xf32>
          tpu.vector_store %arg24[%swap3A_248, %swap3A_249], %swap3A_252 {strides = array<i32>} : memref<40x128xf32, #tpu.memory_space<vmem>>, vector<1x16xf32>,
          %get3A_253 = arith.index_cast %scan3A_206 : i32 to index
          %get3A_254 = arith.index_cast %add3A_218 : i32 to index
          %get3A_255 = tpu.vector_load %arg17[%get3A_253, %get3A_254] {strides = array<i32>} : memref<40x128xf32, #tpu.memory_space<vmem>>, vector<1x16xf32>,
          %get3A_256 = vector.shape_cast %get3A_255 : vector<1x16xf32> to vector<16xf32>
          %mul3A_257 = arith.mulf %div3A_242, %get3A_256 : vector<16xf32>
          %swap3A_258 = arith.index_cast %scan3A_206 : i32 to index
          %swap3A_259 = arith.index_cast %mul3A_214 : i32 to index
          %swap3A_260 = tpu.vector_load %arg25[%swap3A_258, %swap3A_259] {strides = array<i32>} : memref<40x128xf32, #tpu.memory_space<vmem>>, vector<1x16xf32>,
          %swap3A_261 = vector.shape_cast %swap3A_260 : vector<1x16xf32> to vector<16xf32>
          %swap3A_262 = vector.shape_cast %mul3A_257 : vector<16xf32> to vector<1x16xf32>
          tpu.vector_store %arg25[%swap3A_258, %swap3A_259], %swap3A_262 {strides = array<i32>} : memref<40x128xf32, #tpu.memory_space<vmem>>, vector<1x16xf32>,
          %swap3A_263 = arith.index_cast %scan3A_206 : i32 to index
          %swap3A_264 = arith.index_cast %add3A_218 : i32 to index
          %swap3A_265 = tpu.vector_load %arg24[%swap3A_263, %swap3A_264] {strides = array<i32>} : memref<40x128xf32, #tpu.memory_space<vmem>>, vector<1x16xf32>,
          %swap3A_266 = vector.shape_cast %swap3A_265 : vector<1x16xf32> to vector<16xf32>
          %swap3A_267 = vector.shape_cast %div3A_242 : vector<16xf32> to vector<1x16xf32>
          tpu.vector_store %arg24[%swap3A_263, %swap3A_264], %swap3A_267 {strides = array<i32>} : memref<40x128xf32, #tpu.memory_space<vmem>>, vector<1x16xf32>,
          %swap3A_268 = arith.index_cast %scan3A_206 : i32 to index
          %swap3A_269 = arith.index_cast %add3A_218 : i32 to index
          %swap3A_270 = tpu.vector_load %arg25[%swap3A_268, %swap3A_269] {strides = array<i32>} : memref<40x128xf32, #tpu.memory_space<vmem>>, vector<1x16xf32>,
          %swap3A_271 = vector.shape_cast %swap3A_270 : vector<1x16xf32> to vector<16xf32>
          %swap3A_272 = vector.shape_cast %div3A_242 : vector<16xf32> to vector<1x16xf32>
          tpu.vector_store %arg25[%swap3A_268, %swap3A_269], %swap3A_272 {strides = array<i32>} : memref<40x128xf32, #tpu.memory_space<vmem>>, vector<1x16xf32>,
        }
        %scan3A_211 = arith.constant 4 : i32
      }
      %scan3A_143 = arith.constant 40 : i32
      %mul3A_144 = arith.constant 40 : i32
      %mul3A_145 = arith.muli %add3A_102, %mul3A_144 : i32
      %add3A_146 = arith.addi %mul3A_2, %mul3A_145 : i32
      %dma_start3A_147 = arith.constant 0 : i32
      %dma_start3A_148 = tpu.memref_slice %arg10[%add3A_146, %dma_start3A_147] : memref<320000x64xf32, #tpu.memory_space<hbm>> -> memref<40x64xf32, #tpu.memory_space<hbm>>
      %dma_start3A_149 = arith.constant 0 : i32
      %dma_start3A_150 = tpu.memref_slice %arg10[%add3A_146, %dma_start3A_149] : memref<320000x64xf32, #tpu.memory_space<hbm>> -> memref<40x64xf32, #tpu.memory_space<hbm>>
      tpu.enqueue_dma source(%arg23 : memref<40x64xf32, #tpu.memory_space<vmem>>) target(%dma_start3A_150 : memref<40x64xf32, #tpu.memory_space<hbm>>) target_semaphore(%arg33 : memref<!tpu.dma_semaphore, #tpu.memory_space<semaphore_mem>>)
      "tpu.region"() ({
        %run_scoped3A = tpu.sem_alloc : memref<!tpu.dma_semaphore, #tpu.memory_space<semaphore_mem>>
        %dma_start3A_206 = arith.constant 0 : i32
        %dma_start3A_207 = arith.constant 0 : i32
        %dma_start3A_208 = tpu.memref_slice %arg26[%dma_start3A_206, %dma_start3A_207] : memref<10000x128xf32, #tpu.memory_space<vmem_shared>> -> memref<10000x128xf32, #tpu.memory_space<vmem_shared>>
        tpu.enqueue_indirect_dma source(%arg24 : memref<40x128xf32, #tpu.memory_space<vmem>>) target(%dma_start3A_208 : memref<10000x128xf32, #tpu.memory_space<vmem_shared>>) offsets(%arg13 : memref<40xi32, #tpu.memory_space<vmem>>) semaphore(%run_scoped3A : memref<!tpu.dma_semaphore, #tpu.memory_space<semaphore_mem>>) {add = true}
        %dma_wait3A_209 = arith.constant 0 : i32
        %dma_wait3A_210 = arith.constant 0 : i32
        %dma_wait3A_211 = tpu.memref_slice %arg26[%dma_wait3A_209, %dma_wait3A_210] : memref<10000x128xf32, #tpu.memory_space<vmem_shared>> -> memref<10000x128xf32, #tpu.memory_space<vmem_shared>>
        tpu.wait_indirect_dma semaphore(%run_scoped3A : memref<!tpu.dma_semaphore, #tpu.memory_space<semaphore_mem>>) src(%arg24 : memref<40x128xf32, #tpu.memory_space<vmem>>) dst(%dma_wait3A_211 : memref<10000x128xf32, #tpu.memory_space<vmem_shared>>)
        tpu.yield
      }) : () -> ()
      "tpu.region"() ({
        %run_scoped3A = tpu.sem_alloc : memref<!tpu.dma_semaphore, #tpu.memory_space<semaphore_mem>>
        %dma_start3A_206 = arith.constant 0 : i32
        %dma_start3A_207 = arith.constant 0 : i32
        %dma_start3A_208 = tpu.memref_slice %arg26[%dma_start3A_206, %dma_start3A_207] : memref<10000x128xf32, #tpu.memory_space<vmem_shared>> -> memref<10000x128xf32, #tpu.memory_space<vmem_shared>>
        tpu.enqueue_indirect_dma source(%arg25 : memref<40x128xf32, #tpu.memory_space<vmem>>) target(%dma_start3A_208 : memref<10000x128xf32, #tpu.memory_space<vmem_shared>>) offsets(%arg14 : memref<40xi32, #tpu.memory_space<vmem>>) semaphore(%run_scoped3A : memref<!tpu.dma_semaphore, #tpu.memory_space<semaphore_mem>>) {add = true}
        %dma_wait3A_209 = arith.constant 0 : i32
        %dma_wait3A_210 = arith.constant 0 : i32
        %dma_wait3A_211 = tpu.memref_slice %arg26[%dma_wait3A_209, %dma_wait3A_210] : memref<10000x128xf32, #tpu.memory_space<vmem_shared>> -> memref<10000x128xf32, #tpu.memory_space<vmem_shared>>
        tpu.wait_indirect_dma semaphore(%run_scoped3A : memref<!tpu.dma_semaphore, #tpu.memory_space<semaphore_mem>>) src(%arg25 : memref<40x128xf32, #tpu.memory_space<vmem>>) dst(%dma_wait3A_211 : memref<10000x128xf32, #tpu.memory_space<vmem_shared>>)
        tpu.yield
      }) : () -> ()
      %mul3A_151 = arith.constant 2 : i32
      %mul3A_152 = arith.muli %mul3A_151, %scan3A_98 : i32
      %add3A_153 = arith.constant 1 : i32
      %add3A_154 = arith.addi %mul3A_152, %add3A_153 : i32
      %add3A_155 = arith.constant 1 : i32
      %add3A_156 = arith.addi %add3A_154, %add3A_155 : i32
      %min3A_157 = arith.constant 249 : i32
      %min3A_158 = arith.minsi %add3A_156, %min3A_157 : i32
      %mul3A_159 = arith.constant 40 : i32
      %mul3A_160 = arith.muli %min3A_158, %mul3A_159 : i32
      %add3A_161 = arith.addi %mul3A_2, %mul3A_160 : i32
      "tpu.region"() ({
        %run_scoped3A = tpu.sem_alloc : memref<!tpu.dma_semaphore, #tpu.memory_space<semaphore_mem>>
        %dma_start3A_206 = tpu.memref_slice %arg6[%add3A_161] : memref<320000xi32, #tpu.memory_space<hbm>> -> memref<40xi32, #tpu.memory_space<hbm>>
        %dma_start3A_207 = tpu.memref_slice %arg6[%add3A_161] : memref<320000xi32, #tpu.memory_space<hbm>> -> memref<40xi32, #tpu.memory_space<hbm>>
        tpu.enqueue_dma source(%dma_start3A_207 : memref<40xi32, #tpu.memory_space<hbm>>) target(%arg13 : memref<40xi32, #tpu.memory_space<vmem>>) target_semaphore(%run_scoped3A : memref<!tpu.dma_semaphore, #tpu.memory_space<semaphore_mem>>)
        %dma_wait3A_208 = tpu.memref_slice %arg6[%add3A_161] : memref<320000xi32, #tpu.memory_space<hbm>> -> memref<40xi32, #tpu.memory_space<hbm>>
        %dma_wait3A_209 = tpu.memref_slice %arg6[%add3A_161] : memref<320000xi32, #tpu.memory_space<hbm>> -> memref<40xi32, #tpu.memory_space<hbm>>
        tpu.wait_dma2 semaphore(%run_scoped3A : memref<!tpu.dma_semaphore, #tpu.memory_space<semaphore_mem>>) src(%dma_wait3A_209 : memref<40xi32, #tpu.memory_space<hbm>>) dst(%arg13 : memref<40xi32, #tpu.memory_space<vmem>>)
        tpu.yield
      }) : () -> ()
      "tpu.region"() ({
        %run_scoped3A = tpu.sem_alloc : memref<!tpu.dma_semaphore, #tpu.memory_space<semaphore_mem>>
        %dma_start3A_206 = tpu.memref_slice %arg7[%add3A_161] : memref<320000xi32, #tpu.memory_space<hbm>> -> memref<40xi32, #tpu.memory_space<hbm>>
        %dma_start3A_207 = tpu.memref_slice %arg7[%add3A_161] : memref<320000xi32, #tpu.memory_space<hbm>> -> memref<40xi32, #tpu.memory_space<hbm>>
        tpu.enqueue_dma source(%dma_start3A_207 : memref<40xi32, #tpu.memory_space<hbm>>) target(%arg14 : memref<40xi32, #tpu.memory_space<vmem>>) target_semaphore(%run_scoped3A : memref<!tpu.dma_semaphore, #tpu.memory_space<semaphore_mem>>)
        %dma_wait3A_208 = tpu.memref_slice %arg7[%add3A_161] : memref<320000xi32, #tpu.memory_space<hbm>> -> memref<40xi32, #tpu.memory_space<hbm>>
        %dma_wait3A_209 = tpu.memref_slice %arg7[%add3A_161] : memref<320000xi32, #tpu.memory_space<hbm>> -> memref<40xi32, #tpu.memory_space<hbm>>
        tpu.wait_dma2 semaphore(%run_scoped3A : memref<!tpu.dma_semaphore, #tpu.memory_space<semaphore_mem>>) src(%dma_wait3A_209 : memref<40xi32, #tpu.memory_space<hbm>>) dst(%arg14 : memref<40xi32, #tpu.memory_space<vmem>>)
        tpu.yield
      }) : () -> ()
      %mul3A_162 = arith.constant 40 : i32
      %mul3A_163 = arith.muli %min3A_158, %mul3A_162 : i32
      %add3A_164 = arith.addi %mul3A_2, %mul3A_163 : i32
      %dma_start3A_165 = arith.constant 0 : i32
      %dma_start3A_166 = arith.constant 0 : i32
      %dma_start3A_167 = tpu.memref_slice %arg3[%dma_start3A_165, %dma_start3A_166] : memref<10000x128xf32, #tpu.memory_space<hbm>> -> memref<10000x128xf32, #tpu.memory_space<hbm>>
      tpu.enqueue_indirect_dma source(%dma_start3A_167 : memref<10000x128xf32, #tpu.memory_space<hbm>>) target(%arg17 : memref<40x128xf32, #tpu.memory_space<vmem>>) offsets(%arg13 : memref<40xi32, #tpu.memory_space<vmem>>) semaphore(%arg27 : memref<!tpu.dma_semaphore, #tpu.memory_space<semaphore_mem>>)
      %dma_start3A_168 = arith.constant 0 : i32
      %dma_start3A_169 = arith.constant 0 : i32
      %dma_start3A_170 = tpu.memref_slice %arg3[%dma_start3A_168, %dma_start3A_169] : memref<10000x128xf32, #tpu.memory_space<hbm>> -> memref<10000x128xf32, #tpu.memory_space<hbm>>
      tpu.enqueue_indirect_dma source(%dma_start3A_170 : memref<10000x128xf32, #tpu.memory_space<hbm>>) target(%arg18 : memref<40x128xf32, #tpu.memory_space<vmem>>) offsets(%arg14 : memref<40xi32, #tpu.memory_space<vmem>>) semaphore(%arg28 : memref<!tpu.dma_semaphore, #tpu.memory_space<semaphore_mem>>)
      %dma_start3A_171 = arith.constant 0 : i32
      %dma_start3A_172 = tpu.memref_slice %arg5[%add3A_164, %dma_start3A_171] : memref<320000x64xf32, #tpu.memory_space<hbm>> -> memref<40x64xf32, #tpu.memory_space<hbm>>
      %dma_start3A_173 = arith.constant 0 : i32
      %dma_start3A_174 = tpu.memref_slice %arg5[%add3A_164, %dma_start3A_173] : memref<320000x64xf32, #tpu.memory_space<hbm>> -> memref<40x64xf32, #tpu.memory_space<hbm>>
      tpu.enqueue_dma source(%dma_start3A_174 : memref<40x64xf32, #tpu.memory_space<hbm>>) target(%arg21 : memref<40x64xf32, #tpu.memory_space<vmem>>) target_semaphore(%arg29 : memref<!tpu.dma_semaphore, #tpu.memory_space<semaphore_mem>>)
      %dma_wait3A_175 = arith.constant 0 : i32
      %dma_wait3A_176 = arith.constant 0 : i32
      %dma_wait3A_177 = tpu.memref_slice %arg3[%dma_wait3A_175, %dma_wait3A_176] : memref<10000x128xf32, #tpu.memory_space<hbm>> -> memref<10000x128xf32, #tpu.memory_space<hbm>>
      tpu.wait_indirect_dma semaphore(%arg30 : memref<!tpu.dma_semaphore, #tpu.memory_space<semaphore_mem>>) src(%dma_wait3A_177 : memref<10000x128xf32, #tpu.memory_space<hbm>>) dst(%arg19 : memref<40x128xf32, #tpu.memory_space<vmem>>)
      %dma_wait3A_178 = arith.constant 0 : i32
      %dma_wait3A_179 = arith.constant 0 : i32
      %dma_wait3A_180 = tpu.memref_slice %arg3[%dma_wait3A_178, %dma_wait3A_179] : memref<10000x128xf32, #tpu.memory_space<hbm>> -> memref<10000x128xf32, #tpu.memory_space<hbm>>
      tpu.wait_indirect_dma semaphore(%arg31 : memref<!tpu.dma_semaphore, #tpu.memory_space<semaphore_mem>>) src(%dma_wait3A_180 : memref<10000x128xf32, #tpu.memory_space<hbm>>) dst(%arg20 : memref<40x128xf32, #tpu.memory_space<vmem>>)
      %dma_wait3A_181 = arith.constant 0 : i32
      %dma_wait3A_182 = arith.constant 0 : i32
      %dma_wait3A_183 = tpu.memref_slice %arg5[%dma_wait3A_181, %dma_wait3A_182] : memref<320000x64xf32, #tpu.memory_space<hbm>> -> memref<40x64xf32, #tpu.memory_space<hbm>>
      %dma_wait3A_184 = arith.constant 0 : i32
      %dma_wait3A_185 = arith.constant 0 : i32
      %dma_wait3A_186 = tpu.memref_slice %arg5[%dma_wait3A_184, %dma_wait3A_185] : memref<320000x64xf32, #tpu.memory_space<hbm>> -> memref<40x64xf32, #tpu.memory_space<hbm>>
      tpu.wait_dma2 semaphore(%arg32 : memref<!tpu.dma_semaphore, #tpu.memory_space<semaphore_mem>>) src(%dma_wait3A_186 : memref<40x64xf32, #tpu.memory_space<hbm>>) dst(%arg22 : memref<40x64xf32, #tpu.memory_space<vmem>>)
      %dma_wait3A_187 = arith.constant 0 : i32
      %dma_wait3A_188 = arith.constant 0 : i32
      %dma_wait3A_189 = tpu.memref_slice %arg10[%dma_wait3A_187, %dma_wait3A_188] : memref<320000x64xf32, #tpu.memory_space<hbm>> -> memref<40x64xf32, #tpu.memory_space<hbm>>
      %dma_wait3A_190 = arith.constant 0 : i32
      %dma_wait3A_191 = arith.constant 0 : i32
      %dma_wait3A_192 = tpu.memref_slice %arg10[%dma_wait3A_190, %dma_wait3A_191] : memref<320000x64xf32, #tpu.memory_space<hbm>> -> memref<40x64xf32, #tpu.memory_space<hbm>>
      tpu.wait_dma2 semaphore(%arg33 : memref<!tpu.dma_semaphore, #tpu.memory_space<semaphore_mem>>) src(%arg23 : memref<40x64xf32, #tpu.memory_space<vmem>>) dst(%dma_wait3A_192 : memref<40x64xf32, #tpu.memory_space<hbm>>)
      %scan3A_193 = arith.constant 0 : i32
      %scan3A_194 = arith.constant 0 : i32
      %scan3A_195 = arith.constant 40 : i32
      %scan3A_196 = arith.addi %scan3A_194, %scan3A_195 : i32
      %scan3A_197 = arith.constant 1 : i32
      scf.for %scan3A_206 = %scan3A_194 to %scan3A_196 step %scan3A_197  : i32 {
        %scan3A_207 = arith.constant 0 : i32
        %scan3A_208 = arith.constant 4 : i32
        %scan3A_209 = arith.addi %scan3A_207, %scan3A_208 : i32
        %scan3A_210 = arith.constant 1 : i32
        scf.for %scan3A_212 = %scan3A_207 to %scan3A_209 step %scan3A_210  : i32 {
          %mul3A_213 = arith.constant 16 : i32
          %mul3A_214 = arith.muli %scan3A_212, %mul3A_213 : i32
          %mul3A_215 = arith.constant 16 : i32
          %mul3A_216 = arith.muli %scan3A_212, %mul3A_215 : i32
          %add3A_217 = arith.constant 64 : i32
          %add3A_218 = arith.addi %add3A_217, %mul3A_216 : i32
          %get3A = arith.index_cast %scan3A_206 : i32 to index
          %get3A_219 = arith.index_cast %mul3A_214 : i32 to index
          %get3A_220 = tpu.vector_load %arg19[%get3A, %get3A_219] {strides = array<i32>} : memref<40x128xf32, #tpu.memory_space<vmem>>, vector<1x16xf32>,
          %get3A_221 = vector.shape_cast %get3A_220 : vector<1x16xf32> to vector<16xf32>
          %get3A_222 = arith.index_cast %scan3A_206 : i32 to index
          %get3A_223 = arith.index_cast %mul3A_214 : i32 to index
          %get3A_224 = tpu.vector_load %arg20[%get3A_222, %get3A_223] {strides = array<i32>} : memref<40x128xf32, #tpu.memory_space<vmem>>, vector<1x16xf32>,
          %get3A_225 = vector.shape_cast %get3A_224 : vector<1x16xf32> to vector<16xf32>
          %add3A_226 = arith.addf %get3A_221, %get3A_225 : vector<16xf32>
          %get3A_227 = arith.index_cast %scan3A_206 : i32 to index
          %get3A_228 = arith.index_cast %mul3A_214 : i32 to index
          %get3A_229 = tpu.vector_load %arg22[%get3A_227, %get3A_228] {strides = array<i32>} : memref<40x64xf32, #tpu.memory_space<vmem>>, vector<1x16xf32>,
          %get3A_230 = vector.shape_cast %get3A_229 : vector<1x16xf32> to vector<16xf32>
          %add3A_231 = arith.addf %add3A_226, %get3A_230 : vector<16xf32>
          %swap3A = arith.index_cast %scan3A_206 : i32 to index
          %swap3A_232 = arith.index_cast %mul3A_214 : i32 to index
          %swap3A_233 = tpu.vector_load %arg23[%swap3A, %swap3A_232] {strides = array<i32>} : memref<40x64xf32, #tpu.memory_space<vmem>>, vector<1x16xf32>,
          %swap3A_234 = vector.shape_cast %swap3A_233 : vector<1x16xf32> to vector<16xf32>
          %swap3A_235 = vector.shape_cast %add3A_231 : vector<16xf32> to vector<1x16xf32>
          tpu.vector_store %arg23[%swap3A, %swap3A_232], %swap3A_235 {strides = array<i32>} : memref<40x64xf32, #tpu.memory_space<vmem>>, vector<1x16xf32>,
          %neg3A = arith.constant 0.000000e+00 : f32
          %neg3A_236 = vector.broadcast %neg3A : f32 to vector<16xf32>
          %neg3A_237 = arith.subf %neg3A_236, %add3A_231 : vector<16xf32>
          %exp3A = math.exp %neg3A_237 : vector<16xf32>
          %add3A_238 = arith.constant 1.000000e+00 : f32
          %add3A_239 = vector.broadcast %add3A_238 : f32 to vector<16xf32>
          %add3A_240 = arith.addf %add3A_239, %exp3A : vector<16xf32>
          %div3A = arith.constant 1.000000e+00 : f32
          %div3A_241 = vector.broadcast %div3A : f32 to vector<16xf32>
          %div3A_242 = arith.divf %div3A_241, %add3A_240 : vector<16xf32>
          %get3A_243 = arith.index_cast %scan3A_206 : i32 to index
          %get3A_244 = arith.index_cast %add3A_218 : i32 to index
          %get3A_245 = tpu.vector_load %arg20[%get3A_243, %get3A_244] {strides = array<i32>} : memref<40x128xf32, #tpu.memory_space<vmem>>, vector<1x16xf32>,
          %get3A_246 = vector.shape_cast %get3A_245 : vector<1x16xf32> to vector<16xf32>
          %mul3A_247 = arith.mulf %div3A_242, %get3A_246 : vector<16xf32>
          %swap3A_248 = arith.index_cast %scan3A_206 : i32 to index
          %swap3A_249 = arith.index_cast %mul3A_214 : i32 to index
          %swap3A_250 = tpu.vector_load %arg24[%swap3A_248, %swap3A_249] {strides = array<i32>} : memref<40x128xf32, #tpu.memory_space<vmem>>, vector<1x16xf32>,
          %swap3A_251 = vector.shape_cast %swap3A_250 : vector<1x16xf32> to vector<16xf32>
          %swap3A_252 = vector.shape_cast %mul3A_247 : vector<16xf32> to vector<1x16xf32>
          tpu.vector_store %arg24[%swap3A_248, %swap3A_249], %swap3A_252 {strides = array<i32>} : memref<40x128xf32, #tpu.memory_space<vmem>>, vector<1x16xf32>,
          %get3A_253 = arith.index_cast %scan3A_206 : i32 to index
          %get3A_254 = arith.index_cast %add3A_218 : i32 to index
          %get3A_255 = tpu.vector_load %arg19[%get3A_253, %get3A_254] {strides = array<i32>} : memref<40x128xf32, #tpu.memory_space<vmem>>, vector<1x16xf32>,
          %get3A_256 = vector.shape_cast %get3A_255 : vector<1x16xf32> to vector<16xf32>
          %mul3A_257 = arith.mulf %div3A_242, %get3A_256 : vector<16xf32>
          %swap3A_258 = arith.index_cast %scan3A_206 : i32 to index
          %swap3A_259 = arith.index_cast %mul3A_214 : i32 to index
          %swap3A_260 = tpu.vector_load %arg25[%swap3A_258, %swap3A_259] {strides = array<i32>} : memref<40x128xf32, #tpu.memory_space<vmem>>, vector<1x16xf32>,
          %swap3A_261 = vector.shape_cast %swap3A_260 : vector<1x16xf32> to vector<16xf32>
          %swap3A_262 = vector.shape_cast %mul3A_257 : vector<16xf32> to vector<1x16xf32>
          tpu.vector_store %arg25[%swap3A_258, %swap3A_259], %swap3A_262 {strides = array<i32>} : memref<40x128xf32, #tpu.memory_space<vmem>>, vector<1x16xf32>,
          %swap3A_263 = arith.index_cast %scan3A_206 : i32 to index
          %swap3A_264 = arith.index_cast %add3A_218 : i32 to index
          %swap3A_265 = tpu.vector_load %arg24[%swap3A_263, %swap3A_264] {strides = array<i32>} : memref<40x128xf32, #tpu.memory_space<vmem>>, vector<1x16xf32>,
          %swap3A_266 = vector.shape_cast %swap3A_265 : vector<1x16xf32> to vector<16xf32>
          %swap3A_267 = vector.shape_cast %div3A_242 : vector<16xf32> to vector<1x16xf32>
          tpu.vector_store %arg24[%swap3A_263, %swap3A_264], %swap3A_267 {strides = array<i32>} : memref<40x128xf32, #tpu.memory_space<vmem>>, vector<1x16xf32>,
          %swap3A_268 = arith.index_cast %scan3A_206 : i32 to index
          %swap3A_269 = arith.index_cast %add3A_218 : i32 to index
          %swap3A_270 = tpu.vector_load %arg25[%swap3A_268, %swap3A_269] {strides = array<i32>} : memref<40x128xf32, #tpu.memory_space<vmem>>, vector<1x16xf32>,
          %swap3A_271 = vector.shape_cast %swap3A_270 : vector<1x16xf32> to vector<16xf32>
          %swap3A_272 = vector.shape_cast %div3A_242 : vector<16xf32> to vector<1x16xf32>
          tpu.vector_store %arg25[%swap3A_268, %swap3A_269], %swap3A_272 {strides = array<i32>} : memref<40x128xf32, #tpu.memory_space<vmem>>, vector<1x16xf32>,
        }
        %scan3A_211 = arith.constant 4 : i32
      }
      %scan3A_198 = arith.constant 40 : i32
      %mul3A_199 = arith.constant 40 : i32
      %mul3A_200 = arith.muli %add3A_154, %mul3A_199 : i32
      %add3A_201 = arith.addi %mul3A_2, %mul3A_200 : i32
      %dma_start3A_202 = arith.constant 0 : i32
      %dma_start3A_203 = tpu.memref_slice %arg10[%add3A_201, %dma_start3A_202] : memref<320000x64xf32, #tpu.memory_space<hbm>> -> memref<40x64xf32, #tpu.memory_space<hbm>>
      %dma_start3A_204 = arith.constant 0 : i32
      %dma_start3A_205 = tpu.memref_slice %arg10[%add3A_201, %dma_start3A_204] : memref<320000x64xf32, #tpu.memory_space<hbm>> -> memref<40x64xf32, #tpu.memory_space<hbm>>
      tpu.enqueue_dma source(%arg23 : memref<40x64xf32, #tpu.memory_space<vmem>>) target(%dma_start3A_205 : memref<40x64xf32, #tpu.memory_space<hbm>>) target_semaphore(%arg33 : memref<!tpu.dma_semaphore, #tpu.memory_space<semaphore_mem>>)
      "tpu.region"() ({
        %run_scoped3A = tpu.sem_alloc : memref<!tpu.dma_semaphore, #tpu.memory_space<semaphore_mem>>
        %dma_start3A_206 = arith.constant 0 : i32
        %dma_start3A_207 = arith.constant 0 : i32
        %dma_start3A_208 = tpu.memref_slice %arg26[%dma_start3A_206, %dma_start3A_207] : memref<10000x128xf32, #tpu.memory_space<vmem_shared>> -> memref<10000x128xf32, #tpu.memory_space<vmem_shared>>
        tpu.enqueue_indirect_dma source(%arg24 : memref<40x128xf32, #tpu.memory_space<vmem>>) target(%dma_start3A_208 : memref<10000x128xf32, #tpu.memory_space<vmem_shared>>) offsets(%arg15 : memref<40xi32, #tpu.memory_space<vmem>>) semaphore(%run_scoped3A : memref<!tpu.dma_semaphore, #tpu.memory_space<semaphore_mem>>) {add = true}
        %dma_wait3A_209 = arith.constant 0 : i32
        %dma_wait3A_210 = arith.constant 0 : i32
        %dma_wait3A_211 = tpu.memref_slice %arg26[%dma_wait3A_209, %dma_wait3A_210] : memref<10000x128xf32, #tpu.memory_space<vmem_shared>> -> memref<10000x128xf32, #tpu.memory_space<vmem_shared>>
        tpu.wait_indirect_dma semaphore(%run_scoped3A : memref<!tpu.dma_semaphore, #tpu.memory_space<semaphore_mem>>) src(%arg24 : memref<40x128xf32, #tpu.memory_space<vmem>>) dst(%dma_wait3A_211 : memref<10000x128xf32, #tpu.memory_space<vmem_shared>>)
        tpu.yield
      }) : () -> ()
      "tpu.region"() ({
        %run_scoped3A = tpu.sem_alloc : memref<!tpu.dma_semaphore, #tpu.memory_space<semaphore_mem>>
        %dma_start3A_206 = arith.constant 0 : i32
        %dma_start3A_207 = arith.constant 0 : i32
        %dma_start3A_208 = tpu.memref_slice %arg26[%dma_start3A_206, %dma_start3A_207] : memref<10000x128xf32, #tpu.memory_space<vmem_shared>> -> memref<10000x128xf32, #tpu.memory_space<vmem_shared>>
        tpu.enqueue_indirect_dma source(%arg25 : memref<40x128xf32, #tpu.memory_space<vmem>>) target(%dma_start3A_208 : memref<10000x128xf32, #tpu.memory_space<vmem_shared>>) offsets(%arg16 : memref<40xi32, #tpu.memory_space<vmem>>) semaphore(%run_scoped3A : memref<!tpu.dma_semaphore, #tpu.memory_space<semaphore_mem>>) {add = true}
        %dma_wait3A_209 = arith.constant 0 : i32
        %dma_wait3A_210 = arith.constant 0 : i32
        %dma_wait3A_211 = tpu.memref_slice %arg26[%dma_wait3A_209, %dma_wait3A_210] : memref<10000x128xf32, #tpu.memory_space<vmem_shared>> -> memref<10000x128xf32, #tpu.memory_space<vmem_shared>>
        tpu.wait_indirect_dma semaphore(%run_scoped3A : memref<!tpu.dma_semaphore, #tpu.memory_space<semaphore_mem>>) src(%arg25 : memref<40x128xf32, #tpu.memory_space<vmem>>) dst(%dma_wait3A_211 : memref<10000x128xf32, #tpu.memory_space<vmem_shared>>)
        tpu.yield
      }) : () -> ()
    }
    %scan3A_72 = arith.constant 125 : i32
    %dma_wait3A_73 = arith.constant 0 : i32
    %dma_wait3A_74 = arith.constant 0 : i32
    %dma_wait3A_75 = tpu.memref_slice %arg3[%dma_wait3A_73, %dma_wait3A_74] : memref<10000x128xf32, #tpu.memory_space<hbm>> -> memref<10000x128xf32, #tpu.memory_space<hbm>>
    tpu.wait_indirect_dma semaphore(%arg27 : memref<!tpu.dma_semaphore, #tpu.memory_space<semaphore_mem>>) src(%dma_wait3A_75 : memref<10000x128xf32, #tpu.memory_space<hbm>>) dst(%arg17 : memref<40x128xf32, #tpu.memory_space<vmem>>)
    %dma_wait3A_76 = arith.constant 0 : i32
    %dma_wait3A_77 = arith.constant 0 : i32
    %dma_wait3A_78 = tpu.memref_slice %arg3[%dma_wait3A_76, %dma_wait3A_77] : memref<10000x128xf32, #tpu.memory_space<hbm>> -> memref<10000x128xf32, #tpu.memory_space<hbm>>
    tpu.wait_indirect_dma semaphore(%arg28 : memref<!tpu.dma_semaphore, #tpu.memory_space<semaphore_mem>>) src(%dma_wait3A_78 : memref<10000x128xf32, #tpu.memory_space<hbm>>) dst(%arg18 : memref<40x128xf32, #tpu.memory_space<vmem>>)
    %dma_wait3A_79 = arith.constant 0 : i32
    %dma_wait3A_80 = arith.constant 0 : i32
    %dma_wait3A_81 = tpu.memref_slice %arg5[%dma_wait3A_79, %dma_wait3A_80] : memref<320000x64xf32, #tpu.memory_space<hbm>> -> memref<40x64xf32, #tpu.memory_space<hbm>>
    %dma_wait3A_82 = arith.constant 0 : i32
    %dma_wait3A_83 = arith.constant 0 : i32
    %dma_wait3A_84 = tpu.memref_slice %arg5[%dma_wait3A_82, %dma_wait3A_83] : memref<320000x64xf32, #tpu.memory_space<hbm>> -> memref<40x64xf32, #tpu.memory_space<hbm>>
    tpu.wait_dma2 semaphore(%arg29 : memref<!tpu.dma_semaphore, #tpu.memory_space<semaphore_mem>>) src(%dma_wait3A_84 : memref<40x64xf32, #tpu.memory_space<hbm>>) dst(%arg21 : memref<40x64xf32, #tpu.memory_space<vmem>>)
    %dma_wait3A_85 = arith.constant 0 : i32
    %dma_wait3A_86 = arith.constant 0 : i32
    %dma_wait3A_87 = tpu.memref_slice %arg10[%dma_wait3A_85, %dma_wait3A_86] : memref<320000x64xf32, #tpu.memory_space<hbm>> -> memref<40x64xf32, #tpu.memory_space<hbm>>
    %dma_wait3A_88 = arith.constant 0 : i32
    %dma_wait3A_89 = arith.constant 0 : i32
    %dma_wait3A_90 = tpu.memref_slice %arg10[%dma_wait3A_88, %dma_wait3A_89] : memref<320000x64xf32, #tpu.memory_space<hbm>> -> memref<40x64xf32, #tpu.memory_space<hbm>>
    tpu.wait_dma2 semaphore(%arg33 : memref<!tpu.dma_semaphore, #tpu.memory_space<semaphore_mem>>) src(%arg23 : memref<40x64xf32, #tpu.memory_space<vmem>>) dst(%dma_wait3A_90 : memref<40x64xf32, #tpu.memory_space<hbm>>)
    %barrier3A_91 = arith.constant 0 : index
    tpu.barrier barrier_id(%barrier3A_91)
    %eq3A_92 = arith.constant 0 : i32
    %eq3A_93 = arith.cmpi eq, %arg1, %eq3A_92 : i32
    %convert_element_type3A_94 = arith.extui %eq3A_93 : i1 to i32
    %cond3A_95 = arith.constant 0 : i32
    %cond3A_96 = arith.cmpi ne, %convert_element_type3A_94, %cond3A_95 : i32
    scf.if %cond3A_96 {
      %mul3A_98 = arith.constant 10000 : i32
      %mul3A_99 = arith.muli %arg0, %mul3A_98 : i32
      "tpu.region"() ({
        %run_scoped3A = tpu.sem_alloc : memref<!tpu.dma_semaphore, #tpu.memory_space<semaphore_mem>>
        %dma_start3A_100 = arith.constant 0 : i32
        %dma_start3A_101 = tpu.memref_slice %arg12[%mul3A_99, %dma_start3A_100] : memref<20000x128xf32, #tpu.memory_space<hbm>> -> memref<10000x128xf32, #tpu.memory_space<hbm>>
        tpu.enqueue_dma source(%arg26 : memref<10000x128xf32, #tpu.memory_space<vmem_shared>>) target(%dma_start3A_101 : memref<10000x128xf32, #tpu.memory_space<hbm>>) target_semaphore(%run_scoped3A : memref<!tpu.dma_semaphore, #tpu.memory_space<semaphore_mem>>)
        %dma_wait3A_102 = arith.constant 0 : i32
        %dma_wait3A_103 = tpu.memref_slice %arg12[%mul3A_99, %dma_wait3A_102] : memref<20000x128xf32, #tpu.memory_space<hbm>> -> memref<10000x128xf32, #tpu.memory_space<hbm>>
        tpu.wait_dma2 semaphore(%run_scoped3A : memref<!tpu.dma_semaphore, #tpu.memory_space<semaphore_mem>>) src(%arg26 : memref<10000x128xf32, #tpu.memory_space<vmem_shared>>) dst(%dma_wait3A_103 : memref<10000x128xf32, #tpu.memory_space<hbm>>)
        tpu.yield
      }) : () -> ()
    } else {
    }
    %barrier3A_97 = arith.constant 0 : index
    tpu.barrier barrier_id(%barrier3A_97)
    return
  }
}

module attributes {stable_mosaic.version = 14 : i64} {
  func.func @_k0_body(%arg0: memref<64x128xf32, #tpu.memory_space<vmem>>, %arg1: memref<128x256xf32, #tpu.memory_space<vmem>>, %arg2: memref<1x256xf32, #tpu.memory_space<vmem>>, %arg3: memref<64x256xf32, #tpu.memory_space<vmem>>) attributes {dimension_semantics = [], scalar_prefetch = 0 : i64, scratch_operands = 0 : i64, tpu.core_type = #tpu.core_type<tc>} {
    %get3A = arith.constant 0 : index
    %get3A_0 = arith.constant 0 : index
    %get3A_1 = vector.load %arg0[%get3A, %get3A_0] : memref<64x128xf32, #tpu.memory_space<vmem>>, vector<64x128xf32>
    %get3A_2 = arith.constant 0 : index
    %get3A_3 = arith.constant 0 : index
    %get3A_4 = vector.load %arg1[%get3A_2, %get3A_3] : memref<128x256xf32, #tpu.memory_space<vmem>>, vector<128x256xf32>
    %dot_general3A = arith.constant dense<0.000000e+00> : vector<64x256xf32>
    %dot_general3A_5 = tpu.matmul %get3A_1, %get3A_4, %dot_general3A {dimension_numbers = #tpu.dot_dimension_numbers<[1], [0], [0], [1], [0, 0, 1, 1], [], []>, transpose_lhs_hint = false} : vector<64x128xf32>, vector<128x256xf32>, vector<64x256xf32> -> vector<64x256xf32>
    %get3A_6 = arith.constant 0 : index
    %get3A_7 = arith.constant 0 : index
    %get3A_8 = vector.load %arg2[%get3A_6, %get3A_7] : memref<1x256xf32, #tpu.memory_space<vmem>>, vector<1x256xf32>
    %add3A = vector.broadcast %get3A_8 : vector<1x256xf32> to vector<64x256xf32>
    %add3A_9 = arith.addf %dot_general3A_5, %add3A : vector<64x256xf32>
    %swap3A = arith.constant 0 : index
    %swap3A_10 = arith.constant 0 : index
    %swap3A_11 = vector.load %arg3[%swap3A, %swap3A_10] : memref<64x256xf32, #tpu.memory_space<vmem>>, vector<64x256xf32>
    tpu.vector_store %arg3[%swap3A, %swap3A_10], %add3A_9 {strides = array<i32>} : memref<64x256xf32, #tpu.memory_space<vmem>>, vector<64x256xf32>,
    return
  }
}

module attributes {stable_mosaic.version = 14 : i64} {
  func.func @_k1_body(%arg0: i32, %arg1: memref<1000x128xf32, #tpu.memory_space<vmem>>, %arg2: memref<1000x1xi32, #tpu.memory_space<vmem>>, %arg3: memref<128x512xf32, #tpu.memory_space<vmem>>, %arg4: memref<1x512xf32, #tpu.memory_space<vmem>>, %arg5: memref<1000x128xf32, #tpu.memory_space<vmem>>, %arg6: memref<1000x128xf32, #tpu.memory_space<vmem>>, %arg7: memref<1000x128xf32, #tpu.memory_space<vmem>>, %arg8: memref<64x128xf32, #tpu.memory_space<vmem>>, %arg9: memref<64x128xf32, #tpu.memory_space<vmem>>) attributes {dimension_semantics = [#tpu.dimension_semantics<arbitrary>], iteration_bounds = array<i64: 10>, scalar_prefetch = 0 : i64, scratch_operands = 0 : i64, tpu.core_type = #tpu.core_type<tc>, window_params = [{transform_indices = @transform_0, window_bounds = array<i64: 1000, 128>}, {transform_indices = @transform_1, window_bounds = array<i64: 1000, 1>}, {pipeline_mode = #tpu.pipeline_mode<synchronous>, transform_indices = @transform_2, window_bounds = array<i64: 128, 512>}, {pipeline_mode = #tpu.pipeline_mode<synchronous>, transform_indices = @transform_3, window_bounds = array<i64: 1, 512>}, {transform_indices = @transform_4, window_bounds = array<i64: 1000, 128>}, {transform_indices = @transform_5, window_bounds = array<i64: 1000, 128>}, {transform_indices = @transform_6, window_bounds = array<i64: 1000, 128>}, {pipeline_mode = #tpu.pipeline_mode<synchronous>, transform_indices = @transform_7, window_bounds = array<i64: 64, 128>}, {pipeline_mode = #tpu.pipeline_mode<synchronous>, transform_indices = @transform_8, window_bounds = array<i64: 64, 128>}]} {
    %get3A = arith.constant 0 : index
    %get3A_0 = arith.constant 0 : index
    %get3A_1 = vector.load %arg1[%get3A, %get3A_0] : memref<1000x128xf32, #tpu.memory_space<vmem>>, vector<1000x128xf32>
    %get3A_2 = arith.constant 0 : index
    %get3A_3 = arith.constant 0 : index
    %get3A_4 = vector.load %arg3[%get3A_2, %get3A_3] : memref<128x512xf32, #tpu.memory_space<vmem>>, vector<128x512xf32>
    %dot_general3A = arith.constant dense<0.000000e+00> : vector<1000x512xf32>
    %dot_general3A_5 = tpu.matmul %get3A_1, %get3A_4, %dot_general3A {dimension_numbers = #tpu.dot_dimension_numbers<[1], [0], [0], [1], [0, 0, 1, 1], [], []>, transpose_lhs_hint = false} : vector<1000x128xf32>, vector<128x512xf32>, vector<1000x512xf32> -> vector<1000x512xf32>
    %get3A_6 = arith.constant 0 : index
    %get3A_7 = arith.constant 0 : index
    %get3A_8 = vector.load %arg4[%get3A_6, %get3A_7] : memref<1x512xf32, #tpu.memory_space<vmem>>, vector<1x512xf32>
    %add3A = vector.broadcast %get3A_8 : vector<1x512xf32> to vector<1000x512xf32>
    %add3A_9 = arith.addf %dot_general3A_5, %add3A : vector<1000x512xf32>
    %slice3A = vector.extract_strided_slice %add3A_9 {offsets = [0, 128], sizes = [1000, 128], strides = [1, 1]} : vector<1000x512xf32> to vector<1000x128xf32>
    %swap3A = arith.constant 0 : index
    %swap3A_10 = arith.constant 0 : index
    %swap3A_11 = vector.load %arg5[%swap3A, %swap3A_10] : memref<1000x128xf32, #tpu.memory_space<vmem>>, vector<1000x128xf32>
    tpu.vector_store %arg5[%swap3A, %swap3A_10], %slice3A {strides = array<i32>} : memref<1000x128xf32, #tpu.memory_space<vmem>>, vector<1000x128xf32>,
    %slice3A_12 = vector.extract_strided_slice %add3A_9 {offsets = [0, 0], sizes = [1000, 64], strides = [1, 1]} : vector<1000x512xf32> to vector<1000x64xf32>
    %slice3A_13 = vector.extract_strided_slice %add3A_9 {offsets = [0, 256], sizes = [1000, 64], strides = [1, 1]} : vector<1000x512xf32> to vector<1000x64xf32>
    %concatenate3A = tpu.concatenate %slice3A_12, %slice3A_13 in 1 : vector<1000x64xf32>, vector<1000x64xf32> -> vector<1000x128xf32>
    %swap3A_14 = arith.constant 0 : index
    %swap3A_15 = arith.constant 0 : index
    %swap3A_16 = vector.load %arg6[%swap3A_14, %swap3A_15] : memref<1000x128xf32, #tpu.memory_space<vmem>>, vector<1000x128xf32>
    tpu.vector_store %arg6[%swap3A_14, %swap3A_15], %concatenate3A {strides = array<i32>} : memref<1000x128xf32, #tpu.memory_space<vmem>>, vector<1000x128xf32>,
    %slice3A_17 = vector.extract_strided_slice %add3A_9 {offsets = [0, 64], sizes = [1000, 64], strides = [1, 1]} : vector<1000x512xf32> to vector<1000x64xf32>
    %slice3A_18 = vector.extract_strided_slice %add3A_9 {offsets = [0, 320], sizes = [1000, 64], strides = [1, 1]} : vector<1000x512xf32> to vector<1000x64xf32>
    %concatenate3A_19 = tpu.concatenate %slice3A_17, %slice3A_18 in 1 : vector<1000x64xf32>, vector<1000x64xf32> -> vector<1000x128xf32>
    %swap3A_20 = arith.constant 0 : index
    %swap3A_21 = arith.constant 0 : index
    %swap3A_22 = vector.load %arg7[%swap3A_20, %swap3A_21] : memref<1000x128xf32, #tpu.memory_space<vmem>>, vector<1000x128xf32>
    tpu.vector_store %arg7[%swap3A_20, %swap3A_21], %concatenate3A_19 {strides = array<i32>} : memref<1000x128xf32, #tpu.memory_space<vmem>>, vector<1000x128xf32>,
    %get3A_23 = arith.constant 0 : index
    %get3A_24 = arith.constant 0 : index
    %get3A_25 = vector.load %arg2[%get3A_23, %get3A_24] : memref<1000x1xi32, #tpu.memory_space<vmem>>, vector<1000x1xi32>
    %iota3A = tpu.iota {dimensions = array<i32: 1>} : vector<1x64xi32>
    %eq3A = vector.broadcast %get3A_25 : vector<1000x1xi32> to vector<1000x64xi32>
    %eq3A_26 = vector.broadcast %iota3A : vector<1x64xi32> to vector<1000x64xi32>
    %eq3A_27 = arith.cmpi eq, %eq3A, %eq3A_26 : vector<1000x64xi32>
    %convert_element_type3A = arith.extui %eq3A_27 : vector<1000x64xi1> to vector<1000x64xi32>
    %convert_element_type3A_28 = arith.sitofp %convert_element_type3A : vector<1000x64xi32> to vector<1000x64xf32>
    %broadcast_in_dim3A = arith.constant 1.000000e+00 : f32
    %broadcast_in_dim3A_29 = vector.broadcast %broadcast_in_dim3A : f32 to vector<1000x128xf32>
    %slice3A_30 = vector.extract_strided_slice %add3A_9 {offsets = [0, 384], sizes = [1000, 128], strides = [1, 1]} : vector<1000x512xf32> to vector<1000x128xf32>
    %dot_general3A_31 = arith.constant dense<0.000000e+00> : vector<64x128xf32>
    %dot_general3A_32 = tpu.matmul %convert_element_type3A_28, %slice3A_30, %dot_general3A_31 {dimension_numbers = #tpu.dot_dimension_numbers<[0], [0], [1], [1], [0, 1, 1, 1], [], []>, transpose_lhs_hint = false} : vector<1000x64xf32>, vector<1000x128xf32>, vector<64x128xf32> -> vector<64x128xf32>
    %dot_general3A_33 = arith.constant dense<0.000000e+00> : vector<64x128xf32>
    %dot_general3A_34 = tpu.matmul %convert_element_type3A_28, %broadcast_in_dim3A_29, %dot_general3A_33 {dimension_numbers = #tpu.dot_dimension_numbers<[0], [0], [1], [1], [0, 1, 1, 1], [], []>, transpose_lhs_hint = false} : vector<1000x64xf32>, vector<1000x128xf32>, vector<64x128xf32> -> vector<64x128xf32>
    %eq3A_35 = arith.constant 0 : i32
    %eq3A_36 = arith.cmpi eq, %arg0, %eq3A_35 : i32
    %convert_element_type3A_37 = arith.extui %eq3A_36 : i1 to i32
    %cond3A = arith.constant 0 : i32
    %cond3A_38 = arith.cmpi ne, %convert_element_type3A_37, %cond3A : i32
    scf.if %cond3A_38 {
      %broadcast_in_dim3A_53 = arith.constant 0.000000e+00 : f32
      %broadcast_in_dim3A_54 = vector.broadcast %broadcast_in_dim3A_53 : f32 to vector<64x128xf32>
      %swap3A_55 = arith.constant 0 : index
      %swap3A_56 = arith.constant 0 : index
      %swap3A_57 = vector.load %arg8[%swap3A_55, %swap3A_56] : memref<64x128xf32, #tpu.memory_space<vmem>>, vector<64x128xf32>
      tpu.vector_store %arg8[%swap3A_55, %swap3A_56], %broadcast_in_dim3A_54 {strides = array<i32>} : memref<64x128xf32, #tpu.memory_space<vmem>>, vector<64x128xf32>,
      %broadcast_in_dim3A_58 = arith.constant 0.000000e+00 : f32
      %broadcast_in_dim3A_59 = vector.broadcast %broadcast_in_dim3A_58 : f32 to vector<64x128xf32>
      %swap3A_60 = arith.constant 0 : index
      %swap3A_61 = arith.constant 0 : index
      %swap3A_62 = vector.load %arg9[%swap3A_60, %swap3A_61] : memref<64x128xf32, #tpu.memory_space<vmem>>, vector<64x128xf32>
      tpu.vector_store %arg9[%swap3A_60, %swap3A_61], %broadcast_in_dim3A_59 {strides = array<i32>} : memref<64x128xf32, #tpu.memory_space<vmem>>, vector<64x128xf32>,
    } else {
    }
    %get3A_39 = arith.constant 0 : index
    %get3A_40 = arith.constant 0 : index
    %get3A_41 = vector.load %arg8[%get3A_39, %get3A_40] : memref<64x128xf32, #tpu.memory_space<vmem>>, vector<64x128xf32>
    %add3A_42 = arith.addf %get3A_41, %dot_general3A_32 : vector<64x128xf32>
    %swap3A_43 = arith.constant 0 : index
    %swap3A_44 = arith.constant 0 : index
    %swap3A_45 = vector.load %arg8[%swap3A_43, %swap3A_44] : memref<64x128xf32, #tpu.memory_space<vmem>>, vector<64x128xf32>
    tpu.vector_store %arg8[%swap3A_43, %swap3A_44], %add3A_42 {strides = array<i32>} : memref<64x128xf32, #tpu.memory_space<vmem>>, vector<64x128xf32>,
    %get3A_46 = arith.constant 0 : index
    %get3A_47 = arith.constant 0 : index
    %get3A_48 = vector.load %arg9[%get3A_46, %get3A_47] : memref<64x128xf32, #tpu.memory_space<vmem>>, vector<64x128xf32>
    %add3A_49 = arith.addf %get3A_48, %dot_general3A_34 : vector<64x128xf32>
    %swap3A_50 = arith.constant 0 : index
    %swap3A_51 = arith.constant 0 : index
    %swap3A_52 = vector.load %arg9[%swap3A_50, %swap3A_51] : memref<64x128xf32, #tpu.memory_space<vmem>>, vector<64x128xf32>
    tpu.vector_store %arg9[%swap3A_50, %swap3A_51], %add3A_49 {strides = array<i32>} : memref<64x128xf32, #tpu.memory_space<vmem>>, vector<64x128xf32>,
    return
  }
  func.func @transform_0(%arg0: i32) -> (i32, i32) {
    %c0_i32 = arith.constant 0 : i32
    %c0_i32_0 = arith.constant 0 : i32
    return %arg0, %c0_i32 : i32, i32
  }
  func.func @transform_1(%arg0: i32) -> (i32, i32) {
    %c0_i32 = arith.constant 0 : i32
    %c0_i32_0 = arith.constant 0 : i32
    return %arg0, %c0_i32 : i32, i32
  }
  func.func @transform_2(%arg0: i32) -> (i32, i32) {
    %c0_i32 = arith.constant 0 : i32
    %c0_i32_0 = arith.constant 0 : i32
    %c0_i32_1 = arith.constant 0 : i32
    return %c0_i32, %c0_i32_0 : i32, i32
  }
  func.func @transform_3(%arg0: i32) -> (i32, i32) {
    %c0_i32 = arith.constant 0 : i32
    %c0_i32_0 = arith.constant 0 : i32
    %c0_i32_1 = arith.constant 0 : i32
    return %c0_i32, %c0_i32_0 : i32, i32
  }
  func.func @transform_4(%arg0: i32) -> (i32, i32) {
    %c0_i32 = arith.constant 0 : i32
    %c0_i32_0 = arith.constant 0 : i32
    return %arg0, %c0_i32 : i32, i32
  }
  func.func @transform_5(%arg0: i32) -> (i32, i32) {
    %c0_i32 = arith.constant 0 : i32
    %c0_i32_0 = arith.constant 0 : i32
    return %arg0, %c0_i32 : i32, i32
  }
  func.func @transform_6(%arg0: i32) -> (i32, i32) {
    %c0_i32 = arith.constant 0 : i32
    %c0_i32_0 = arith.constant 0 : i32
    return %arg0, %c0_i32 : i32, i32
  }
  func.func @transform_7(%arg0: i32) -> (i32, i32) {
    %c0_i32 = arith.constant 0 : i32
    %c0_i32_0 = arith.constant 0 : i32
    %c0_i32_1 = arith.constant 0 : i32
    return %c0_i32, %c0_i32_0 : i32, i32
  }
  func.func @transform_8(%arg0: i32) -> (i32, i32) {
    %c0_i32 = arith.constant 0 : i32
    %c0_i32_0 = arith.constant 0 : i32
    %c0_i32_1 = arith.constant 0 : i32
    return %c0_i32, %c0_i32_0 : i32, i32
  }
}

module attributes {stable_mosaic.version = 14 : i64} {
  func.func @_k2_body(%arg0: i32, %arg1: memref<4000x128xf32, #tpu.memory_space<vmem>>, %arg2: memref<4000x1xi32, #tpu.memory_space<vmem>>, %arg3: memref<128x256xf32, #tpu.memory_space<vmem>>, %arg4: memref<1x256xf32, #tpu.memory_space<vmem>>, %arg5: memref<64x128xf32, #tpu.memory_space<vmem>>, %arg6: memref<4000x64xf32, #tpu.memory_space<vmem>>, %arg7: memref<4000x64xf32, #tpu.memory_space<vmem>>, %arg8: memref<64x128xf32, #tpu.memory_space<vmem>>, %arg9: memref<64x128xf32, #tpu.memory_space<vmem>>) attributes {dimension_semantics = [#tpu.dimension_semantics<arbitrary>], iteration_bounds = array<i64: 80>, scalar_prefetch = 0 : i64, scratch_operands = 0 : i64, tpu.core_type = #tpu.core_type<tc>, window_params = [{transform_indices = @transform_0, window_bounds = array<i64: 4000, 128>}, {transform_indices = @transform_1, window_bounds = array<i64: 4000, 1>}, {pipeline_mode = #tpu.pipeline_mode<synchronous>, transform_indices = @transform_2, window_bounds = array<i64: 128, 256>}, {pipeline_mode = #tpu.pipeline_mode<synchronous>, transform_indices = @transform_3, window_bounds = array<i64: 1, 256>}, {pipeline_mode = #tpu.pipeline_mode<synchronous>, transform_indices = @transform_4, window_bounds = array<i64: 64, 128>}, {transform_indices = @transform_5, window_bounds = array<i64: 4000, 64>}, {transform_indices = @transform_6, window_bounds = array<i64: 4000, 64>}, {pipeline_mode = #tpu.pipeline_mode<synchronous>, transform_indices = @transform_7, window_bounds = array<i64: 64, 128>}, {pipeline_mode = #tpu.pipeline_mode<synchronous>, transform_indices = @transform_8, window_bounds = array<i64: 64, 128>}]} {
    %get3A = arith.constant 0 : index
    %get3A_0 = arith.constant 0 : index
    %get3A_1 = vector.load %arg1[%get3A, %get3A_0] : memref<4000x128xf32, #tpu.memory_space<vmem>>, vector<4000x128xf32>
    %get3A_2 = arith.constant 0 : index
    %get3A_3 = arith.constant 0 : index
    %get3A_4 = vector.load %arg3[%get3A_2, %get3A_3] : memref<128x256xf32, #tpu.memory_space<vmem>>, vector<128x256xf32>
    %dot_general3A = arith.constant dense<0.000000e+00> : vector<4000x256xf32>
    %dot_general3A_5 = tpu.matmul %get3A_1, %get3A_4, %dot_general3A {dimension_numbers = #tpu.dot_dimension_numbers<[1], [0], [0], [1], [0, 0, 1, 1], [], []>, transpose_lhs_hint = false} : vector<4000x128xf32>, vector<128x256xf32>, vector<4000x256xf32> -> vector<4000x256xf32>
    %get3A_6 = arith.constant 0 : index
    %get3A_7 = arith.constant 0 : index
    %get3A_8 = vector.load %arg4[%get3A_6, %get3A_7] : memref<1x256xf32, #tpu.memory_space<vmem>>, vector<1x256xf32>
    %add3A = vector.broadcast %get3A_8 : vector<1x256xf32> to vector<4000x256xf32>
    %add3A_9 = arith.addf %dot_general3A_5, %add3A : vector<4000x256xf32>
    %get3A_10 = arith.constant 0 : index
    %get3A_11 = arith.constant 0 : index
    %get3A_12 = vector.load %arg2[%get3A_10, %get3A_11] : memref<4000x1xi32, #tpu.memory_space<vmem>>, vector<4000x1xi32>
    %iota3A = tpu.iota {dimensions = array<i32: 1>} : vector<1x64xi32>
    %eq3A = vector.broadcast %get3A_12 : vector<4000x1xi32> to vector<4000x64xi32>
    %eq3A_13 = vector.broadcast %iota3A : vector<1x64xi32> to vector<4000x64xi32>
    %eq3A_14 = arith.cmpi eq, %eq3A, %eq3A_13 : vector<4000x64xi32>
    %convert_element_type3A = arith.extui %eq3A_14 : vector<4000x64xi1> to vector<4000x64xi32>
    %convert_element_type3A_15 = arith.sitofp %convert_element_type3A : vector<4000x64xi32> to vector<4000x64xf32>
    %slice3A = vector.extract_strided_slice %add3A_9 {offsets = [0, 0], sizes = [4000, 128], strides = [1, 1]} : vector<4000x256xf32> to vector<4000x128xf32>
    %get3A_16 = arith.constant 0 : index
    %get3A_17 = arith.constant 0 : index
    %get3A_18 = vector.load %arg5[%get3A_16, %get3A_17] : memref<64x128xf32, #tpu.memory_space<vmem>>, vector<64x128xf32>
    %dot_general3A_19 = arith.constant dense<0.000000e+00> : vector<4000x128xf32>
    %dot_general3A_20 = tpu.matmul %convert_element_type3A_15, %get3A_18, %dot_general3A_19 {dimension_numbers = #tpu.dot_dimension_numbers<[1], [0], [0], [1], [0, 0, 1, 1], [], []>, transpose_lhs_hint = false} : vector<4000x64xf32>, vector<64x128xf32>, vector<4000x128xf32> -> vector<4000x128xf32>
    %add3A_21 = arith.addf %slice3A, %dot_general3A_20 : vector<4000x128xf32>
    %slice3A_22 = vector.extract_strided_slice %add3A_21 {offsets = [0, 0], sizes = [4000, 64], strides = [1, 1]} : vector<4000x128xf32> to vector<4000x64xf32>
    %swap3A = arith.constant 0 : index
    %swap3A_23 = arith.constant 0 : index
    %swap3A_24 = vector.load %arg6[%swap3A, %swap3A_23] : memref<4000x64xf32, #tpu.memory_space<vmem>>, vector<4000x64xf32>
    tpu.vector_store %arg6[%swap3A, %swap3A_23], %slice3A_22 {strides = array<i32>} : memref<4000x64xf32, #tpu.memory_space<vmem>>, vector<4000x64xf32>,
    %slice3A_25 = vector.extract_strided_slice %add3A_21 {offsets = [0, 64], sizes = [4000, 64], strides = [1, 1]} : vector<4000x128xf32> to vector<4000x64xf32>
    %swap3A_26 = arith.constant 0 : index
    %swap3A_27 = arith.constant 0 : index
    %swap3A_28 = vector.load %arg7[%swap3A_26, %swap3A_27] : memref<4000x64xf32, #tpu.memory_space<vmem>>, vector<4000x64xf32>
    tpu.vector_store %arg7[%swap3A_26, %swap3A_27], %slice3A_25 {strides = array<i32>} : memref<4000x64xf32, #tpu.memory_space<vmem>>, vector<4000x64xf32>,
    %slice3A_29 = vector.extract_strided_slice %add3A_9 {offsets = [0, 128], sizes = [4000, 128], strides = [1, 1]} : vector<4000x256xf32> to vector<4000x128xf32>
    %broadcast_in_dim3A = arith.constant 1.000000e+00 : f32
    %broadcast_in_dim3A_30 = vector.broadcast %broadcast_in_dim3A : f32 to vector<4000x128xf32>
    %dot_general3A_31 = arith.constant dense<0.000000e+00> : vector<64x128xf32>
    %dot_general3A_32 = tpu.matmul %convert_element_type3A_15, %slice3A_29, %dot_general3A_31 {dimension_numbers = #tpu.dot_dimension_numbers<[0], [0], [1], [1], [0, 1, 1, 1], [], []>, transpose_lhs_hint = false} : vector<4000x64xf32>, vector<4000x128xf32>, vector<64x128xf32> -> vector<64x128xf32>
    %dot_general3A_33 = arith.constant dense<0.000000e+00> : vector<64x128xf32>
    %dot_general3A_34 = tpu.matmul %convert_element_type3A_15, %broadcast_in_dim3A_30, %dot_general3A_33 {dimension_numbers = #tpu.dot_dimension_numbers<[0], [0], [1], [1], [0, 1, 1, 1], [], []>, transpose_lhs_hint = false} : vector<4000x64xf32>, vector<4000x128xf32>, vector<64x128xf32> -> vector<64x128xf32>
    %eq3A_35 = arith.constant 0 : i32
    %eq3A_36 = arith.cmpi eq, %arg0, %eq3A_35 : i32
    %convert_element_type3A_37 = arith.extui %eq3A_36 : i1 to i32
    %cond3A = arith.constant 0 : i32
    %cond3A_38 = arith.cmpi ne, %convert_element_type3A_37, %cond3A : i32
    scf.if %cond3A_38 {
      %broadcast_in_dim3A_53 = arith.constant 0.000000e+00 : f32
      %broadcast_in_dim3A_54 = vector.broadcast %broadcast_in_dim3A_53 : f32 to vector<64x128xf32>
      %swap3A_55 = arith.constant 0 : index
      %swap3A_56 = arith.constant 0 : index
      %swap3A_57 = vector.load %arg8[%swap3A_55, %swap3A_56] : memref<64x128xf32, #tpu.memory_space<vmem>>, vector<64x128xf32>
      tpu.vector_store %arg8[%swap3A_55, %swap3A_56], %broadcast_in_dim3A_54 {strides = array<i32>} : memref<64x128xf32, #tpu.memory_space<vmem>>, vector<64x128xf32>,
      %broadcast_in_dim3A_58 = arith.constant 0.000000e+00 : f32
      %broadcast_in_dim3A_59 = vector.broadcast %broadcast_in_dim3A_58 : f32 to vector<64x128xf32>
      %swap3A_60 = arith.constant 0 : index
      %swap3A_61 = arith.constant 0 : index
      %swap3A_62 = vector.load %arg9[%swap3A_60, %swap3A_61] : memref<64x128xf32, #tpu.memory_space<vmem>>, vector<64x128xf32>
      tpu.vector_store %arg9[%swap3A_60, %swap3A_61], %broadcast_in_dim3A_59 {strides = array<i32>} : memref<64x128xf32, #tpu.memory_space<vmem>>, vector<64x128xf32>,
    } else {
    }
    %get3A_39 = arith.constant 0 : index
    %get3A_40 = arith.constant 0 : index
    %get3A_41 = vector.load %arg8[%get3A_39, %get3A_40] : memref<64x128xf32, #tpu.memory_space<vmem>>, vector<64x128xf32>
    %add3A_42 = arith.addf %get3A_41, %dot_general3A_32 : vector<64x128xf32>
    %swap3A_43 = arith.constant 0 : index
    %swap3A_44 = arith.constant 0 : index
    %swap3A_45 = vector.load %arg8[%swap3A_43, %swap3A_44] : memref<64x128xf32, #tpu.memory_space<vmem>>, vector<64x128xf32>
    tpu.vector_store %arg8[%swap3A_43, %swap3A_44], %add3A_42 {strides = array<i32>} : memref<64x128xf32, #tpu.memory_space<vmem>>, vector<64x128xf32>,
    %get3A_46 = arith.constant 0 : index
    %get3A_47 = arith.constant 0 : index
    %get3A_48 = vector.load %arg9[%get3A_46, %get3A_47] : memref<64x128xf32, #tpu.memory_space<vmem>>, vector<64x128xf32>
    %add3A_49 = arith.addf %get3A_48, %dot_general3A_34 : vector<64x128xf32>
    %swap3A_50 = arith.constant 0 : index
    %swap3A_51 = arith.constant 0 : index
    %swap3A_52 = vector.load %arg9[%swap3A_50, %swap3A_51] : memref<64x128xf32, #tpu.memory_space<vmem>>, vector<64x128xf32>
    tpu.vector_store %arg9[%swap3A_50, %swap3A_51], %add3A_49 {strides = array<i32>} : memref<64x128xf32, #tpu.memory_space<vmem>>, vector<64x128xf32>,
    return
  }
  func.func @transform_0(%arg0: i32) -> (i32, i32) {
    %c0_i32 = arith.constant 0 : i32
    %c0_i32_0 = arith.constant 0 : i32
    return %arg0, %c0_i32 : i32, i32
  }
  func.func @transform_1(%arg0: i32) -> (i32, i32) {
    %c0_i32 = arith.constant 0 : i32
    %c0_i32_0 = arith.constant 0 : i32
    return %arg0, %c0_i32 : i32, i32
  }
  func.func @transform_2(%arg0: i32) -> (i32, i32) {
    %c0_i32 = arith.constant 0 : i32
    %c0_i32_0 = arith.constant 0 : i32
    %c0_i32_1 = arith.constant 0 : i32
    return %c0_i32, %c0_i32_0 : i32, i32
  }
  func.func @transform_3(%arg0: i32) -> (i32, i32) {
    %c0_i32 = arith.constant 0 : i32
    %c0_i32_0 = arith.constant 0 : i32
    %c0_i32_1 = arith.constant 0 : i32
    return %c0_i32, %c0_i32_0 : i32, i32
  }
  func.func @transform_4(%arg0: i32) -> (i32, i32) {
    %c0_i32 = arith.constant 0 : i32
    %c0_i32_0 = arith.constant 0 : i32
    %c0_i32_1 = arith.constant 0 : i32
    return %c0_i32, %c0_i32_0 : i32, i32
  }
  func.func @transform_5(%arg0: i32) -> (i32, i32) {
    %c0_i32 = arith.constant 0 : i32
    %c0_i32_0 = arith.constant 0 : i32
    return %arg0, %c0_i32 : i32, i32
  }
  func.func @transform_6(%arg0: i32) -> (i32, i32) {
    %c0_i32 = arith.constant 0 : i32
    %c0_i32_0 = arith.constant 0 : i32
    return %arg0, %c0_i32 : i32, i32
  }
  func.func @transform_7(%arg0: i32) -> (i32, i32) {
    %c0_i32 = arith.constant 0 : i32
    %c0_i32_0 = arith.constant 0 : i32
    %c0_i32_1 = arith.constant 0 : i32
    return %c0_i32, %c0_i32_0 : i32, i32
  }
  func.func @transform_8(%arg0: i32) -> (i32, i32) {
    %c0_i32 = arith.constant 0 : i32
    %c0_i32_0 = arith.constant 0 : i32
    %c0_i32_1 = arith.constant 0 : i32
    return %c0_i32, %c0_i32_0 : i32, i32
  }
}

module attributes {stable_mosaic.version = 14 : i64} {
  func.func @_k7b_body(%arg0: memref<64x128xf32, #tpu.memory_space<vmem>>, %arg1: memref<128x128xf32, #tpu.memory_space<vmem>>, %arg2: memref<1x128xf32, #tpu.memory_space<vmem>>, %arg3: memref<64x128xf32, #tpu.memory_space<vmem>>, %arg4: memref<64x128xf32, #tpu.memory_space<vmem>>, %arg5: memref<64x128xf32, #tpu.memory_space<vmem>>, %arg6: memref<64x128xf32, #tpu.memory_space<vmem>>, %arg7: memref<1x128xf32, #tpu.memory_space<vmem>>, %arg8: memref<1x128xf32, #tpu.memory_space<vmem>>, %arg9: memref<64x128xf32, #tpu.memory_space<vmem>>) attributes {dimension_semantics = [], scalar_prefetch = 0 : i64, scratch_operands = 0 : i64, tpu.core_type = #tpu.core_type<tc>} {
    %get3A = arith.constant 0 : index
    %get3A_0 = arith.constant 0 : index
    %get3A_1 = vector.load %arg0[%get3A, %get3A_0] : memref<64x128xf32, #tpu.memory_space<vmem>>, vector<64x128xf32>
    %get3A_2 = arith.constant 0 : index
    %get3A_3 = arith.constant 0 : index
    %get3A_4 = vector.load %arg1[%get3A_2, %get3A_3] : memref<128x128xf32, #tpu.memory_space<vmem>>, vector<128x128xf32>
    %dot_general3A = arith.constant dense<0.000000e+00> : vector<64x128xf32>
    %dot_general3A_5 = tpu.matmul %get3A_1, %get3A_4, %dot_general3A {dimension_numbers = #tpu.dot_dimension_numbers<[1], [0], [0], [1], [0, 0, 1, 1], [], []>, transpose_lhs_hint = false} : vector<64x128xf32>, vector<128x128xf32>, vector<64x128xf32> -> vector<64x128xf32>
    %get3A_6 = arith.constant 0 : index
    %get3A_7 = arith.constant 0 : index
    %get3A_8 = vector.load %arg2[%get3A_6, %get3A_7] : memref<1x128xf32, #tpu.memory_space<vmem>>, vector<1x128xf32>
    %add3A = vector.broadcast %get3A_8 : vector<1x128xf32> to vector<64x128xf32>
    %add3A_9 = arith.addf %dot_general3A_5, %add3A : vector<64x128xf32>
    %get3A_10 = arith.constant 0 : index
    %get3A_11 = arith.constant 0 : index
    %get3A_12 = vector.load %arg3[%get3A_10, %get3A_11] : memref<64x128xf32, #tpu.memory_space<vmem>>, vector<64x128xf32>
    %get3A_13 = arith.constant 0 : index
    %get3A_14 = arith.constant 0 : index
    %get3A_15 = vector.load %arg4[%get3A_13, %get3A_14] : memref<64x128xf32, #tpu.memory_space<vmem>>, vector<64x128xf32>
    %max3A = arith.constant 1.000000e+00 : f32
    %max3A_16 = vector.broadcast %max3A : f32 to vector<64x128xf32>
    %max3A_17 = arith.maximumf %get3A_15, %max3A_16 : vector<64x128xf32>
    %div3A = arith.divf %get3A_12, %max3A_17 : vector<64x128xf32>
    %get3A_18 = arith.constant 0 : index
    %get3A_19 = arith.constant 0 : index
    %get3A_20 = vector.load %arg5[%get3A_18, %get3A_19] : memref<64x128xf32, #tpu.memory_space<vmem>>, vector<64x128xf32>
    %get3A_21 = arith.constant 0 : index
    %get3A_22 = arith.constant 0 : index
    %get3A_23 = vector.load %arg6[%get3A_21, %get3A_22] : memref<64x128xf32, #tpu.memory_space<vmem>>, vector<64x128xf32>
    %max3A_24 = arith.constant 1.000000e+00 : f32
    %max3A_25 = vector.broadcast %max3A_24 : f32 to vector<64x128xf32>
    %max3A_26 = arith.maximumf %get3A_23, %max3A_25 : vector<64x128xf32>
    %div3A_27 = arith.divf %get3A_20, %max3A_26 : vector<64x128xf32>
    %add3A_28 = arith.addf %div3A, %div3A_27 : vector<64x128xf32>
    %add3A_29 = arith.addf %add3A_28, %add3A_9 : vector<64x128xf32>
    %reduce_sum3A = arith.constant dense<0.000000e+00> : vector<128xf32>
    %reduce_sum3A_30 = vector.multi_reduction <add>, %add3A_29, %reduce_sum3A [0] : vector<64x128xf32> to vector<128xf32>
    %broadcast_in_dim3A = vector.shape_cast %reduce_sum3A_30 : vector<128xf32> to vector<1x128xf32>
    %div3A_31 = arith.constant 6.400000e+01 : f32
    %div3A_32 = vector.broadcast %div3A_31 : f32 to vector<1x128xf32>
    %div3A_33 = arith.divf %broadcast_in_dim3A, %div3A_32 : vector<1x128xf32>
    %mul3A = arith.mulf %add3A_29, %add3A_29 : vector<64x128xf32>
    %reduce_sum3A_34 = arith.constant dense<0.000000e+00> : vector<128xf32>
    %reduce_sum3A_35 = vector.multi_reduction <add>, %mul3A, %reduce_sum3A_34 [0] : vector<64x128xf32> to vector<128xf32>
    %broadcast_in_dim3A_36 = vector.shape_cast %reduce_sum3A_35 : vector<128xf32> to vector<1x128xf32>
    %div3A_37 = arith.constant 6.400000e+01 : f32
    %div3A_38 = vector.broadcast %div3A_37 : f32 to vector<1x128xf32>
    %div3A_39 = arith.divf %broadcast_in_dim3A_36, %div3A_38 : vector<1x128xf32>
    %mul3A_40 = arith.mulf %div3A_33, %div3A_33 : vector<1x128xf32>
    %sub3A = arith.subf %div3A_39, %mul3A_40 : vector<1x128xf32>
    %get3A_41 = arith.constant 0 : index
    %get3A_42 = arith.constant 0 : index
    %get3A_43 = vector.load %arg7[%get3A_41, %get3A_42] : memref<1x128xf32, #tpu.memory_space<vmem>>, vector<1x128xf32>
    %sub3A_44 = vector.broadcast %div3A_33 : vector<1x128xf32> to vector<64x128xf32>
    %sub3A_45 = arith.subf %add3A_29, %sub3A_44 : vector<64x128xf32>
    %mul3A_46 = vector.broadcast %get3A_43 : vector<1x128xf32> to vector<64x128xf32>
    %mul3A_47 = arith.mulf %mul3A_46, %sub3A_45 : vector<64x128xf32>
    %add3A_48 = arith.constant 9.99999974E-6 : f32
    %add3A_49 = vector.broadcast %add3A_48 : f32 to vector<1x128xf32>
    %add3A_50 = arith.addf %sub3A, %add3A_49 : vector<1x128xf32>
    %rsqrt3A = math.rsqrt %add3A_50 : vector<1x128xf32>
    %mul3A_51 = vector.broadcast %rsqrt3A : vector<1x128xf32> to vector<64x128xf32>
    %mul3A_52 = arith.mulf %mul3A_47, %mul3A_51 : vector<64x128xf32>
    %get3A_53 = arith.constant 0 : index
    %get3A_54 = arith.constant 0 : index
    %get3A_55 = vector.load %arg8[%get3A_53, %get3A_54] : memref<1x128xf32, #tpu.memory_space<vmem>>, vector<1x128xf32>
    %add3A_56 = vector.broadcast %get3A_55 : vector<1x128xf32> to vector<64x128xf32>
    %add3A_57 = arith.addf %mul3A_52, %add3A_56 : vector<64x128xf32>
    %gt3A = arith.constant 0.000000e+00 : f32
    %gt3A_58 = vector.broadcast %gt3A : f32 to vector<64x128xf32>
    %gt3A_59 = arith.cmpf ogt, %add3A_57, %gt3A_58 : vector<64x128xf32>
    %min3A = arith.constant 0.000000e+00 : f32
    %min3A_60 = vector.broadcast %min3A : f32 to vector<64x128xf32>
    %min3A_61 = arith.minimumf %add3A_57, %min3A_60 : vector<64x128xf32>
    %exp3A = math.exp %min3A_61 : vector<64x128xf32>
    %sub3A_62 = arith.constant 1.000000e+00 : f32
    %sub3A_63 = vector.broadcast %sub3A_62 : f32 to vector<64x128xf32>
    %sub3A_64 = arith.subf %exp3A, %sub3A_63 : vector<64x128xf32>
    %select_n3A = arith.select %gt3A_59, %add3A_57, %sub3A_64 : vector<64x128xi1>, vector<64x128xf32>
    %swap3A = arith.constant 0 : index
    %swap3A_65 = arith.constant 0 : index
    %swap3A_66 = vector.load %arg9[%swap3A, %swap3A_65] : memref<64x128xf32, #tpu.memory_space<vmem>>, vector<64x128xf32>
    tpu.vector_store %arg9[%swap3A, %swap3A_65], %select_n3A {strides = array<i32>} : memref<64x128xf32, #tpu.memory_space<vmem>>, vector<64x128xf32>,
    return
  }
}

module attributes {stable_mosaic.version = 14 : i64} {
  func.func @_k5_body(%arg0: i32, %arg1: memref<4000x64xf32, #tpu.memory_space<vmem>>, %arg2: memref<4000x64xf32, #tpu.memory_space<vmem>>, %arg3: memref<4000x1xf32, #tpu.memory_space<vmem>>, %arg4: memref<8x128xf32, #tpu.memory_space<vmem>>) attributes {dimension_semantics = [#tpu.dimension_semantics<arbitrary>], iteration_bounds = array<i64: 80>, scalar_prefetch = 0 : i64, scratch_operands = 0 : i64, tpu.core_type = #tpu.core_type<tc>, window_params = [{transform_indices = @transform_0, window_bounds = array<i64: 4000, 64>}, {transform_indices = @transform_1, window_bounds = array<i64: 4000, 64>}, {transform_indices = @transform_2, window_bounds = array<i64: 4000, 1>}, {pipeline_mode = #tpu.pipeline_mode<synchronous>, transform_indices = @transform_3, window_bounds = array<i64: 8, 128>}]} {
    %get3A = arith.constant 0 : index
    %get3A_0 = arith.constant 0 : index
    %get3A_1 = vector.load %arg1[%get3A, %get3A_0] : memref<4000x64xf32, #tpu.memory_space<vmem>>, vector<4000x64xf32>
    %get3A_2 = arith.constant 0 : index
    %get3A_3 = arith.constant 0 : index
    %get3A_4 = vector.load %arg2[%get3A_2, %get3A_3] : memref<4000x64xf32, #tpu.memory_space<vmem>>, vector<4000x64xf32>
    %concatenate3A = tpu.concatenate %get3A_1, %get3A_4 in 1 : vector<4000x64xf32>, vector<4000x64xf32> -> vector<4000x128xf32>
    %get3A_5 = arith.constant 0 : index
    %get3A_6 = arith.constant 0 : index
    %get3A_7 = vector.load %arg3[%get3A_5, %get3A_6] : memref<4000x1xf32, #tpu.memory_space<vmem>>, vector<4000x1xf32>
    %mul3A = vector.broadcast %get3A_7 : vector<4000x1xf32> to vector<4000x128xf32>
    %mul3A_8 = arith.mulf %concatenate3A, %mul3A : vector<4000x128xf32>
    %reduce_sum3A = arith.constant dense<0.000000e+00> : vector<128xf32>
    %reduce_sum3A_9 = vector.multi_reduction <add>, %mul3A_8, %reduce_sum3A [0] : vector<4000x128xf32> to vector<128xf32>
    %broadcast_in_dim3A = vector.shape_cast %reduce_sum3A_9 : vector<128xf32> to vector<1x128xf32>
    %mul3A_10 = arith.mulf %mul3A_8, %mul3A_8 : vector<4000x128xf32>
    %reduce_sum3A_11 = arith.constant dense<0.000000e+00> : vector<128xf32>
    %reduce_sum3A_12 = vector.multi_reduction <add>, %mul3A_10, %reduce_sum3A_11 [0] : vector<4000x128xf32> to vector<128xf32>
    %broadcast_in_dim3A_13 = vector.shape_cast %reduce_sum3A_12 : vector<128xf32> to vector<1x128xf32>
    %broadcast_in_dim3A_14 = arith.constant 0.000000e+00 : f32
    %broadcast_in_dim3A_15 = vector.broadcast %broadcast_in_dim3A_14 : f32 to vector<6x128xf32>
    %concatenate3A_16 = tpu.concatenate %broadcast_in_dim3A, %broadcast_in_dim3A_13, %broadcast_in_dim3A_15 in 0 : vector<1x128xf32>, vector<1x128xf32>, vector<6x128xf32> -> vector<8x128xf32>
    %eq3A = arith.constant 0 : i32
    %eq3A_17 = arith.cmpi eq, %arg0, %eq3A : i32
    %convert_element_type3A = arith.extui %eq3A_17 : i1 to i32
    %cond3A = arith.constant 0 : i32
    %cond3A_18 = arith.cmpi ne, %convert_element_type3A, %cond3A : i32
    scf.if %cond3A_18 {
      %broadcast_in_dim3A_24 = arith.constant 0.000000e+00 : f32
      %broadcast_in_dim3A_25 = vector.broadcast %broadcast_in_dim3A_24 : f32 to vector<8x128xf32>
      %swap3A_26 = arith.constant 0 : index
      %swap3A_27 = arith.constant 0 : index
      %swap3A_28 = vector.load %arg4[%swap3A_26, %swap3A_27] : memref<8x128xf32, #tpu.memory_space<vmem>>, vector<8x128xf32>
      tpu.vector_store %arg4[%swap3A_26, %swap3A_27], %broadcast_in_dim3A_25 {strides = array<i32>} : memref<8x128xf32, #tpu.memory_space<vmem>>, vector<8x128xf32>,
    } else {
    }
    %get3A_19 = arith.constant 0 : index
    %get3A_20 = arith.constant 0 : index
    %get3A_21 = vector.load %arg4[%get3A_19, %get3A_20] : memref<8x128xf32, #tpu.memory_space<vmem>>, vector<8x128xf32>
    %add3A = arith.addf %get3A_21, %concatenate3A_16 : vector<8x128xf32>
    %swap3A = arith.constant 0 : index
    %swap3A_22 = arith.constant 0 : index
    %swap3A_23 = vector.load %arg4[%swap3A, %swap3A_22] : memref<8x128xf32, #tpu.memory_space<vmem>>, vector<8x128xf32>
    tpu.vector_store %arg4[%swap3A, %swap3A_22], %add3A {strides = array<i32>} : memref<8x128xf32, #tpu.memory_space<vmem>>, vector<8x128xf32>,
    return
  }
  func.func @transform_0(%arg0: i32) -> (i32, i32) {
    %c0_i32 = arith.constant 0 : i32
    %c0_i32_0 = arith.constant 0 : i32
    return %arg0, %c0_i32 : i32, i32
  }
  func.func @transform_1(%arg0: i32) -> (i32, i32) {
    %c0_i32 = arith.constant 0 : i32
    %c0_i32_0 = arith.constant 0 : i32
    return %arg0, %c0_i32 : i32, i32
  }
  func.func @transform_2(%arg0: i32) -> (i32, i32) {
    %c0_i32 = arith.constant 0 : i32
    %c0_i32_0 = arith.constant 0 : i32
    return %arg0, %c0_i32 : i32, i32
  }
  func.func @transform_3(%arg0: i32) -> (i32, i32) {
    %c0_i32 = arith.constant 0 : i32
    %c0_i32_0 = arith.constant 0 : i32
    %c0_i32_1 = arith.constant 0 : i32
    return %c0_i32, %c0_i32_0 : i32, i32
  }
}

module attributes {stable_mosaic.version = 14 : i64} {
  func.func @_k6_body(%arg0: i32, %arg1: memref<4000x64xf32, #tpu.memory_space<vmem>>, %arg2: memref<4000x64xf32, #tpu.memory_space<vmem>>, %arg3: memref<4000x1xf32, #tpu.memory_space<vmem>>, %arg4: memref<8x128xf32, #tpu.memory_space<vmem>>, %arg5: memref<1x128xf32, #tpu.memory_space<vmem>>, %arg6: memref<1x128xf32, #tpu.memory_space<vmem>>, %arg7: memref<4000x128xf32, #tpu.memory_space<vmem>>) attributes {dimension_semantics = [#tpu.dimension_semantics<arbitrary>], iteration_bounds = array<i64: 80>, scalar_prefetch = 0 : i64, scratch_operands = 0 : i64, tpu.core_type = #tpu.core_type<tc>, window_params = [{transform_indices = @transform_0, window_bounds = array<i64: 4000, 64>}, {transform_indices = @transform_1, window_bounds = array<i64: 4000, 64>}, {transform_indices = @transform_2, window_bounds = array<i64: 4000, 1>}, {pipeline_mode = #tpu.pipeline_mode<synchronous>, transform_indices = @transform_3, window_bounds = array<i64: 8, 128>}, {pipeline_mode = #tpu.pipeline_mode<synchronous>, transform_indices = @transform_4, window_bounds = array<i64: 1, 128>}, {pipeline_mode = #tpu.pipeline_mode<synchronous>, transform_indices = @transform_5, window_bounds = array<i64: 1, 128>}, {transform_indices = @transform_6, window_bounds = array<i64: 4000, 128>}]} {
    %get3A = arith.constant 0 : index
    %get3A_0 = arith.constant 0 : index
    %get3A_1 = vector.load %arg1[%get3A, %get3A_0] : memref<4000x64xf32, #tpu.memory_space<vmem>>, vector<4000x64xf32>
    %get3A_2 = arith.constant 0 : index
    %get3A_3 = arith.constant 0 : index
    %get3A_4 = vector.load %arg2[%get3A_2, %get3A_3] : memref<4000x64xf32, #tpu.memory_space<vmem>>, vector<4000x64xf32>
    %concatenate3A = tpu.concatenate %get3A_1, %get3A_4 in 1 : vector<4000x64xf32>, vector<4000x64xf32> -> vector<4000x128xf32>
    %get3A_5 = arith.constant 0 : index
    %get3A_6 = arith.constant 0 : index
    %get3A_7 = vector.load %arg3[%get3A_5, %get3A_6] : memref<4000x1xf32, #tpu.memory_space<vmem>>, vector<4000x1xf32>
    %mul3A = vector.broadcast %get3A_7 : vector<4000x1xf32> to vector<4000x128xf32>
    %mul3A_8 = arith.mulf %concatenate3A, %mul3A : vector<4000x128xf32>
    %get3A_9 = arith.constant 0 : index
    %get3A_10 = arith.constant 0 : index
    %get3A_11 = vector.load %arg4[%get3A_9, %get3A_10] : memref<8x128xf32, #tpu.memory_space<vmem>>, vector<8x128xf32>
    %get3A_12 = arith.constant 0 : index
    %get3A_13 = arith.constant 0 : index
    %get3A_14 = vector.load %arg5[%get3A_12, %get3A_13] : memref<1x128xf32, #tpu.memory_space<vmem>>, vector<1x128xf32>
    %get3A_15 = arith.constant 0 : index
    %get3A_16 = arith.constant 0 : index
    %get3A_17 = vector.load %arg6[%get3A_15, %get3A_16] : memref<1x128xf32, #tpu.memory_space<vmem>>, vector<1x128xf32>
    %slice3A = vector.extract_strided_slice %get3A_11 {offsets = [0, 0], sizes = [1, 128], strides = [1, 1]} : vector<8x128xf32> to vector<1x128xf32>
    %div3A = arith.constant 3.200000e+05 : f32
    %div3A_18 = vector.broadcast %div3A : f32 to vector<1x128xf32>
    %div3A_19 = arith.divf %slice3A, %div3A_18 : vector<1x128xf32>
    %slice3A_20 = vector.extract_strided_slice %get3A_11 {offsets = [1, 0], sizes = [1, 128], strides = [1, 1]} : vector<8x128xf32> to vector<1x128xf32>
    %div3A_21 = arith.constant 3.200000e+05 : f32
    %div3A_22 = vector.broadcast %div3A_21 : f32 to vector<1x128xf32>
    %div3A_23 = arith.divf %slice3A_20, %div3A_22 : vector<1x128xf32>
    %mul3A_24 = arith.mulf %div3A_19, %div3A_19 : vector<1x128xf32>
    %sub3A = arith.subf %div3A_23, %mul3A_24 : vector<1x128xf32>
    %sub3A_25 = vector.broadcast %div3A_19 : vector<1x128xf32> to vector<4000x128xf32>
    %sub3A_26 = arith.subf %mul3A_8, %sub3A_25 : vector<4000x128xf32>
    %mul3A_27 = vector.broadcast %get3A_14 : vector<1x128xf32> to vector<4000x128xf32>
    %mul3A_28 = arith.mulf %mul3A_27, %sub3A_26 : vector<4000x128xf32>
    %add3A = arith.constant 9.99999974E-6 : f32
    %add3A_29 = vector.broadcast %add3A : f32 to vector<1x128xf32>
    %add3A_30 = arith.addf %sub3A, %add3A_29 : vector<1x128xf32>
    %rsqrt3A = math.rsqrt %add3A_30 : vector<1x128xf32>
    %mul3A_31 = vector.broadcast %rsqrt3A : vector<1x128xf32> to vector<4000x128xf32>
    %mul3A_32 = arith.mulf %mul3A_28, %mul3A_31 : vector<4000x128xf32>
    %add3A_33 = vector.broadcast %get3A_17 : vector<1x128xf32> to vector<4000x128xf32>
    %add3A_34 = arith.addf %mul3A_32, %add3A_33 : vector<4000x128xf32>
    %gt3A = arith.constant 0.000000e+00 : f32
    %gt3A_35 = vector.broadcast %gt3A : f32 to vector<4000x128xf32>
    %gt3A_36 = arith.cmpf ogt, %add3A_34, %gt3A_35 : vector<4000x128xf32>
    %min3A = arith.constant 0.000000e+00 : f32
    %min3A_37 = vector.broadcast %min3A : f32 to vector<4000x128xf32>
    %min3A_38 = arith.minimumf %add3A_34, %min3A_37 : vector<4000x128xf32>
    %exp3A = math.exp %min3A_38 : vector<4000x128xf32>
    %sub3A_39 = arith.constant 1.000000e+00 : f32
    %sub3A_40 = vector.broadcast %sub3A_39 : f32 to vector<4000x128xf32>
    %sub3A_41 = arith.subf %exp3A, %sub3A_40 : vector<4000x128xf32>
    %select_n3A = arith.select %gt3A_36, %add3A_34, %sub3A_41 : vector<4000x128xi1>, vector<4000x128xf32>
    %swap3A = arith.constant 0 : index
    %swap3A_42 = arith.constant 0 : index
    %swap3A_43 = vector.load %arg7[%swap3A, %swap3A_42] : memref<4000x128xf32, #tpu.memory_space<vmem>>, vector<4000x128xf32>
    tpu.vector_store %arg7[%swap3A, %swap3A_42], %select_n3A {strides = array<i32>} : memref<4000x128xf32, #tpu.memory_space<vmem>>, vector<4000x128xf32>,
    return
  }
  func.func @transform_0(%arg0: i32) -> (i32, i32) {
    %c0_i32 = arith.constant 0 : i32
    %c0_i32_0 = arith.constant 0 : i32
    return %arg0, %c0_i32 : i32, i32
  }
  func.func @transform_1(%arg0: i32) -> (i32, i32) {
    %c0_i32 = arith.constant 0 : i32
    %c0_i32_0 = arith.constant 0 : i32
    return %arg0, %c0_i32 : i32, i32
  }
  func.func @transform_2(%arg0: i32) -> (i32, i32) {
    %c0_i32 = arith.constant 0 : i32
    %c0_i32_0 = arith.constant 0 : i32
    return %arg0, %c0_i32 : i32, i32
  }
  func.func @transform_3(%arg0: i32) -> (i32, i32) {
    %c0_i32 = arith.constant 0 : i32
    %c0_i32_0 = arith.constant 0 : i32
    %c0_i32_1 = arith.constant 0 : i32
    return %c0_i32, %c0_i32_0 : i32, i32
  }
  func.func @transform_4(%arg0: i32) -> (i32, i32) {
    %c0_i32 = arith.constant 0 : i32
    %c0_i32_0 = arith.constant 0 : i32
    %c0_i32_1 = arith.constant 0 : i32
    return %c0_i32, %c0_i32_0 : i32, i32
  }
  func.func @transform_5(%arg0: i32) -> (i32, i32) {
    %c0_i32 = arith.constant 0 : i32
    %c0_i32_0 = arith.constant 0 : i32
    %c0_i32_1 = arith.constant 0 : i32
    return %c0_i32, %c0_i32_0 : i32, i32
  }
  func.func @transform_6(%arg0: i32) -> (i32, i32) {
    %c0_i32 = arith.constant 0 : i32
    %c0_i32_0 = arith.constant 0 : i32
    return %arg0, %c0_i32 : i32, i32
  }
}

module attributes {stable_mosaic.version = 14 : i64} {
  func.func @_k4_body(%arg0: i32, %arg1: memref<1000x128xf32, #tpu.memory_space<vmem>>, %arg2: memref<1000x128xf32, #tpu.memory_space<vmem>>, %arg3: memref<1000x128xf32, #tpu.memory_space<vmem>>, %arg4: memref<1000x128xf32, #tpu.memory_space<vmem>>, %arg5: memref<1000x128xf32, #tpu.memory_space<vmem>>, %arg6: memref<1000x1xi32, #tpu.memory_space<vmem>>, %arg7: memref<64x128xf32, #tpu.memory_space<vmem>>, %arg8: memref<1000x1xf32, #tpu.memory_space<vmem>>, %arg9: memref<1000x128xf32, #tpu.memory_space<vmem>>, %arg10: memref<8x128xf32, #tpu.memory_space<vmem>>) attributes {dimension_semantics = [#tpu.dimension_semantics<arbitrary>], iteration_bounds = array<i64: 10>, scalar_prefetch = 0 : i64, scratch_operands = 0 : i64, tpu.core_type = #tpu.core_type<tc>, window_params = [{transform_indices = @transform_0, window_bounds = array<i64: 1000, 128>}, {transform_indices = @transform_1, window_bounds = array<i64: 1000, 128>}, {transform_indices = @transform_2, window_bounds = array<i64: 1000, 128>}, {transform_indices = @transform_3, window_bounds = array<i64: 1000, 128>}, {transform_indices = @transform_4, window_bounds = array<i64: 1000, 128>}, {transform_indices = @transform_5, window_bounds = array<i64: 1000, 1>}, {pipeline_mode = #tpu.pipeline_mode<synchronous>, transform_indices = @transform_6, window_bounds = array<i64: 64, 128>}, {transform_indices = @transform_7, window_bounds = array<i64: 1000, 1>}, {transform_indices = @transform_8, window_bounds = array<i64: 1000, 128>}, {pipeline_mode = #tpu.pipeline_mode<synchronous>, transform_indices = @transform_9, window_bounds = array<i64: 8, 128>}]} {
    %get3A = arith.constant 0 : index
    %get3A_0 = arith.constant 0 : index
    %get3A_1 = vector.load %arg1[%get3A, %get3A_0] : memref<1000x128xf32, #tpu.memory_space<vmem>>, vector<1000x64xf32>
    %get3A_2 = arith.constant 0 : index
    %get3A_3 = arith.constant 0 : index
    %get3A_4 = vector.load %arg2[%get3A_2, %get3A_3] : memref<1000x128xf32, #tpu.memory_space<vmem>>, vector<1000x64xf32>
    %add3A = arith.addf %get3A_1, %get3A_4 : vector<1000x64xf32>
    %get3A_5 = arith.constant 0 : index
    %get3A_6 = arith.constant 0 : index
    %get3A_7 = vector.load %arg3[%get3A_5, %get3A_6] : memref<1000x128xf32, #tpu.memory_space<vmem>>, vector<1000x64xf32>
    %get3A_8 = arith.constant 0 : index
    %get3A_9 = arith.constant 0 : index
    %get3A_10 = vector.load %arg4[%get3A_8, %get3A_9] : memref<1000x128xf32, #tpu.memory_space<vmem>>, vector<1000x64xf32>
    %add3A_11 = arith.addf %get3A_7, %get3A_10 : vector<1000x64xf32>
    %concatenate3A = tpu.concatenate %add3A, %add3A_11 in 1 : vector<1000x64xf32>, vector<1000x64xf32> -> vector<1000x128xf32>
    %get3A_12 = arith.constant 0 : index
    %get3A_13 = arith.constant 64 : index
    %get3A_14 = vector.load %arg1[%get3A_12, %get3A_13] : memref<1000x128xf32, #tpu.memory_space<vmem>>, vector<1000x64xf32>
    %get3A_15 = arith.constant 0 : index
    %get3A_16 = arith.constant 64 : index
    %get3A_17 = vector.load %arg2[%get3A_15, %get3A_16] : memref<1000x128xf32, #tpu.memory_space<vmem>>, vector<1000x64xf32>
    %add3A_18 = arith.addf %get3A_14, %get3A_17 : vector<1000x64xf32>
    %get3A_19 = arith.constant 0 : index
    %get3A_20 = arith.constant 64 : index
    %get3A_21 = vector.load %arg3[%get3A_19, %get3A_20] : memref<1000x128xf32, #tpu.memory_space<vmem>>, vector<1000x64xf32>
    %get3A_22 = arith.constant 0 : index
    %get3A_23 = arith.constant 64 : index
    %get3A_24 = vector.load %arg4[%get3A_22, %get3A_23] : memref<1000x128xf32, #tpu.memory_space<vmem>>, vector<1000x64xf32>
    %add3A_25 = arith.addf %get3A_21, %get3A_24 : vector<1000x64xf32>
    %concatenate3A_26 = tpu.concatenate %add3A_18, %add3A_25 in 1 : vector<1000x64xf32>, vector<1000x64xf32> -> vector<1000x128xf32>
    %add3A_27 = arith.constant 9.99999997E-7 : f32
    %add3A_28 = vector.broadcast %add3A_27 : f32 to vector<1000x128xf32>
    %add3A_29 = arith.addf %concatenate3A_26, %add3A_28 : vector<1000x128xf32>
    %div3A = arith.divf %concatenate3A, %add3A_29 : vector<1000x128xf32>
    %get3A_30 = arith.constant 0 : index
    %get3A_31 = arith.constant 0 : index
    %get3A_32 = vector.load %arg6[%get3A_30, %get3A_31] : memref<1000x1xi32, #tpu.memory_space<vmem>>, vector<1000x1xi32>
    %iota3A = tpu.iota {dimensions = array<i32: 1>} : vector<1x64xi32>
    %eq3A = vector.broadcast %get3A_32 : vector<1000x1xi32> to vector<1000x64xi32>
    %eq3A_33 = vector.broadcast %iota3A : vector<1x64xi32> to vector<1000x64xi32>
    %eq3A_34 = arith.cmpi eq, %eq3A, %eq3A_33 : vector<1000x64xi32>
    %convert_element_type3A = arith.extui %eq3A_34 : vector<1000x64xi1> to vector<1000x64xi32>
    %convert_element_type3A_35 = arith.sitofp %convert_element_type3A : vector<1000x64xi32> to vector<1000x64xf32>
    %get3A_36 = arith.constant 0 : index
    %get3A_37 = arith.constant 0 : index
    %get3A_38 = vector.load %arg7[%get3A_36, %get3A_37] : memref<64x128xf32, #tpu.memory_space<vmem>>, vector<64x128xf32>
    %dot_general3A = arith.constant dense<0.000000e+00> : vector<1000x128xf32>
    %dot_general3A_39 = tpu.matmul %convert_element_type3A_35, %get3A_38, %dot_general3A {dimension_numbers = #tpu.dot_dimension_numbers<[1], [0], [0], [1], [0, 0, 1, 1], [], []>, transpose_lhs_hint = false} : vector<1000x64xf32>, vector<64x128xf32>, vector<1000x128xf32> -> vector<1000x128xf32>
    %get3A_40 = arith.constant 0 : index
    %get3A_41 = arith.constant 0 : index
    %get3A_42 = vector.load %arg5[%get3A_40, %get3A_41] : memref<1000x128xf32, #tpu.memory_space<vmem>>, vector<1000x128xf32>
    %add3A_43 = arith.addf %get3A_42, %div3A : vector<1000x128xf32>
    %add3A_44 = arith.addf %add3A_43, %dot_general3A_39 : vector<1000x128xf32>
    %get3A_45 = arith.constant 0 : index
    %get3A_46 = arith.constant 0 : index
    %get3A_47 = vector.load %arg8[%get3A_45, %get3A_46] : memref<1000x1xf32, #tpu.memory_space<vmem>>, vector<1000x1xf32>
    %mul3A = vector.broadcast %get3A_47 : vector<1000x1xf32> to vector<1000x128xf32>
    %mul3A_48 = arith.mulf %add3A_44, %mul3A : vector<1000x128xf32>
    %swap3A = arith.constant 0 : index
    %swap3A_49 = arith.constant 0 : index
    %swap3A_50 = vector.load %arg9[%swap3A, %swap3A_49] : memref<1000x128xf32, #tpu.memory_space<vmem>>, vector<1000x128xf32>
    tpu.vector_store %arg9[%swap3A, %swap3A_49], %mul3A_48 {strides = array<i32>} : memref<1000x128xf32, #tpu.memory_space<vmem>>, vector<1000x128xf32>,
    %reduce_sum3A = arith.constant dense<0.000000e+00> : vector<128xf32>
    %reduce_sum3A_51 = vector.multi_reduction <add>, %mul3A_48, %reduce_sum3A [0] : vector<1000x128xf32> to vector<128xf32>
    %broadcast_in_dim3A = vector.shape_cast %reduce_sum3A_51 : vector<128xf32> to vector<1x128xf32>
    %mul3A_52 = arith.mulf %mul3A_48, %mul3A_48 : vector<1000x128xf32>
    %reduce_sum3A_53 = arith.constant dense<0.000000e+00> : vector<128xf32>
    %reduce_sum3A_54 = vector.multi_reduction <add>, %mul3A_52, %reduce_sum3A_53 [0] : vector<1000x128xf32> to vector<128xf32>
    %broadcast_in_dim3A_55 = vector.shape_cast %reduce_sum3A_54 : vector<128xf32> to vector<1x128xf32>
    %broadcast_in_dim3A_56 = arith.constant 0.000000e+00 : f32
    %broadcast_in_dim3A_57 = vector.broadcast %broadcast_in_dim3A_56 : f32 to vector<6x128xf32>
    %concatenate3A_58 = tpu.concatenate %broadcast_in_dim3A, %broadcast_in_dim3A_55, %broadcast_in_dim3A_57 in 0 : vector<1x128xf32>, vector<1x128xf32>, vector<6x128xf32> -> vector<8x128xf32>
    %eq3A_59 = arith.constant 0 : i32
    %eq3A_60 = arith.cmpi eq, %arg0, %eq3A_59 : i32
    %convert_element_type3A_61 = arith.extui %eq3A_60 : i1 to i32
    %cond3A = arith.constant 0 : i32
    %cond3A_62 = arith.cmpi ne, %convert_element_type3A_61, %cond3A : i32
    scf.if %cond3A_62 {
      %broadcast_in_dim3A_70 = arith.constant 0.000000e+00 : f32
      %broadcast_in_dim3A_71 = vector.broadcast %broadcast_in_dim3A_70 : f32 to vector<8x128xf32>
      %swap3A_72 = arith.constant 0 : index
      %swap3A_73 = arith.constant 0 : index
      %swap3A_74 = vector.load %arg10[%swap3A_72, %swap3A_73] : memref<8x128xf32, #tpu.memory_space<vmem>>, vector<8x128xf32>
      tpu.vector_store %arg10[%swap3A_72, %swap3A_73], %broadcast_in_dim3A_71 {strides = array<i32>} : memref<8x128xf32, #tpu.memory_space<vmem>>, vector<8x128xf32>,
    } else {
    }
    %get3A_63 = arith.constant 0 : index
    %get3A_64 = arith.constant 0 : index
    %get3A_65 = vector.load %arg10[%get3A_63, %get3A_64] : memref<8x128xf32, #tpu.memory_space<vmem>>, vector<8x128xf32>
    %add3A_66 = arith.addf %get3A_65, %concatenate3A_58 : vector<8x128xf32>
    %swap3A_67 = arith.constant 0 : index
    %swap3A_68 = arith.constant 0 : index
    %swap3A_69 = vector.load %arg10[%swap3A_67, %swap3A_68] : memref<8x128xf32, #tpu.memory_space<vmem>>, vector<8x128xf32>
    tpu.vector_store %arg10[%swap3A_67, %swap3A_68], %add3A_66 {strides = array<i32>} : memref<8x128xf32, #tpu.memory_space<vmem>>, vector<8x128xf32>,
    return
  }
  func.func @transform_0(%arg0: i32) -> (i32, i32) {
    %c0_i32 = arith.constant 0 : i32
    %c0_i32_0 = arith.constant 0 : i32
    return %arg0, %c0_i32 : i32, i32
  }
  func.func @transform_1(%arg0: i32) -> (i32, i32) {
    %add3A = arith.constant 10 : i32
    %add3A_0 = arith.addi %arg0, %add3A : i32
    %c0_i32 = arith.constant 0 : i32
    %c0_i32_1 = arith.constant 0 : i32
    return %add3A_0, %c0_i32 : i32, i32
  }
  func.func @transform_2(%arg0: i32) -> (i32, i32) {
    %c0_i32 = arith.constant 0 : i32
    %c0_i32_0 = arith.constant 0 : i32
    return %arg0, %c0_i32 : i32, i32
  }
  func.func @transform_3(%arg0: i32) -> (i32, i32) {
    %add3A = arith.constant 10 : i32
    %add3A_0 = arith.addi %arg0, %add3A : i32
    %c0_i32 = arith.constant 0 : i32
    %c0_i32_1 = arith.constant 0 : i32
    return %add3A_0, %c0_i32 : i32, i32
  }
  func.func @transform_4(%arg0: i32) -> (i32, i32) {
    %c0_i32 = arith.constant 0 : i32
    %c0_i32_0 = arith.constant 0 : i32
    return %arg0, %c0_i32 : i32, i32
  }
  func.func @transform_5(%arg0: i32) -> (i32, i32) {
    %c0_i32 = arith.constant 0 : i32
    %c0_i32_0 = arith.constant 0 : i32
    return %arg0, %c0_i32 : i32, i32
  }
  func.func @transform_6(%arg0: i32) -> (i32, i32) {
    %c0_i32 = arith.constant 0 : i32
    %c0_i32_0 = arith.constant 0 : i32
    %c0_i32_1 = arith.constant 0 : i32
    return %c0_i32, %c0_i32_0 : i32, i32
  }
  func.func @transform_7(%arg0: i32) -> (i32, i32) {
    %c0_i32 = arith.constant 0 : i32
    %c0_i32_0 = arith.constant 0 : i32
    return %arg0, %c0_i32 : i32, i32
  }
  func.func @transform_8(%arg0: i32) -> (i32, i32) {
    %c0_i32 = arith.constant 0 : i32
    %c0_i32_0 = arith.constant 0 : i32
    return %arg0, %c0_i32 : i32, i32
  }
  func.func @transform_9(%arg0: i32) -> (i32, i32) {
    %c0_i32 = arith.constant 0 : i32
    %c0_i32_0 = arith.constant 0 : i32
    %c0_i32_1 = arith.constant 0 : i32
    return %c0_i32, %c0_i32_0 : i32, i32
  }
}

module attributes {stable_mosaic.version = 14 : i64} {
  func.func @_k7a_body(%arg0: i32, %arg1: memref<1000x128xf32, #tpu.memory_space<vmem>>, %arg2: memref<8x128xf32, #tpu.memory_space<vmem>>, %arg3: memref<1x128xf32, #tpu.memory_space<vmem>>, %arg4: memref<1x128xf32, #tpu.memory_space<vmem>>, %arg5: memref<1000x128xf32, #tpu.memory_space<vmem>>) attributes {dimension_semantics = [#tpu.dimension_semantics<arbitrary>], iteration_bounds = array<i64: 10>, scalar_prefetch = 0 : i64, scratch_operands = 0 : i64, tpu.core_type = #tpu.core_type<tc>, window_params = [{transform_indices = @transform_0, window_bounds = array<i64: 1000, 128>}, {pipeline_mode = #tpu.pipeline_mode<synchronous>, transform_indices = @transform_1, window_bounds = array<i64: 8, 128>}, {pipeline_mode = #tpu.pipeline_mode<synchronous>, transform_indices = @transform_2, window_bounds = array<i64: 1, 128>}, {pipeline_mode = #tpu.pipeline_mode<synchronous>, transform_indices = @transform_3, window_bounds = array<i64: 1, 128>}, {transform_indices = @transform_4, window_bounds = array<i64: 1000, 128>}]} {
    %get3A = arith.constant 0 : index
    %get3A_0 = arith.constant 0 : index
    %get3A_1 = vector.load %arg1[%get3A, %get3A_0] : memref<1000x128xf32, #tpu.memory_space<vmem>>, vector<1000x128xf32>
    %get3A_2 = arith.constant 0 : index
    %get3A_3 = arith.constant 0 : index
    %get3A_4 = vector.load %arg2[%get3A_2, %get3A_3] : memref<8x128xf32, #tpu.memory_space<vmem>>, vector<8x128xf32>
    %get3A_5 = arith.constant 0 : index
    %get3A_6 = arith.constant 0 : index
    %get3A_7 = vector.load %arg3[%get3A_5, %get3A_6] : memref<1x128xf32, #tpu.memory_space<vmem>>, vector<1x128xf32>
    %get3A_8 = arith.constant 0 : index
    %get3A_9 = arith.constant 0 : index
    %get3A_10 = vector.load %arg4[%get3A_8, %get3A_9] : memref<1x128xf32, #tpu.memory_space<vmem>>, vector<1x128xf32>
    %slice3A = vector.extract_strided_slice %get3A_4 {offsets = [0, 0], sizes = [1, 128], strides = [1, 1]} : vector<8x128xf32> to vector<1x128xf32>
    %div3A = arith.constant 1.000000e+04 : f32
    %div3A_11 = vector.broadcast %div3A : f32 to vector<1x128xf32>
    %div3A_12 = arith.divf %slice3A, %div3A_11 : vector<1x128xf32>
    %slice3A_13 = vector.extract_strided_slice %get3A_4 {offsets = [1, 0], sizes = [1, 128], strides = [1, 1]} : vector<8x128xf32> to vector<1x128xf32>
    %div3A_14 = arith.constant 1.000000e+04 : f32
    %div3A_15 = vector.broadcast %div3A_14 : f32 to vector<1x128xf32>
    %div3A_16 = arith.divf %slice3A_13, %div3A_15 : vector<1x128xf32>
    %mul3A = arith.mulf %div3A_12, %div3A_12 : vector<1x128xf32>
    %sub3A = arith.subf %div3A_16, %mul3A : vector<1x128xf32>
    %sub3A_17 = vector.broadcast %div3A_12 : vector<1x128xf32> to vector<1000x128xf32>
    %sub3A_18 = arith.subf %get3A_1, %sub3A_17 : vector<1000x128xf32>
    %mul3A_19 = vector.broadcast %get3A_7 : vector<1x128xf32> to vector<1000x128xf32>
    %mul3A_20 = arith.mulf %mul3A_19, %sub3A_18 : vector<1000x128xf32>
    %add3A = arith.constant 9.99999974E-6 : f32
    %add3A_21 = vector.broadcast %add3A : f32 to vector<1x128xf32>
    %add3A_22 = arith.addf %sub3A, %add3A_21 : vector<1x128xf32>
    %rsqrt3A = math.rsqrt %add3A_22 : vector<1x128xf32>
    %mul3A_23 = vector.broadcast %rsqrt3A : vector<1x128xf32> to vector<1000x128xf32>
    %mul3A_24 = arith.mulf %mul3A_20, %mul3A_23 : vector<1000x128xf32>
    %add3A_25 = vector.broadcast %get3A_10 : vector<1x128xf32> to vector<1000x128xf32>
    %add3A_26 = arith.addf %mul3A_24, %add3A_25 : vector<1000x128xf32>
    %gt3A = arith.constant 0.000000e+00 : f32
    %gt3A_27 = vector.broadcast %gt3A : f32 to vector<1000x128xf32>
    %gt3A_28 = arith.cmpf ogt, %add3A_26, %gt3A_27 : vector<1000x128xf32>
    %min3A = arith.constant 0.000000e+00 : f32
    %min3A_29 = vector.broadcast %min3A : f32 to vector<1000x128xf32>
    %min3A_30 = arith.minimumf %add3A_26, %min3A_29 : vector<1000x128xf32>
    %exp3A = math.exp %min3A_30 : vector<1000x128xf32>
    %sub3A_31 = arith.constant 1.000000e+00 : f32
    %sub3A_32 = vector.broadcast %sub3A_31 : f32 to vector<1000x128xf32>
    %sub3A_33 = arith.subf %exp3A, %sub3A_32 : vector<1000x128xf32>
    %select_n3A = arith.select %gt3A_28, %add3A_26, %sub3A_33 : vector<1000x128xi1>, vector<1000x128xf32>
    %swap3A = arith.constant 0 : index
    %swap3A_34 = arith.constant 0 : index
    %swap3A_35 = vector.load %arg5[%swap3A, %swap3A_34] : memref<1000x128xf32, #tpu.memory_space<vmem>>, vector<1000x128xf32>
    tpu.vector_store %arg5[%swap3A, %swap3A_34], %select_n3A {strides = array<i32>} : memref<1000x128xf32, #tpu.memory_space<vmem>>, vector<1000x128xf32>,
    return
  }
  func.func @transform_0(%arg0: i32) -> (i32, i32) {
    %c0_i32 = arith.constant 0 : i32
    %c0_i32_0 = arith.constant 0 : i32
    return %arg0, %c0_i32 : i32, i32
  }
  func.func @transform_1(%arg0: i32) -> (i32, i32) {
    %c0_i32 = arith.constant 0 : i32
    %c0_i32_0 = arith.constant 0 : i32
    %c0_i32_1 = arith.constant 0 : i32
    return %c0_i32, %c0_i32_0 : i32, i32
  }
  func.func @transform_2(%arg0: i32) -> (i32, i32) {
    %c0_i32 = arith.constant 0 : i32
    %c0_i32_0 = arith.constant 0 : i32
    %c0_i32_1 = arith.constant 0 : i32
    return %c0_i32, %c0_i32_0 : i32, i32
  }
  func.func @transform_3(%arg0: i32) -> (i32, i32) {
    %c0_i32 = arith.constant 0 : i32
    %c0_i32_0 = arith.constant 0 : i32
    %c0_i32_1 = arith.constant 0 : i32
    return %c0_i32, %c0_i32_0 : i32, i32
  }
  func.func @transform_4(%arg0: i32) -> (i32, i32) {
    %c0_i32 = arith.constant 0 : i32
    %c0_i32_0 = arith.constant 0 : i32
    return %arg0, %c0_i32 : i32, i32
  }
}

</mosaic_0001>

<sc_bundles>
// kernel: kernel.11.cloned.1.call-start
scs
__scs_entry_jumppad:
0x0: {  	(pc) =	sbr.rel $0x88, $3  }
0x1: {  	(tag) =	ssettag $0x0;
	lr =	simm.s32 $0x1  }
0x2: {  	[smem:$0x3F80] =	sst lr;
	_ =	strace $0xD0000000  }
0x3: {  	_ = 	snop  }
0x4: {  	_ = 	snop  }
0x5: {  	_ = 	snop  }
0x6: {  	_ = 	snop  }
0x7: {  	_ = 	snop  }
__scs_overlays_trampoline_lowered:
0x8: {  	[smem:$0x3F8F] =	sst s0  }
0x9: {  	[smem:$0x3F90] =	sst s1  }
0xa: {  	[smem:$0x3F91] =	sst s2  }
0xb: {  	[smem:$0x3F92] =	sst s3  }
0xc: {  	[smem:$0x3F93] =	sst s4  }
0xd: {  	[smem:$0x3F94] =	sst s5  }
0xe: {  	[smem:$0x3F95] =	sst s6  }
0xf: {  	[smem:$0x3F96] =	sst s7  }
0x10: {  	[smem:$0x3F97] =	sst s8  }
0x11: {  	[smem:$0x3F98] =	sst s9;
	s0 =	simm.s32 @!p0 $0x0  }
0x12: {  	s1 =	sld [smem:$0x3F7E];
	s0 =	simm.s32 @p0 $0x1  }
0x13: {  	[smem:$0x3F99] =	sst s0;
	s0 =	simm.s32 @!p1 $0x0  }
0x14: {  	s2 =	sld [smem:$0x3F7D];
	s0 =	simm.s32 @p1 $0x1  }
0x15: {  	[smem:$0x3F9A] =	sst s0;
	s0 =	simm.s32 @!p2 $0x0  }
0x16: {  	s3 =	sld [smem:$0x3FDB];
	s0 =	simm.s32 @p2 $0x1  }
0x17: {  	s4 =	simm.s32 $0x1BF5;
	[smem:$0x3F9C] =	sst s0  }
0x18: {  	s0 =	sld [smem:$0x3F7F];
	_ =	swait.ge [sflag:s4], $0x0  }
0x19: {  	s7 =	sld [smem:$0x3F80]  }
0x1a: {  	s8 =	sadd.s32 $0xFFFFE003, lr  }
0x1b: {  	s9 =	sadd.s32 $0xFFFFFEF7, lr;
	s5 =	simm.s32 $0xFFFFFFFF;
	p2 =	slt.u32 s8, $0xFFFFF086  }
0x1c: {  	p1 =	slt.u32 s9, $0xF7A;
	s5 =	simm.s32 @!p2 $0x0  }
0x1d: {  	s5 =	simm.s32 @p1 $0x1;
	p0 =	seq.s32 s7, s2  }
0x1e: {  	s7 =	smul.u32 @!p0 $0xF7A, s2;
	p2 =	seq.s32 @!p0 s5, $0x0  }
0x1f: {  	s9 =	smul.u32 $0xF7A, s1;
	s8 =	simm.s32 @!p0 $0x1BF5;
	p2 =	por !p2, p0  }
0x20: {  	[sflag:s8] =	ssyncset.s32 @!p0 $0xFFFFF086;
	s6 =	sadd.s32 @!p0 s3, s7;
	s7 =	simm.s32 @!p0 $0x108  }
0x21: {  	s3 =	sadd.s32 s3, s9;
	s6 =	sadd.s32 @!p0 $0x88, s6;
	s7 =	simm.s32 @p2 $0x1082  }
0x22: {  	[simem:s7], [sflag:s8] =	dma.local @!p0 [hbm:s6], $0xF7A  }
0x23: {  	s9 =	sor.u32 $0xD0000000, s2;
	s6 =	simm.s32 $0x108;
	_ =	swait.ge @!p0 [sflag:s8], $0x0  }
0x24: {  	s3 =	sadd.s32 $0x88, s3;
	s6 =	simm.s32 @!p1 $0x1082;
	[sflag:s4] =	ssyncset.s32 $0xFFFFF086  }
0x25: {  	[simem:s6], [sflag:s4] =	dma.local [hbm:s3], $0xF7A  }
0x26: {  	[smem:$0x3F80] =	sst s1;
	(tag) =	ssettag s2;
	_ =	strace s9  }
0x27: {  	s1 =	sld [smem:$0x3F90]  }
0x28: {  	s2 =	sld [smem:$0x3F91]  }
0x29: {  	s4 =	sld [smem:$0x3F93]  }
0x2a: {  	p0 =	seq.s32 s5, $0x0;
	s5 =	sld [smem:$0x3F94]  }
0x2b: {  	s6 =	sld [smem:$0x3F95]  }
0x2c: {  	s7 =	sld [smem:$0x3F96]  }
0x2d: {  	s3 =	simm.s32 $0x108;
	s8 =	sld [smem:$0x3F97]  }
0x2e: {  	s3 =	simm.s32 @!p0 $0x1082;
	s9 =	sld [smem:$0x3F98]  }
0x2f: {  	lr =	sadd.s32 s0, s3;
	s0 =	sld [smem:$0x3F8F]  }
0x30: {  	s3 =	sld [smem:$0x3F92]  }
0x31: {  	[smem:$0x3F9B] =	sst s10  }
0x32: {  	s10 =	sld [smem:$0x3F99];
	_ =	sdelay $0x3  }
0x33: {  	p0 =	seq.s32 s10, $0x1;
	s10 =	sld [smem:$0x3F9B];
	_ =	sdelay $0x3  }
0x34: {  	[smem:$0x3F9B] =	sst s10  }
0x35: {  	s10 =	sld [smem:$0x3F9A];
	_ =	sdelay $0x3  }
0x36: {  	p1 =	seq.s32 s10, $0x1;
	s10 =	sld [smem:$0x3F9B];
	_ =	sdelay $0x3  }
0x37: {  	[smem:$0x3F9B] =	sst s10  }
0x38: {  	s10 =	sld [smem:$0x3F9C]  }
0x39: {  	_ = 	snop;
	(pc) =	sbr.ind lr, $3  }
0x3a: {  	_ = 	snop  }
0x3b: {  	_ = 	snop  }
0x3c: {  	p2 =	seq.s32 s10, $0x1;
	s10 =	sld [smem:$0x3F9B]  }
0x3d: {  	_ =	shalt  }
0x3e: {  	_ =	shalt  }
0x3f: {  	_ =	shalt  }
0x40: {  	_ =	shalt  }
0x41: {  	_ =	shalt  }
0x42: {  	_ =	shalt  }
0x43: {  	_ =	shalt  }
0x44: {  	_ =	shalt  }
0x45: {  	_ =	shalt  }
0x46: {  	_ =	shalt  }
0x47: {  	_ =	shalt  }
0x48: {  	_ =	shalt  }
0x49: {  	_ =	shalt  }
0x4a: {  	_ =	shalt  }
0x4b: {  	_ =	shalt  }
0x4c: {  	_ =	shalt  }
0x4d: {  	_ =	shalt  }
0x4e: {  	_ =	shalt  }
0x4f: {  	_ =	shalt  }
0x50: {  	_ =	shalt  }
0x51: {  	_ =	shalt  }
0x52: {  	_ =	shalt  }
0x53: {  	_ =	shalt  }
0x54: {  	_ =	shalt  }
0x55: {  	_ =	shalt  }
0x56: {  	_ =	shalt  }
0x57: {  	_ =	shalt  }
0x58: {  	_ =	shalt  }
0x59: {  	_ =	shalt  }
0x5a: {  	_ =	shalt  }
0x5b: {  	_ =	shalt  }
0x5c: {  	_ =	shalt  }
0x5d: {  	_ =	shalt  }
0x5e: {  	_ =	shalt  }
0x5f: {  	_ =	shalt  }
0x60: {  	_ =	shalt  }
0x61: {  	_ =	shalt  }
0x62: {  	_ =	shalt  }
0x63: {  	_ =	shalt  }
0x64: {  	_ =	shalt  }
0x65: {  	_ =	shalt  }
0x66: {  	_ =	shalt  }
0x67: {  	_ =	shalt  }
0x68: {  	_ =	shalt  }
0x69: {  	_ =	shalt  }
0x6a: {  	_ =	shalt  }
0x6b: {  	_ =	shalt  }
0x6c: {  	_ =	shalt  }
0x6d: {  	_ =	shalt  }
0x6e: {  	_ =	shalt  }
0x6f: {  	_ =	shalt  }
0x70: {  	_ =	shalt  }
0x71: {  	_ =	shalt  }
0x72: {  	_ =	shalt  }
0x73: {  	_ =	shalt  }
0x74: {  	_ =	shalt  }
0x75: {  	_ =	shalt  }
0x76: {  	_ =	shalt  }
0x77: {  	_ =	shalt  }
0x78: {  	_ =	shalt  }
0x79: {  	_ =	shalt  }
0x7a: {  	_ =	shalt  }
0x7b: {  	_ =	shalt  }
0x7c: {  	_ =	shalt  }
0x7d: {  	_ =	shalt  }
0x7e: {  	_ =	shalt  }
0x7f: {  	_ =	shalt  }
0x80: {  	_ =	shalt  }
0x81: {  	_ =	shalt  }
0x82: {  	_ =	shalt  }
0x83: {  	_ =	shalt  }
0x84: {  	_ =	shalt  }
0x85: {  	_ =	shalt  }
0x86: {  	_ =	shalt  }
0x87: {  	_ =	shalt  }
.Lfunc_end0:
.L_simem_size_0:
called_computation_lowered:
.L_overlay_start_0:
0x88: {  	s2 =	sld [smem:$0x3FD9]  }
0x89: {  	s3 =	sld [smem:$0x3FFE];
	_ =	sdelay $0x1  }
0x8a: {  	s1 =	srdreg.scid  }
0x8b: {  	s0 =	sand.u32 $0x1, s1  }
0x8c: {  	s14 =	sshll.u32 s0, $0xA;
	s2 =	sadd.s32 s3, s2  }
0x8d: {  	s2 =	sadd.s32 s2, s14  }
0x8e: {  	[smem:$0x3FA7] =	sst s2  }
0x8f: {  	_ = 	snop  }
0x90: {  	s2 =	sld [smem:$0x3FD0];
	_ =	sdelay $0x1  }
0x91: {  	s15 =	sld [smem:$0x3FC6]  }
0x92: {  	s5 =	simm.s32 $0xA;
	s6 =	simm.s32 $0x10;
	s4 =	sld [smem:$0x3FC5]  }
0x93: {  	[smem:s6], [sflag:s5] =	dma.local [hbm:s2], $0x1  }
0x94: {  	_ =	swait.eq [sflag:s5], $0x1  }
0x95: {  	[sflag:s5] =	ssyncset.done $0x0  }
0x96: {  	[sflag:s5] =	ssyncadd.s32 $0xFFFFFFFF  }
0x97: {  	s16 =	sld [smem:$0x11];
	(tm) =	ssettm $0x1  }
0x98: {  	s17 =	sld [smem:$0x3FFB];
	_ =	sdelay $0x3  }
0x99: {  	_ =	strace s17  }
0x9a: {  	s5 =	sld [smem:$0x3FFC];
	_ =	sdelay $0x3  }
0x9b: {  	_ =	strace s5  }
0x9c: {  	s5 =	sld [smem:$0x3FFD];
	_ =	sdelay $0x3  }
0x9d: {  	_ =	strace s5  }
0x9e: {  	_ =	strace $0x8FFFFFFF  }
0x9f: {  	s18 =	sld [smem:$0x3FDB];
	_ =	sdelay $0x1  }
0xa0: {  	s19 =	simm.s32 $_scs_section_size  }
0xa1: {  	s7 =	simm.s32 $_size__tile_overlayer_lowered;
	s8 =	simm.s32 $_tile_overlayer_lowered  }
0xa2: {  	s22 =	simm.s32 $0x1BFF;
	s21 =	sshll.u32 s8, $0x1;
	s5 =	sadd.s32 s19, s18  }
0xa3: {  	s9 =	simm.s32 $0x0;
	s20 =	sshll.u32 s7, $0x1;
	s7 =	sadd.s32 s21, s5  }
0xa4: {  	[timem:s9], [sflag:s22] =	dma.local [hbm:s7], s20  }
0xa5: {  	_ =	swait.ge [sflag:s22], s20  }
0xa6: {  	s6 =	ssub.s32 $0x0, s20;
	[sflag:s22] =	ssyncset.done $0x0  }
0xa7: {  	[sflag:s22] =	ssyncadd.s32 s6;
	_ =	sdelay $0x1  }
0xa8: {  	s23 =	simm.s32 $0x1B8B  }
0xa9: {  	_ =	swait.ge [sflag:s23], $0x1  }
0xaa: {  	[sflag:s23] =	ssyncset.done $0x0  }
0xab: {  	s25 =	simm.s32 $0x1B8E;
	s24 =	sld [smem:$0x3FFE];
	[sflag:s23] =	ssyncadd.s32 $0xFFFFFFFF  }
0xac: {  	s26 =	simm.s32 $execute0_lowered;
	[smem:$0x3FD2] =	sst s25  }
0xad: {  	s7 =	sshll.u32 s26, $0x1;
	_ =	strace $0x80000046;
	[dreg:$0x1] =	wrdreg $0xFFFFFFFF  }
0xae: {  	s28 =	simm.s32 $_size_execute0_lowered;
	s5 =	sadd.s32 s5, s7;
	[dreg:$0x0] =	wrdreg $0x0  }
0xaf: {  	s7 =	sshll.u32 s28, $0x1;
	[dreg:$0x2] =	wrdreg s5  }
0xb0: {  	[dreg:$0x3] =	wrdreg s7  }
0xb1: {  	[dreg:$0x4] =	wrdreg $0xC0  }
0xb2: {  	_ =	task [dreg:s9], $0x5FFFF  }
0xb3: {  	[dreg:$0x1] =	wrdreg $0xFFFFFFFF  }
0xb4: {  	[dreg:$0x0] =	wrdreg $0x60  }
0xb5: {  	[dreg:$0x2] =	wrdreg s24  }
0xb6: {  	[dreg:$0x3] =	wrdreg s15  }
0xb7: {  	[dreg:$0x4] =	wrdreg s4  }
0xb8: {  	[dreg:$0x5] =	wrdreg s16  }
0xb9: {  	[dreg:$0x6] =	wrdreg $0xB6000  }
0xba: {  	[dreg:$0x7] =	wrdreg $0x9  }
0xbb: {  	_ =	task.clear_ibuf [dreg:s9], $0x8FFFF;
	_ =	strace $0x90000046  }
0xbc: {  	s29 =	simm.s32 $0x9;
	_ =	strace $0x80000048  }
0xbd: {  	_ =	swait.ge [sflag:s29], $0x1  }
0xbe: {  	[sflag:s29] =	ssyncadd.s32 $0xFFFFFFFF  }
0xbf: {  	_ =	strace $0x90000048  }
0xc0: {  	_ =	sfence  }
0xc1: {  	s30 =	sld [smem:$0x0];
	_ =	sdelay $0x2  }
0xc2: {  	s31 =	sshll.u32 s1, $0xD;
	s1 =	sshrl.u32 s1, $0x2  }
0xc3: {  	s3 =	sand.u32 $0x4000, s31;
	s1 =	sadd.s32 s1, s30  }
0xc4: {  	s0 =	sor.u32 s3, s0;
	s1 =	sshll.u32 s1, $0x11  }
0xc5: {  	s0 =	sor.u32 s1, s0  }
0xc6: {  	s0 =	sadd.s32 $0x8F2B, s0  }
0xc7: {  	[sflag:s0] =	ssyncadd.remote.s32 $0x1  }
0xc8: {  	_ =	sfence.sel $0xFFFF  }
0xc9: {  	[dreg:$0x0] =	wrdreg $0xFFFFFFFF;
	(pc) =	sbr.abs _section_cstart, $3  }
0xca: {  	[dreg:$0x1] =	wrdreg $0xFFFFFFFF  }
0xcb: {  	_ =	task.clear_ibuf [dreg:s9], $0x2FFFF;
	_ =	strace $0x9FFFFFFF  }
0xcc: {  	(tm) =	ssettm $0x7FFFFFFF  }
0xcd: {  	_ =	shalt  }
tec
execute0_lowered:
.L_overlay_start_1:
0x0: {  	(tag) =	ssettag $0x1  }
0x1: {  	s0 =	rddreg [dreg:$0x0]  }
0x2: {  	s10 =	rddreg [dreg:$0x1]  }
0x3: {  	s11 =	rddreg [dreg:$0x2]  }
0x4: {  	s4 =	rddreg [dreg:$0x4];
	s5 =	simm.s32 $0x0  }
0x5: {  	s1 =	srdreg.scid;
	s2 =	stileid.u32;
	s30 =	simm.s32 $0x100  }
0x6: {  	s31 =	simm.s32 $0x180;
	s17 =	simm.s32 $0x1;
	s18 =	simm.s32 $0x2  }
0x7: {  	s19 =	simm.s32 $0x3;
	s15 =	simm.s32 $0x7;
	[smem:$0x7FF] =	sst s5  }
0x8: {  	s6 =	sadd.s32 $0x7400, s0;
	s7 =	sadd.s32 $0x2E600, s0;
	s13 =	sadd.s32 $0x7CE00, s0  }
0x9: {  	s1 =	sand.u32 $0x1, s1;
	s3 =	sshll.u32 s2, $0x1;
	s14 =	sadd.s32 $0x55EE00, s0  }
0xa: {  	s9 =	sadd.s32 $0xA41600, s0;
	s20 =	sadd.s32 $0xF23600, s0;
	p0 =	sne.s32 s2, $0x0  }
0xb: {  	s2 =	simm.s32 $0x0;
	s8 =	smul.u32 $0x27100, s1;
	s3 =	sor.u32 s1, s3  }
0xc: {  	_ =	strace $0x80000047;
	[dreg:$0x6] =	wrdreg s9;
	s12 =	smul.u32 $0x2710, s3  }
0xd: {  	s1 =	ssub.s32 $0x2, s1;
	[dreg:$0x7] =	wrdreg s20;
	s3 =	smul.u32 $0x27100, s3  }
0xe: {  	s16 =	smov.u32 s13;
	s20 =	simm.s32 $0x7A00;
	s21 =	sshrl.u32 s1, $0x1  }
0xf: {  	s0 =	sadd.s32 s8, s0;
	s1 =	ssub.s32 s1, s21;
	s24 =	sadd.s32 s13, s3  }
0x10: {  	s21 =	smov.u32 s14;
	s25 =	sadd.s32 $0x50, s12;
	[dreg:$0xa] =	wrdreg s24  }
0x11: {  	s22 =	sshrl.u32 s12, $0x3;
	s26 =	sadd.s32 $0x1405600, s0;
	[dreg:$0xb] =	wrdreg s25  }
0x12: {  	s3 =	sadd.s32 s14, s3;
	s0 =	sadd.s32 $0x1453800, s0;
	[dreg:$0xc] =	wrdreg s26  }
0x13: {  	s28 =	smax.u32 s1, $0x1;
	s29 =	sadd.s32 $0x28, s12;
	[dreg:$0xd] =	wrdreg s3  }
0x14: {  	s13 =	simm.s32 $0x8E00;
	s14 =	simm.s32 $0xA200;
	[dreg:$0xe] =	wrdreg s0  }
0x15: {  	s23 =	sadd.s32 s10, s22;
	s8 =	sadd.s32 s11, s22;
	[dreg:$0xf] =	wrdreg s28  }
0x16: {  	s11 =	smov.u32 s12;
	[dreg:$0x10] =	wrdreg s29;
	s24 =	simm.s32 $0x80  }
0x17: {  	s25 =	simm.s32 $0x28;
	s22 =	simm.s32 $0x4;
	[dreg:$0x8] =	wrdreg s23  }
0x18: {  	s0 =	simm.s32 $0x5;
	[dreg:$0x9] =	wrdreg s8;
	s8 =	sshrl.u32 @!p0 s4, $0x3  }
0x19: {  	s3 =	simm.s32 $0x6;
	s23 =	simm.s32 $0x8;
	[dreg:$0x11] =	wrdreg s8  }
.LBB2_1:
0x1a: {  	[dreg:$0x12] =	wrdreg s2  }
0x1b: {  	s1 =	simm.s32 @!p0 $0x1C08;
	s2 =	rddreg [dreg:$0x3]  }
0x1c: {  	[spmem:s8], [sflag:s1] =	dma.local @!p0 [hbm:s2], $0x27100  }
0x1d: {  	s1 =	simm.s32 @!p0 $0x8  }
0x1e: {  	_ =	swait.ge @!p0 [sflag:s1], $0x27100  }
0x1f: {  	[sflag:s1] =	ssyncset.done @!p0 $0x0  }
0x20: {  	[sflag:s1] =	ssyncadd.s32 @!p0 $0xFFFD8F00  }
0x21: {  	[bflag:$0x0] =	sbarrier.arrive $0xFFFF  }
0x22: {  	s8 =	rddreg [dreg:$0x8]  }
0x23: {  	[tilespmem:s5], [sflag:$0x8] =	stream.linear.gather [hbm4b:s8+s5], $0x28, $0x38;
	[tilespmem:$0x1EE80] =	vst v63  }
0x24: {  	_ =	swait.ge [sflag:s23], $0x28  }
0x25: {  	[sflag:s23] =	ssyncset.done $0x0  }
0x26: {  	s9 =	rddreg [dreg:$0x9];
	[sflag:s23] =	ssyncadd.s32 $0xFFFFFFD8  }
0x27: {  	[tilespmem:s24], [sflag:$0x8] =	stream.linear.gather [hbm4b:s9+s5], $0x28, $0x38;
	[tilespmem:$0x1EE80] =	vst v63  }
0x28: {  	_ =	swait.ge [sflag:s23], $0x28  }
0x29: {  	[sflag:s23] =	ssyncset.done $0x0  }
0x2a: {  	s12 =	simm.s32 $0x200;
	[sflag:s23] =	ssyncadd.s32 $0xFFFFFFD8  }
0x2b: {  	[tilespmem:s12], [sflag:$0x1] =	stream.indirect.gather [hbm4b:s6+s25], $0x80, s5, s25, $0xb8;
	[tilespmem:$0x1EE80] =	vst v63  }
0x2c: {  	s26 =	simm.s32 $0x1600  }
0x2d: {  	[tilespmem:s26], [sflag:$0x2] =	stream.indirect.gather [hbm4b:s6+s25], $0x80, s24, s25, $0xb8;
	[tilespmem:$0x1EE80] =	vst v63  }
0x2e: {  	s29 =	simm.s32 $0x5200;
	s28 =	rddreg [dreg:$0xa];
	s26 =	simm.s32 $0x0  }
0x2f: {  	[tilespmem:s29], [sflag:$0x3] =	stream.linear.gather [hbm4b:s28+s5], $0x1400, $0x38;
	[tilespmem:$0x1EE80] =	vst v63  }
.LBB2_2:
0x30: {  	s29 =	smul.u32 $0x50, s26  }
0x31: {  	s1 =	rddreg [dreg:$0x10]  }
0x32: {  	s1 =	sadd.s32 s1, s29  }
0x33: {  	s2 =	sshrl.u32 s1, $0x3  }
0x34: {  	s8 =	sadd.s32 s10, s2  }
0x35: {  	[tilespmem:s30], [sflag:$0x8] =	stream.linear.gather [hbm4b:s8+s5], $0x28, $0x38;
	[tilespmem:$0x1EE80] =	vst v63  }
0x36: {  	_ =	swait.ge [sflag:s23], $0x28  }
0x37: {  	[sflag:s23] =	ssyncset.done $0x0  }
0x38: {  	[sflag:s23] =	ssyncadd.s32 $0xFFFFFFD8  }
0x39: {  	s12 =	smov.u32 s10;
	s10 =	rddreg [dreg:$0x2]  }
0x3a: {  	s2 =	sadd.s32 s10, s2  }
0x3b: {  	[tilespmem:s31], [sflag:$0x8] =	stream.linear.gather [hbm4b:s2+s5], $0x28, $0x38;
	[tilespmem:$0x1EE80] =	vst v63  }
0x3c: {  	_ =	swait.ge [sflag:s23], $0x28  }
0x3d: {  	[sflag:s23] =	ssyncset.done $0x0  }
0x3e: {  	s8 =	simm.s32 $0x2A00;
	[sflag:s23] =	ssyncadd.s32 $0xFFFFFFD8  }
0x3f: {  	[tilespmem:s8], [sflag:$0x4] =	stream.indirect.gather [hbm4b:s6+s25], $0x80, s30, s25, $0xb8;
	[tilespmem:$0x1EE80] =	vst v63  }
0x40: {  	s9 =	simm.s32 $0x3E00;
	s28 =	sshll.u32 s1, $0x4  }
0x41: {  	[tilespmem:s9], [sflag:$0x5] =	stream.indirect.gather [hbm4b:s6+s25], $0x80, s31, s25, $0xb8;
	[tilespmem:$0x1EE80] =	vst v63  }
0x42: {  	s1 =	sadd.s32 s16, s28;
	s10 =	simm.s32 $0x6600  }
0x43: {  	[tilespmem:s10], [sflag:$0x6] =	stream.linear.gather [hbm4b:s1+s5], $0x1400, $0x38;
	[tilespmem:$0x1EE80] =	vst v63  }
0x44: {  	_ =	swait.ge [sflag:s17], $0x1400  }
0x45: {  	[sflag:s17] =	ssyncset.done $0x0  }
0x46: {  	[sflag:s17] =	ssyncadd.s32 $0xFFFFEC00  }
0x47: {  	_ =	swait.ge [sflag:s18], $0x1400  }
0x48: {  	[sflag:s18] =	ssyncset.done $0x0  }
0x49: {  	[sflag:s18] =	ssyncadd.s32 $0xFFFFEC00  }
0x4a: {  	_ =	swait.ge [sflag:s19], $0x1400  }
0x4b: {  	p1 =	seq.s32 s26, $0x0;
	[sflag:s19] =	ssyncset.done $0x0  }
0x4c: {  	s1 =	simm.s32 @!p1 $0x7;
	[sflag:s19] =	ssyncadd.s32 $0xFFFFEC00  }
0x4d: {  	_ =	swait.ge @!p1 [sflag:s1], $0x1400  }
0x4e: {  	[sflag:s1] =	ssyncset.done @!p1 $0x0  }
0x4f: {  	s8 =	simm.s32 $0x0;
	[sflag:s1] =	ssyncadd.s32 @!p1 $0xFFFFEC00  }
0x50: {  	v0 =	vld [tilespmem:s8+$0x230]  }
0x51: {  	v1 =	vld [tilespmem:s8+$0x1630];
	_ =	sdelay $0x1  }
0x52: {  	v2 =	vld [tilespmem:s8+$0x5230]  }
0x53: {  	v6 =	vld [tilespmem:s8+$0x200]  }
0x54: {  	v7 =	vld [tilespmem:s8+$0x1600]  }
0x55: {  	v8 =	vld [tilespmem:s8+$0x210];
	v0 =	vadd.f32 v1, v0  }
0x56: {  	v9 =	vld [tilespmem:s8+$0x1610]  }
0x57: {  	v10 =	vld [tilespmem:s8+$0x220];
	v0 =	vadd.f32 v2, v0  }
0x58: {  	v11 =	vld [tilespmem:s8+$0x1620]  }
0x59: {  	v12 =	vld [tilespmem:s8+$0x5200];
	v1 =	vsub.f32 $0.0e+00, v0  }
0x5a: {  	v13 =	vld [tilespmem:s8+$0x5210]  }
0x5b: {  	v14 =	vld [tilespmem:s8+$0x5220];
	v6 =	vadd.f32 v7, v6;
	v7 =	vmul.f32 $1.442695020e+00, v1  }
0x5c: {  	v3 =	vld [tilespmem:s8+$0x1640]  }
0x5d: {  	v5 =	vld [tilespmem:s8+$0x240];
	(erf) = vpow2.f32 v7  }
0x5e: {  	v4 =	vld [tilespmem:s8+$0x1650];
	v8 =	vadd.f32 v9, v8;
	v9 =	vadd.f32 v11, v10  }
0x5f: {  	v16 =	vld [tilespmem:s8+$0x1670]  }
0x60: {  	v21 =	vld [tilespmem:s8+$0x270];
	v6 =	vadd.f32 v12, v6;
	v9 =	vadd.f32 v14, v9  }
0x61: {  	s1 =	simm.s32 $0x80;
	v2 =	vld [tilespmem:s8+$0x250];
	v8 =	vadd.f32 v13, v8;
	[tilespmem:s8+$0x7A30] =	vst v0  }
0x62: {  	v13 =	vsub.f32 $0.0e+00, v9;
	v7 =	vld [tilespmem:s1+$0x230];
	[tilespmem:s8+$0x7A00] =	vst v6;
	v6 =	vsub.f32 $0.0e+00, v6  }
0x63: {  	v10 =	vld [tilespmem:s1+$0x1630];
	[tilespmem:s8+$0x7A10] =	vst v8;
	v8 =	vsub.f32 $0.0e+00, v8  }
0x64: {  	v0 =	vld [tilespmem:s8+$0x1660];
	v6 =	vmul.f32 $1.442695020e+00, v6  }
0x65: {  	v1 =	vld [tilespmem:s8+$0x260];
	v8 =	vmul.f32 $1.442695020e+00, v8  }
0x66: {  	v11 =	vld [tilespmem:s1+$0x200];
	(erf) = vpow2.f32 v6;
	v6 =	vmul.f32 $1.442695020e+00, v13;
	v13 =	vpop (erf)  }
0x67: {  	v12 =	vld [tilespmem:s1+$0x5230];
	(erf) = vpow2.f32 v8;
	v8 =	vadd.f32 $1.000000000e+00, v13  }
0x68: {  	v14 =	vld [tilespmem:s1+$0x1600];
	(erf) = vpow2.f32 v6  }
0x69: {  	v15 =	vld [tilespmem:s1+$0x210];
	(erf) = vrcp.f32 v8  }
0x6a: {  	v17 =	vld [tilespmem:s1+$0x1610]  }
0x6b: {  	v18 =	vld [tilespmem:s1+$0x1620]  }
0x6c: {  	v19 =	vld [tilespmem:s1+$0x5200]  }
0x6d: {  	v20 =	vld [tilespmem:s1+$0x5210];
	v7 =	vadd.f32 v10, v7  }
0x6e: {  	v22 =	vld [tilespmem:s1+$0x5220]  }
0x6f: {  	v6 =	vld [tilespmem:s1+$0x240];
	v10 =	vadd.f32 v12, v7;
	v12 =	vpop (erf)  }
0x70: {  	v13 =	vld [tilespmem:s1+$0x220];
	v23 =	vpop (erf)  }
0x71: {  	v14 =	vadd.f32 v14, v11;
	v15 =	vadd.f32 v17, v15;
	v8 =	vld [tilespmem:s1+$0x1640];
	[tilespmem:s8+$0x7A20] =	vst v9;
	v24 =	vpop (erf)  }
0x72: {  	v7 =	vld [tilespmem:s1+$0x1650];
	[tilespmem:s1+$0x7A30] =	vst v10;
	v10 =	vsub.f32 $0.0e+00, v10;
	v12 =	vadd.f32 $1.000000000e+00, v12;
	v25 =	vpop (erf)  }
0x73: {  	v19 =	vadd.f32 v19, v14;
	v9 =	vld [tilespmem:s1+$0x250];
	v17 =	vadd.f32 $1.000000000e+00, v23;
	[tilespmem:s8+$0x8E70] =	vst v25;
	v14 =	vmul.f32 v25, v21  }
0x74: {  	v10 =	vmul.f32 $1.442695020e+00, v10;
	(erf) = vrcp.f32 v12;
	v11 =	vld [tilespmem:s1+$0x1660];
	[tilespmem:s8+$0xA270] =	vst v25  }
0x75: {  	(erf) = vrcp.f32 v17;
	v12 =	vld [tilespmem:s1+$0x260];
	[tilespmem:s8+$0xA230] =	vst v14;
	v14 =	vadd.f32 $1.000000000e+00, v24  }
0x76: {  	(erf) = vpow2.f32 v10  }
0x77: {  	v15 =	vadd.f32 v20, v15;
	v13 =	vadd.f32 v18, v13;
	(erf) = vrcp.f32 v14  }
0x78: {  	v17 =	vsub.f32 $0.0e+00, v19  }
0x79: {  	v18 =	vsub.f32 $0.0e+00, v15;
	v13 =	vadd.f32 v22, v13;
	v16 =	vmul.f32 v25, v16  }
0x7a: {  	v63 =	vmul.f32 $1.442695020e+00, v17  }
0x7b: {  	s9 =	simm.s32 $0x100;
	v17 =	vsub.f32 $0.0e+00, v13;
	v10 =	vld [tilespmem:s1+$0x1670];
	[tilespmem:s8+$0x8E30] =	vst v16;
	v16 =	vmul.f32 $1.442695020e+00, v18  }
0x7c: {  	s2 =	sshll.u32 s26, $0x1;
	s10 =	simm.s32 $0x600;
	v14 =	vld [tilespmem:s9+$0x230];
	[tilespmem:s1+$0x7A00] =	vst v19;
	(erf) = vpow2.f32 v63  }
.LBB2_3:
0x7d: {  	p1 =	sne.s32 s10, $0x4E00;
	v18 =	vld [tilespmem:s9+$0x1630];
	[tilespmem:s1+$0x7A10] =	vst v15;
	v23 =	vmul.f32 $1.442695020e+00, v17;
	(erf) = vpow2.f32 v16;
	v16 =	vpop (erf)  }
0x7e: {  	v17 =	vld [tilespmem:s9+$0x200];
	v19 =	vmul.f32 v16, v3;
	v20 =	vmul.f32 v16, v5;
	[tilespmem:s8+$0x8E40] =	vst v16;
	v21 =	vpop (erf);
	v3 =	vmov v8  }
0x7f: {  	v5 =	vmov v6;
	v8 =	vld [tilespmem:s9+$0x5230];
	(erf) = vpow2.f32 v23;
	v15 =	vpop (erf);
	[tilespmem:s8+$0xA240] =	vst v16;
	v16 =	vmul.f32 v21, v4  }
0x80: {  	v4 =	vmov v7;
	v6 =	vld [tilespmem:s9+$0x1600];
	v15 =	vadd.f32 $1.000000000e+00, v15;
	[tilespmem:s8+$0x8E00] =	vst v19;
	v19 =	vmul.f32 v21, v2;
	v22 =	vpop (erf)  }
0x81: {  	v2 =	vmovc v9;
	v7 =	vld [tilespmem:s9+$0x210];
	[tilespmem:s8+$0xA200] =	vst v20;
	v20 =	vmul.f32 v22, v0;
	v23 =	vmul.f32 v22, v1;
	v0 =	vmov v11  }
0x82: {  	v1 =	vmov v12;
	v9 =	vld [tilespmem:s9+$0x1610];
	v11 =	vadd.f32 v18, v14;
	(erf) = vrcp.f32 v15;
	[tilespmem:s8+$0x8E10] =	vst v16  }
0x83: {  	v12 =	vld [tilespmem:s9+$0x220];
	[tilespmem:s8+$0xA210] =	vst v19  }
0x84: {  	v14 =	vld [tilespmem:s9+$0x1620];
	v11 =	vadd.f32 v8, v11;
	[tilespmem:s8+$0x8E20] =	vst v20  }
0x85: {  	v6 =	vadd.f32 v6, v17;
	v15 =	vld [tilespmem:s9+$0x5200];
	v8 =	vpop (erf);
	[tilespmem:s8+$0xA220] =	vst v23  }
0x86: {  	v16 =	vld [tilespmem:s9+$0x5210];
	v17 =	vsub.f32 $0.0e+00, v11;
	v8 =	vadd.f32 $1.000000000e+00, v8;
	v18 =	vpop (erf);
	[tilespmem:s8+$0x8E50] =	vst v21  }
0x87: {  	v7 =	vadd.f32 v9, v7;
	v9 =	vadd.f32 $1.000000000e+00, v18;
	v18 =	vld [tilespmem:s1+$0x270];
	[tilespmem:s8+$0xA250] =	vst v21  }
0x88: {  	v19 =	vld [tilespmem:s9+$0x5220];
	v17 =	vmul.f32 $1.442695020e+00, v17;
	(erf) = vrcp.f32 v8;
	v20 =	vpop (erf);
	[tilespmem:s8+$0x8E60] =	vst v22  }
0x89: {  	v8 =	vld [tilespmem:s9+$0x1640];
	v12 =	vadd.f32 v14, v12;
	v21 =	vadd.f32 $1.000000000e+00, v20;
	(erf) = vrcp.f32 v9;
	[tilespmem:s8+$0xA260] =	vst v22;
	s8 =	smov.u32 s1;
	s1 =	smov.u32 s9  }
0x8a: {  	v20 =	vadd.f32 v15, v6;
	v6 =	vld [tilespmem:s1+$0x240];
	(erf) = vpow2.f32 v17;
	[tilespmem:s8+$0x7A20] =	vst v13  }
0x8b: {  	v15 =	vadd.f32 v16, v7;
	v7 =	vld [tilespmem:s1+$0x1650];
	[tilespmem:s1+$0x7A30] =	vst v11;
	(erf) = vrcp.f32 v21;
	v14 =	vpop (erf)  }
.Ltmp0:
0x8c: {  	v16 =	vsub.f32 $0.0e+00, v20;
	v9 =	vld [tilespmem:s1+$0x250];
	v21 =	vmul.f32 v14, v10;
	v10 =	vmul.f32 v14, v18;
	[tilespmem:s8+$0x8E70] =	vst v14;
	(pc) =	sbr.rel @p1 .LBB2_3-.Ltmp0, $4  }
0x8d: {  	v17 =	vsub.f32 $0.0e+00, v15;
	v13 =	vadd.f32 v19, v12;
	v11 =	vld [tilespmem:s1+$0x1660];
	[tilespmem:s8+$0xA270] =	vst v14  }
0x8e: {  	v18 =	vmul.f32 $1.442695020e+00, v16;
	v12 =	vld [tilespmem:s1+$0x260];
	[tilespmem:s8+$0xA230] =	vst v10  }
0x8f: {  	s9 =	sshra.s32 s10, $0x2;
	v16 =	vmul.f32 $1.442695020e+00, v17;
	v17 =	vsub.f32 $0.0e+00, v13;
	v10 =	vld [tilespmem:s1+$0x1670];
	[tilespmem:s8+$0x8E30] =	vst v21  }
0x90: {  	s10 =	sadd.s32 $0x200, s10;
	v14 =	vld [tilespmem:s9+$0x230];
	[tilespmem:s1+$0x7A00] =	vst v20;
	(erf) = vpow2.f32 v18  }
0x91: {  	v18 =	vld [tilespmem:s9+$0x1630];
	[tilespmem:s1+$0x7A10] =	vst v15;
	v15 =	vpop (erf)  }
0x92: {  	v3 =	vmul.f32 v15, v3;
	_ =	sdelay $0x1  }
0x93: {  	v19 =	vld [tilespmem:s9+$0x200];
	[tilespmem:s8+$0x8E40] =	vst v15  }
0x94: {  	v20 =	vld [tilespmem:s9+$0x5230];
	[tilespmem:s8+$0xA240] =	vst v15  }
0x95: {  	v21 =	vld [tilespmem:s9+$0x1600];
	[tilespmem:s8+$0x8E00] =	vst v3;
	v3 =	vpop (erf)  }
0x96: {  	v4 =	vmul.f32 v3, v4  }
0x97: {  	v5 =	vmul.f32 v15, v5;
	_ =	sdelay $0x1  }
0x98: {  	v15 =	vld [tilespmem:s9+$0x210];
	[tilespmem:s8+$0xA200] =	vst v5;
	v22 =	vpop (erf)  }
0x99: {  	v5 =	vld [tilespmem:s9+$0x1610];
	v2 =	vmul.f32 v3, v2;
	[tilespmem:s8+$0x8E10] =	vst v4;
	v4 =	vpop (erf)  }
0x9a: {  	v0 =	vmul.f32 v4, v0  }
0x9b: {  	(erf) = vpow2.f32 v16;
	v23 =	vld [tilespmem:s9+$0x220];
	[tilespmem:s8+$0xA210] =	vst v2;
	v1 =	vmul.f32 v4, v1  }
0x9c: {  	v2 =	vld [tilespmem:s9+$0x1620];
	[tilespmem:s8+$0x8E20] =	vst v0  }
0x9d: {  	v0 =	vld [tilespmem:s9+$0x5200];
	[tilespmem:s8+$0xA220] =	vst v1;
	v1 =	vmul.f32 $1.442695020e+00, v17  }
0x9e: {  	v16 =	vadd.f32 $1.000000000e+00, v22  }
0x9f: {  	v17 =	vld [tilespmem:s9+$0x5210];
	[tilespmem:s8+$0x8E50] =	vst v3;
	(erf) = vpow2.f32 v1  }
0xa0: {  	v14 =	vadd.f32 v18, v14;
	v1 =	vld [tilespmem:s1+$0x270];
	[tilespmem:s8+$0xA250] =	vst v3;
	(erf) = vrcp.f32 v16  }
0xa1: {  	v3 =	vld [tilespmem:s9+$0x5220];
	[tilespmem:s8+$0x8E60] =	vst v4  }
0xa2: {  	v16 =	vld [tilespmem:s9+$0x1640];
	[tilespmem:s8+$0xA260] =	vst v4;
	v4 =	vadd.f32 v20, v14  }
0xa3: {  	v18 =	vadd.f32 v21, v19;
	v19 =	vpop (erf)  }
0xa4: {  	v19 =	vadd.f32 $1.000000000e+00, v19;
	v56 =	vpop (erf);
	v14 =	vld [tilespmem:s9+$0x240];
	[tilespmem:s1+$0x7A20] =	vst v13;
	v13 =	vsub.f32 $0.0e+00, v4  }
0xa5: {  	v5 =	vadd.f32 v5, v15;
	v15 =	vadd.f32 $1.000000000e+00, v56  }
0xa6: {  	(erf) = vrcp.f32 v19;
	[tilespmem:s9+$0x7A30] =	vst v4;
	v4 =	vmul.f32 $1.442695020e+00, v13  }
0xa7: {  	v0 =	vadd.f32 v0, v18;
	(erf) = vrcp.f32 v15  }
0xa8: {  	v2 =	vadd.f32 v2, v23;
	(erf) = vpow2.f32 v4;
	v4 =	vadd.f32 v17, v5;
	v58 =	vpop (erf)  }
0xa9: {  	v57 =	vld [tilespmem:s9+$0x1650];
	v5 =	vsub.f32 $0.0e+00, v0;
	v13 =	vpop (erf);
	v19 =	vadd.f32 $1.000000000e+00, v58  }
0xaa: {  	v18 =	vld [tilespmem:s9+$0x250];
	v17 =	vsub.f32 $0.0e+00, v4;
	[tilespmem:s1+$0x8E70] =	vst v13;
	v1 =	vmul.f32 v13, v1  }
0xab: {  	v2 =	vadd.f32 v3, v2;
	v3 =	vmul.f32 $1.442695020e+00, v5;
	v15 =	vld [tilespmem:s9+$0x1660];
	(erf) = vrcp.f32 v19;
	[tilespmem:s1+$0xA270] =	vst v13  }
0xac: {  	v10 =	vmul.f32 v13, v10;
	v5 =	vld [tilespmem:s9+$0x260];
	[tilespmem:s1+$0xA230] =	vst v1;
	v1 =	vmul.f32 $1.442695020e+00, v17;
	_ =	sdelay $0x1  }
0xad: {  	v13 =	vsub.f32 $0.0e+00, v2;
	(erf) = vpow2.f32 v3;
	v17 =	vld [tilespmem:s9+$0x1670];
	[tilespmem:s1+$0x8E30] =	vst v10  }
0xae: {  	[tilespmem:s9+$0x7A00] =	vst v0  }
0xaf: {  	v0 =	vmul.f32 $1.442695020e+00, v13;
	(erf) = vpow2.f32 v1;
	[tilespmem:s9+$0x7A10] =	vst v4;
	v1 =	vpop (erf)  }
0xb0: {  	v3 =	vmul.f32 v1, v8;
	[tilespmem:s1+$0x8E40] =	vst v1;
	v4 =	vpop (erf)  }
0xb1: {  	(erf) = vpow2.f32 v0;
	v0 =	vmul.f32 v1, v6;
	[tilespmem:s1+$0xA240] =	vst v1;
	v6 =	vpop (erf)  }
0xb2: {  	v1 =	vmul.f32 v4, v7;
	v6 =	vadd.f32 $1.000000000e+00, v6;
	[tilespmem:s1+$0x8E00] =	vst v3;
	v3 =	vmul.f32 v4, v9  }
0xb3: {  	[tilespmem:s1+$0x8E50] =	vst v4;
	v7 =	vpop (erf)  }
0xb4: {  	[tilespmem:s1+$0x8E10] =	vst v1;
	(erf) = vrcp.f32 v6;
	v1 =	vmul.f32 v7, v12  }
0xb5: {  	[tilespmem:s1+$0xA200] =	vst v0;
	v0 =	vmul.f32 v7, v11  }
0xb6: {  	[tilespmem:s1+$0xA210] =	vst v3;
	v3 =	vpop (erf)  }
0xb7: {  	[tilespmem:s1+$0x8E20] =	vst v0;
	v0 =	vadd.f32 $1.000000000e+00, v3  }
0xb8: {  	[tilespmem:s1+$0xA220] =	vst v1;
	v1 =	vpop (erf)  }
0xb9: {  	v1 =	vadd.f32 $1.000000000e+00, v1;
	(erf) = vrcp.f32 v0;
	v0 =	vld [tilespmem:s9+$0x270];
	_ =	sdelay $0x1  }
0xba: {  	[tilespmem:s1+$0xA250] =	vst v4  }
0xbb: {  	v3 =	vpop (erf);
	[tilespmem:s1+$0x8E60] =	vst v7  }
0xbc: {  	[tilespmem:s1+$0xA260] =	vst v7;
	v3 =	vadd.f32 $1.000000000e+00, v3;
	(erf) = vrcp.f32 v1;
	v1 =	vpop (erf)  }
0xbd: {  	[tilespmem:s9+$0x7A20] =	vst v2;
	v0 =	vmul.f32 v1, v0  }
0xbe: {  	(erf) = vrcp.f32 v3;
	[tilespmem:s9+$0x8E70] =	vst v1  }
0xbf: {  	v2 =	vmul.f32 v1, v17;
	[tilespmem:s9+$0xA270] =	vst v1  }
0xc0: {  	[tilespmem:s9+$0xA230] =	vst v0  }
0xc1: {  	[tilespmem:s9+$0x8E30] =	vst v2;
	v0 =	vpop (erf)  }
0xc2: {  	v1 =	vmul.f32 v0, v16;
	[tilespmem:s9+$0x8E40] =	vst v0  }
0xc3: {  	v2 =	vmul.f32 v0, v14;
	[tilespmem:s9+$0xA240] =	vst v0  }
0xc4: {  	[tilespmem:s9+$0x8E00] =	vst v1  }
0xc5: {  	v3 =	vpop (erf);
	[tilespmem:s9+$0xA200] =	vst v2  }
0xc6: {  	[tilespmem:s9+$0x8E50] =	vst v3  }
0xc7: {  	v4 =	vpop (erf);
	[tilespmem:s9+$0xA250] =	vst v3  }
0xc8: {  	v0 =	vmul.f32 v3, v57;
	[tilespmem:s9+$0x8E60] =	vst v4  }
0xc9: {  	v1 =	vmul.f32 v3, v18;
	[tilespmem:s9+$0xA260] =	vst v4  }
0xca: {  	v2 =	vmul.f32 v4, v15;
	[tilespmem:s9+$0x8E10] =	vst v0  }
0xcb: {  	s10 =	sadd.s32 s11, s29;
	v0 =	vmul.f32 v4, v5;
	[tilespmem:s9+$0xA210] =	vst v1  }
0xcc: {  	s29 =	rddreg [dreg:$0x6];
	s1 =	sshll.u32 s10, $0x4;
	[tilespmem:s9+$0x8E20] =	vst v2  }
0xcd: {  	s8 =	simm.s32 $0x0;
	s1 =	sadd.s32 s29, s1;
	[tilespmem:s9+$0xA220] =	vst v0  }
0xce: {  	[hbm4b:s1+s8] =	stream.linear.scatter [tilespmem:s20], [sflag:$0x7], $0x1400, $0x38;
	[tilespmem:$0x1EE80] =	vst v63  }
0xcf: {  	_ = 	snop  }
0xd0: {  	[spmem:s4] =	stream.indirect.scatter.add.f32 [tilespmem:s13], [sflag:$0x8], $0x80, s8, s25, $0xb8;
	[tilespmem:$0x1EE80] =	vst v63  }
0xd1: {  	_ =	swait.ge [sflag:s23], $0x1400  }
0xd2: {  	[sflag:s23] =	ssyncset.done $0x0  }
0xd3: {  	s9 =	smin.u32 s2, $0xF7;
	[sflag:s23] =	ssyncadd.s32 $0xFFFFEC00  }
0xd4: {  	[spmem:s4] =	stream.indirect.scatter.add.f32 [tilespmem:s14], [sflag:$0x8], $0x80, s24, s25, $0xb8;
	[tilespmem:$0x1EE80] =	vst v63  }
0xd5: {  	s1 =	smul.u32 $0x28, s9;
	_ =	swait.ge [sflag:s23], $0x1400  }
0xd6: {  	s10 =	rddreg [dreg:$0xb]  }
0xd7: {  	s1 =	sadd.s32 s1, s10  }
0xd8: {  	[sflag:s23] =	ssyncset.done $0x0;
	s2 =	sshrl.u32 s1, $0x3  }
0xd9: {  	[sflag:s23] =	ssyncadd.s32 $0xFFFFEC00;
	s29 =	sadd.s32 s12, s2  }
0xda: {  	[tilespmem:s8], [sflag:$0x8] =	stream.linear.gather [hbm4b:s29+s8], $0x28, $0x38;
	[tilespmem:$0x1EE80] =	vst v63  }
0xdb: {  	_ =	swait.ge [sflag:s23], $0x28  }
0xdc: {  	[sflag:s23] =	ssyncset.done $0x0  }
0xdd: {  	[sflag:s23] =	ssyncadd.s32 $0xFFFFFFD8  }
0xde: {  	s29 =	rddreg [dreg:$0x2]  }
0xdf: {  	s2 =	sadd.s32 s29, s2  }
0xe0: {  	[tilespmem:s24], [sflag:$0x8] =	stream.linear.gather [hbm4b:s2+s8], $0x28, $0x38;
	[tilespmem:$0x1EE80] =	vst v63  }
0xe1: {  	_ =	swait.ge [sflag:s23], $0x28  }
0xe2: {  	[sflag:s23] =	ssyncset.done $0x0  }
0xe3: {  	s29 =	simm.s32 $0x200;
	[sflag:s23] =	ssyncadd.s32 $0xFFFFFFD8  }
0xe4: {  	[tilespmem:s29], [sflag:$0x1] =	stream.indirect.gather [hbm4b:s6+s25], $0x80, s8, s25, $0xb8;
	[tilespmem:$0x1EE80] =	vst v63  }
0xe5: {  	s9 =	simm.s32 $0x1600;
	s1 =	sshll.u32 s1, $0x4  }
0xe6: {  	[tilespmem:s9], [sflag:$0x2] =	stream.indirect.gather [hbm4b:s6+s25], $0x80, s24, s25, $0xb8;
	[tilespmem:$0x1EE80] =	vst v63  }
0xe7: {  	s1 =	sadd.s32 s16, s1;
	s29 =	simm.s32 $0x5200  }
0xe8: {  	[tilespmem:s29], [sflag:$0x3] =	stream.linear.gather [hbm4b:s1+s8], $0x1400, $0x38;
	[tilespmem:$0x1EE80] =	vst v63  }
0xe9: {  	_ =	swait.ge [sflag:s22], $0x1400  }
0xea: {  	[sflag:s22] =	ssyncset.done $0x0  }
0xeb: {  	[sflag:s22] =	ssyncadd.s32 $0xFFFFEC00  }
0xec: {  	_ =	swait.ge [sflag:s0], $0x1400  }
0xed: {  	[sflag:s0] =	ssyncset.done $0x0  }
0xee: {  	[sflag:s0] =	ssyncadd.s32 $0xFFFFEC00  }
0xef: {  	_ =	swait.ge [sflag:s3], $0x1400  }
0xf0: {  	[sflag:s3] =	ssyncset.done $0x0  }
0xf1: {  	[sflag:s3] =	ssyncadd.s32 $0xFFFFEC00  }
0xf2: {  	_ =	swait.ge [sflag:s15], $0x1400  }
0xf3: {  	[sflag:s15] =	ssyncset.done $0x0  }
0xf4: {  	s2 =	simm.s32 $0x0;
	[sflag:s15] =	ssyncadd.s32 $0xFFFFEC00  }
0xf5: {  	v0 =	vld [tilespmem:s2+$0x2A30]  }
0xf6: {  	v1 =	vld [tilespmem:s2+$0x3E30];
	_ =	sdelay $0x1  }
0xf7: {  	v2 =	vld [tilespmem:s2+$0x6630]  }
0xf8: {  	v6 =	vld [tilespmem:s2+$0x2A00]  }
0xf9: {  	v7 =	vld [tilespmem:s2+$0x3E00]  }
0xfa: {  	v8 =	vld [tilespmem:s2+$0x2A10];
	v0 =	vadd.f32 v1, v0  }
0xfb: {  	v9 =	vld [tilespmem:s2+$0x3E10]  }
0xfc: {  	v10 =	vld [tilespmem:s2+$0x2A20];
	v0 =	vadd.f32 v2, v0  }
0xfd: {  	v11 =	vld [tilespmem:s2+$0x3E20]  }
0xfe: {  	v12 =	vld [tilespmem:s2+$0x6600];
	v1 =	vsub.f32 $0.0e+00, v0  }
0xff: {  	v13 =	vld [tilespmem:s2+$0x6610]  }
0x100: {  	v14 =	vld [tilespmem:s2+$0x6620];
	v6 =	vadd.f32 v7, v6;
	v7 =	vmul.f32 $1.442695020e+00, v1  }
0x101: {  	v3 =	vld [tilespmem:s2+$0x3E40]  }
0x102: {  	v5 =	vld [tilespmem:s2+$0x2A40];
	(erf) = vpow2.f32 v7  }
0x103: {  	v4 =	vld [tilespmem:s2+$0x3E50];
	v8 =	vadd.f32 v9, v8;
	v9 =	vadd.f32 v11, v10  }
0x104: {  	v16 =	vld [tilespmem:s2+$0x3E70]  }
0x105: {  	v60 =	vld [tilespmem:s2+$0x2A70];
	v6 =	vadd.f32 v12, v6;
	v9 =	vadd.f32 v14, v9  }
0x106: {  	s1 =	simm.s32 $0x80;
	v2 =	vld [tilespmem:s2+$0x2A50];
	v8 =	vadd.f32 v13, v8;
	[tilespmem:s2+$0x7A30] =	vst v0  }
0x107: {  	v13 =	vsub.f32 $0.0e+00, v9;
	v7 =	vld [tilespmem:s1+$0x2A30];
	[tilespmem:s2+$0x7A00] =	vst v6;
	v6 =	vsub.f32 $0.0e+00, v6  }
0x108: {  	v10 =	vld [tilespmem:s1+$0x3E30];
	[tilespmem:s2+$0x7A10] =	vst v8;
	v8 =	vsub.f32 $0.0e+00, v8  }
0x109: {  	v0 =	vld [tilespmem:s2+$0x3E60];
	v6 =	vmul.f32 $1.442695020e+00, v6  }
0x10a: {  	v1 =	vld [tilespmem:s2+$0x2A60];
	v8 =	vmul.f32 $1.442695020e+00, v8  }
0x10b: {  	v11 =	vld [tilespmem:s1+$0x2A00];
	(erf) = vpow2.f32 v6;
	v6 =	vmul.f32 $1.442695020e+00, v13;
	v13 =	vpop (erf)  }
0x10c: {  	v12 =	vld [tilespmem:s1+$0x6630];
	(erf) = vpow2.f32 v8;
	v8 =	vadd.f32 $1.000000000e+00, v13  }
0x10d: {  	v14 =	vld [tilespmem:s1+$0x3E00];
	(erf) = vpow2.f32 v6  }
0x10e: {  	v15 =	vld [tilespmem:s1+$0x2A10];
	(erf) = vrcp.f32 v8  }
0x10f: {  	v17 =	vld [tilespmem:s1+$0x3E10]  }
0x110: {  	v18 =	vld [tilespmem:s1+$0x3E20]  }
0x111: {  	v19 =	vld [tilespmem:s1+$0x6600]  }
0x112: {  	v59 =	vld [tilespmem:s1+$0x6610];
	v7 =	vadd.f32 v10, v7  }
0x113: {  	v61 =	vld [tilespmem:s1+$0x6620]  }
0x114: {  	v6 =	vld [tilespmem:s1+$0x2A40];
	v10 =	vadd.f32 v12, v7;
	v12 =	vpop (erf)  }
0x115: {  	v13 =	vld [tilespmem:s1+$0x2A20];
	v62 =	vpop (erf)  }
0x116: {  	v14 =	vadd.f32 v14, v11;
	v15 =	vadd.f32 v17, v15;
	v8 =	vld [tilespmem:s1+$0x3E40];
	[tilespmem:s2+$0x7A20] =	vst v9;
	v24 =	vpop (erf)  }
0x117: {  	v7 =	vld [tilespmem:s1+$0x3E50];
	[tilespmem:s1+$0x7A30] =	vst v10;
	v10 =	vsub.f32 $0.0e+00, v10;
	v12 =	vadd.f32 $1.000000000e+00, v12;
	v25 =	vpop (erf)  }
0x118: {  	v19 =	vadd.f32 v19, v14;
	v9 =	vld [tilespmem:s1+$0x2A50];
	v17 =	vadd.f32 $1.000000000e+00, v62;
	[tilespmem:s2+$0x8E70] =	vst v25;
	v14 =	vmul.f32 v25, v60  }
0x119: {  	v10 =	vmul.f32 $1.442695020e+00, v10;
	(erf) = vrcp.f32 v12;
	v11 =	vld [tilespmem:s1+$0x3E60];
	[tilespmem:s2+$0xA270] =	vst v25  }
0x11a: {  	(erf) = vrcp.f32 v17;
	v12 =	vld [tilespmem:s1+$0x2A60];
	[tilespmem:s2+$0xA230] =	vst v14;
	v14 =	vadd.f32 $1.000000000e+00, v24  }
0x11b: {  	(erf) = vpow2.f32 v10  }
0x11c: {  	v15 =	vadd.f32 v59, v15;
	v13 =	vadd.f32 v18, v13;
	(erf) = vrcp.f32 v14  }
0x11d: {  	v17 =	vsub.f32 $0.0e+00, v19  }
0x11e: {  	v18 =	vsub.f32 $0.0e+00, v15;
	v13 =	vadd.f32 v61, v13;
	v16 =	vmul.f32 v25, v16  }
0x11f: {  	v63 =	vmul.f32 $1.442695020e+00, v17  }
0x120: {  	s8 =	simm.s32 $0x100;
	v17 =	vsub.f32 $0.0e+00, v13;
	v10 =	vld [tilespmem:s1+$0x3E70];
	[tilespmem:s2+$0x8E30] =	vst v16;
	v16 =	vmul.f32 $1.442695020e+00, v18  }
0x121: {  	s10 =	smov.u32 s12;
	s9 =	simm.s32 $0x600;
	v14 =	vld [tilespmem:s8+$0x2A30];
	[tilespmem:s1+$0x7A00] =	vst v19;
	(erf) = vpow2.f32 v63  }
.LBB2_5:
0x122: {  	p1 =	sne.s32 s9, $0x4E00;
	v18 =	vld [tilespmem:s8+$0x3E30];
	[tilespmem:s1+$0x7A10] =	vst v15;
	v23 =	vmul.f32 $1.442695020e+00, v17;
	(erf) = vpow2.f32 v16;
	v16 =	vpop (erf)  }
0x123: {  	v17 =	vld [tilespmem:s8+$0x2A00];
	v19 =	vmul.f32 v16, v3;
	v20 =	vmul.f32 v16, v5;
	[tilespmem:s2+$0x8E40] =	vst v16;
	v21 =	vpop (erf);
	v3 =	vmov v8  }
0x124: {  	v5 =	vmov v6;
	v8 =	vld [tilespmem:s8+$0x6630];
	(erf) = vpow2.f32 v23;
	v15 =	vpop (erf);
	[tilespmem:s2+$0xA240] =	vst v16;
	v16 =	vmul.f32 v21, v4  }
0x125: {  	v4 =	vmov v7;
	v6 =	vld [tilespmem:s8+$0x3E00];
	v15 =	vadd.f32 $1.000000000e+00, v15;
	[tilespmem:s2+$0x8E00] =	vst v19;
	v19 =	vmul.f32 v21, v2;
	v22 =	vpop (erf)  }
0x126: {  	v2 =	vmovc v9;
	v7 =	vld [tilespmem:s8+$0x2A10];
	[tilespmem:s2+$0xA200] =	vst v20;
	v20 =	vmul.f32 v22, v0;
	v23 =	vmul.f32 v22, v1;
	v0 =	vmov v11  }
0x127: {  	v1 =	vmov v12;
	v9 =	vld [tilespmem:s8+$0x3E10];
	v11 =	vadd.f32 v18, v14;
	(erf) = vrcp.f32 v15;
	[tilespmem:s2+$0x8E10] =	vst v16  }
0x128: {  	v12 =	vld [tilespmem:s8+$0x2A20];
	[tilespmem:s2+$0xA210] =	vst v19  }
0x129: {  	v14 =	vld [tilespmem:s8+$0x3E20];
	v11 =	vadd.f32 v8, v11;
	[tilespmem:s2+$0x8E20] =	vst v20  }
0x12a: {  	v6 =	vadd.f32 v6, v17;
	v15 =	vld [tilespmem:s8+$0x6600];
	v8 =	vpop (erf);
	[tilespmem:s2+$0xA220] =	vst v23  }
0x12b: {  	v16 =	vld [tilespmem:s8+$0x6610];
	v17 =	vsub.f32 $0.0e+00, v11;
	v8 =	vadd.f32 $1.000000000e+00, v8;
	v18 =	vpop (erf);
	[tilespmem:s2+$0x8E50] =	vst v21  }
0x12c: {  	v7 =	vadd.f32 v9, v7;
	v9 =	vadd.f32 $1.000000000e+00, v18;
	v18 =	vld [tilespmem:s1+$0x2A70];
	[tilespmem:s2+$0xA250] =	vst v21  }
0x12d: {  	v19 =	vld [tilespmem:s8+$0x6620];
	v17 =	vmul.f32 $1.442695020e+00, v17;
	(erf) = vrcp.f32 v8;
	v20 =	vpop (erf);
	[tilespmem:s2+$0x8E60] =	vst v22  }
0x12e: {  	v8 =	vld [tilespmem:s8+$0x3E40];
	v12 =	vadd.f32 v14, v12;
	v21 =	vadd.f32 $1.000000000e+00, v20;
	(erf) = vrcp.f32 v9;
	[tilespmem:s2+$0xA260] =	vst v22;
	s2 =	smov.u32 s1;
	s1 =	smov.u32 s8  }
0x12f: {  	v20 =	vadd.f32 v15, v6;
	v6 =	vld [tilespmem:s1+$0x2A40];
	(erf) = vpow2.f32 v17;
	[tilespmem:s2+$0x7A20] =	vst v13  }
0x130: {  	v15 =	vadd.f32 v16, v7;
	v7 =	vld [tilespmem:s1+$0x3E50];
	[tilespmem:s1+$0x7A30] =	vst v11;
	(erf) = vrcp.f32 v21;
	v14 =	vpop (erf)  }
.Ltmp1:
0x131: {  	v16 =	vsub.f32 $0.0e+00, v20;
	v9 =	vld [tilespmem:s1+$0x2A50];
	v21 =	vmul.f32 v14, v10;
	v10 =	vmul.f32 v14, v18;
	[tilespmem:s2+$0x8E70] =	vst v14;
	(pc) =	sbr.rel @p1 .LBB2_5-.Ltmp1, $4  }
0x132: {  	v17 =	vsub.f32 $0.0e+00, v15;
	v13 =	vadd.f32 v19, v12;
	v11 =	vld [tilespmem:s1+$0x3E60];
	[tilespmem:s2+$0xA270] =	vst v14  }
0x133: {  	v18 =	vmul.f32 $1.442695020e+00, v16;
	v12 =	vld [tilespmem:s1+$0x2A60];
	[tilespmem:s2+$0xA230] =	vst v10  }
0x134: {  	s8 =	sshra.s32 s9, $0x2;
	v16 =	vmul.f32 $1.442695020e+00, v17;
	v17 =	vsub.f32 $0.0e+00, v13;
	v10 =	vld [tilespmem:s1+$0x3E70];
	[tilespmem:s2+$0x8E30] =	vst v21  }
0x135: {  	s9 =	sadd.s32 $0x200, s9;
	v14 =	vld [tilespmem:s8+$0x2A30];
	[tilespmem:s1+$0x7A00] =	vst v20;
	(erf) = vpow2.f32 v18  }
0x136: {  	v18 =	vld [tilespmem:s8+$0x3E30];
	[tilespmem:s1+$0x7A10] =	vst v15;
	v49 =	vpop (erf)  }
0x137: {  	v19 =	vld [tilespmem:s8+$0x2A00];
	[tilespmem:s2+$0x8E40] =	vst v49;
	v3 =	vmul.f32 v49, v3;
	v50 =	vpop (erf)  }
0x138: {  	v5 =	vmul.f32 v49, v5;
	v20 =	vld [tilespmem:s8+$0x6630];
	[tilespmem:s2+$0xA240] =	vst v49;
	v22 =	vpop (erf);
	(erf) = vpow2.f32 v16  }
0x139: {  	v4 =	vmul.f32 v50, v4;
	v21 =	vld [tilespmem:s8+$0x3E00];
	[tilespmem:s2+$0x8E00] =	vst v3  }
0x13a: {  	v53 =	vmul.f32 $1.442695020e+00, v17;
	v2 =	vmul.f32 v50, v2;
	v52 =	vpop (erf);
	v51 =	vld [tilespmem:s8+$0x2A10];
	[tilespmem:s2+$0xA200] =	vst v5  }
0x13b: {  	v55 =	vadd.f32 $1.000000000e+00, v22;
	v0 =	vmul.f32 v52, v0;
	v5 =	vld [tilespmem:s8+$0x3E10];
	[tilespmem:s2+$0x8E10] =	vst v4  }
0x13c: {  	(erf) = vpow2.f32 v53;
	v1 =	vmul.f32 v52, v1;
	v23 =	vld [tilespmem:s8+$0x2A20];
	[tilespmem:s2+$0xA210] =	vst v2  }
0x13d: {  	(erf) = vrcp.f32 v55;
	v14 =	vadd.f32 v18, v14;
	v2 =	vld [tilespmem:s8+$0x3E20];
	[tilespmem:s2+$0x8E20] =	vst v0  }
0x13e: {  	v0 =	vld [tilespmem:s8+$0x6600];
	[tilespmem:s2+$0xA220] =	vst v1  }
0x13f: {  	v58 =	vadd.f32 v20, v14;
	v54 =	vld [tilespmem:s8+$0x6610];
	[tilespmem:s2+$0x8E50] =	vst v50  }
0x140: {  	v60 =	vadd.f32 v21, v19;
	v61 =	vpop (erf);
	v56 =	vld [tilespmem:s1+$0x2A70];
	[tilespmem:s2+$0xA250] =	vst v50  }
0x141: {  	v62 =	vsub.f32 $0.0e+00, v58;
	v19 =	vadd.f32 $1.000000000e+00, v61;
	v3 =	vld [tilespmem:s8+$0x6620];
	[tilespmem:s2+$0x8E60] =	vst v52;
	v63 =	vpop (erf)  }
0x142: {  	v5 =	vadd.f32 v5, v51;
	v57 =	vld [tilespmem:s8+$0x3E40];
	[tilespmem:s2+$0xA260] =	vst v52;
	v25 =	vadd.f32 $1.000000000e+00, v63  }
0x143: {  	(erf) = vrcp.f32 v19;
	v59 =	vld [tilespmem:s8+$0x2A40];
	[tilespmem:s1+$0x7A20] =	vst v13;
	v13 =	vmul.f32 $1.442695020e+00, v62;
	v0 =	vadd.f32 v0, v60  }
0x144: {  	(erf) = vrcp.f32 v25  }
0x145: {  	v26 =	vpop (erf);
	v5 =	vadd.f32 v54, v5;
	(erf) = vpow2.f32 v13;
	v29 =	vsub.f32 $0.0e+00, v0  }
0x146: {  	v2 =	vadd.f32 v2, v23;
	v4 =	vadd.f32 $1.000000000e+00, v26;
	v24 =	vld [tilespmem:s8+$0x3E50];
	[tilespmem:s8+$0x7A30] =	vst v58;
	v27 =	vpop (erf)  }
0x147: {  	v28 =	vld [tilespmem:s8+$0x2A50];
	[tilespmem:s1+$0x8E70] =	vst v27;
	v1 =	vmul.f32 v27, v56;
	v31 =	vsub.f32 $0.0e+00, v5;
	v32 =	vmul.f32 $1.442695020e+00, v29  }
0x148: {  	v10 =	vmul.f32 v27, v10;
	v30 =	vld [tilespmem:s8+$0x3E60];
	(erf) = vrcp.f32 v4;
	[tilespmem:s1+$0xA270] =	vst v27;
	v2 =	vadd.f32 v3, v2  }
0x149: {  	v33 =	vld [tilespmem:s8+$0x2A60];
	[tilespmem:s1+$0xA230] =	vst v1;
	v34 =	vmul.f32 $1.442695020e+00, v31;
	(erf) = vpow2.f32 v32  }
0x14a: {  	v35 =	vsub.f32 $0.0e+00, v2;
	v36 =	vld [tilespmem:s8+$0x3E70];
	[tilespmem:s1+$0x8E30] =	vst v10  }
0x14b: {  	[tilespmem:s8+$0x7A00] =	vst v0;
	(erf) = vpow2.f32 v34  }
0x14c: {  	[tilespmem:s8+$0x7A10] =	vst v5;
	v37 =	vmul.f32 $1.442695020e+00, v35;
	v38 =	vpop (erf)  }
0x14d: {  	v39 =	vmul.f32 v38, v8;
	[tilespmem:s1+$0x8E40] =	vst v38;
	v40 =	vpop (erf)  }
0x14e: {  	v41 =	vmul.f32 v38, v6;
	[tilespmem:s1+$0xA240] =	vst v38;
	(erf) = vpow2.f32 v37;
	v42 =	vpop (erf)  }
0x14f: {  	[tilespmem:s1+$0x8E00] =	vst v39;
	v5 =	vadd.f32 $1.000000000e+00, v42  }
0x150: {  	[tilespmem:s1+$0xA200] =	vst v41;
	v43 =	vmul.f32 v40, v7  }
0x151: {  	v44 =	vmul.f32 v40, v9;
	[tilespmem:s1+$0x8E50] =	vst v40;
	v45 =	vpop (erf);
	(erf) = vrcp.f32 v5  }
0x152: {  	v46 =	vmul.f32 v45, v11;
	[tilespmem:s1+$0x8E10] =	vst v43;
	v48 =	vpop (erf)  }
0x153: {  	v47 =	vmul.f32 v45, v12;
	[tilespmem:s1+$0xA210] =	vst v44;
	v49 =	vadd.f32 $1.000000000e+00, v48  }
0x154: {  	[tilespmem:s1+$0x8E20] =	vst v46;
	v50 =	vpop (erf)  }
0x155: {  	[tilespmem:s1+$0xA220] =	vst v47;
	v1 =	vadd.f32 $1.000000000e+00, v50;
	(erf) = vrcp.f32 v49  }
0x156: {  	v51 =	vld [tilespmem:s8+$0x2A70]  }
0x157: {  	[tilespmem:s1+$0xA250] =	vst v40;
	v52 =	vpop (erf);
	(erf) = vrcp.f32 v1  }
0x158: {  	[tilespmem:s1+$0x8E60] =	vst v45  }
0x159: {  	[tilespmem:s1+$0xA260] =	vst v45  }
0x15a: {  	[tilespmem:s8+$0x7A20] =	vst v2;
	v53 =	vpop (erf)  }
0x15b: {  	v3 =	vadd.f32 $1.000000000e+00, v52;
	v0 =	vmul.f32 v53, v51;
	[tilespmem:s8+$0x8E70] =	vst v53  }
0x15c: {  	v54 =	vmul.f32 v53, v36;
	[tilespmem:s8+$0xA270] =	vst v53  }
0x15d: {  	(erf) = vrcp.f32 v3;
	[tilespmem:s8+$0xA230] =	vst v0  }
0x15e: {  	[tilespmem:s8+$0x8E30] =	vst v54;
	v55 =	vpop (erf)  }
0x15f: {  	[tilespmem:s8+$0x8E40] =	vst v55  }
0x160: {  	v58 =	vpop (erf);
	[tilespmem:s8+$0xA240] =	vst v55  }
0x161: {  	v56 =	vmul.f32 v55, v57;
	[tilespmem:s8+$0x8E50] =	vst v58  }
0x162: {  	v57 =	vmul.f32 v55, v59;
	[tilespmem:s8+$0xA250] =	vst v58  }
0x163: {  	v59 =	vmul.f32 v58, v24;
	[tilespmem:s8+$0x8E00] =	vst v56  }
0x164: {  	v60 =	vmul.f32 v58, v28;
	[tilespmem:s8+$0xA200] =	vst v57  }
0x165: {  	[tilespmem:s8+$0x8E10] =	vst v59  }
0x166: {  	v61 =	vpop (erf);
	[tilespmem:s8+$0xA210] =	vst v60  }
0x167: {  	v62 =	vmul.f32 v61, v30;
	[tilespmem:s8+$0x8E60] =	vst v61  }
0x168: {  	v63 =	vmul.f32 v61, v33;
	[tilespmem:s8+$0xA260] =	vst v61  }
0x169: {  	s29 =	rddreg [dreg:$0x6];
	[tilespmem:s8+$0x8E20] =	vst v62  }
0x16a: {  	s1 =	sadd.s32 s29, s28;
	[tilespmem:s8+$0xA220] =	vst v63  }
0x16b: {  	[hbm4b:s1+s5] =	stream.linear.scatter [tilespmem:s20], [sflag:$0x7], $0x1400, $0x38;
	[tilespmem:$0x1EE80] =	vst v63  }
0x16c: {  	_ = 	snop  }
0x16d: {  	[spmem:s4] =	stream.indirect.scatter.add.f32 [tilespmem:s13], [sflag:$0x8], $0x80, s30, s25, $0xb8;
	[tilespmem:$0x1EE80] =	vst v63  }
0x16e: {  	s26 =	sadd.s32 $0x1, s26;
	_ =	swait.ge [sflag:s23], $0x1400  }
0x16f: {  	p1 =	sne.s32 s26, $0x7D;
	[sflag:s23] =	ssyncset.done $0x0  }
.Ltmp2:
0x170: {  	[sflag:s23] =	ssyncadd.s32 $0xFFFFEC00;
	(pc) =	sbr.rel @p1 .LBB2_2-.Ltmp2, $4  }
0x171: {  	[spmem:s4] =	stream.indirect.scatter.add.f32 [tilespmem:s14], [sflag:$0x8], $0x80, s31, s25, $0xb8;
	[tilespmem:$0x1EE80] =	vst v63  }
0x172: {  	_ =	swait.ge [sflag:s23], $0x1400  }
0x173: {  	[sflag:s23] =	ssyncset.done $0x0  }
0x174: {  	[sflag:s23] =	ssyncadd.s32 $0xFFFFEC00  }
0x175: {  	_ =	swait.ge [sflag:s17], $0x1400  }
0x176: {  	[sflag:s17] =	ssyncset.done $0x0  }
0x177: {  	[sflag:s17] =	ssyncadd.s32 $0xFFFFEC00  }
0x178: {  	_ =	swait.ge [sflag:s18], $0x1400  }
0x179: {  	[sflag:s18] =	ssyncset.done $0x0  }
0x17a: {  	[sflag:s18] =	ssyncadd.s32 $0xFFFFEC00  }
0x17b: {  	_ =	swait.ge [sflag:s19], $0x1400  }
0x17c: {  	[sflag:s19] =	ssyncset.done $0x0  }
0x17d: {  	[sflag:s19] =	ssyncadd.s32 $0xFFFFEC00  }
0x17e: {  	_ =	swait.ge [sflag:s15], $0x1400  }
0x17f: {  	[sflag:s15] =	ssyncset.done $0x0  }
0x180: {  	[sflag:s15] =	ssyncadd.s32 $0xFFFFEC00  }
0x181: {  	[bflag:$0x0] =	sbarrier.arrive $0xFFFF  }
0x182: {  	[bflag:$0x0] =	sbarrier.arrive @p0 $0xFFFF  }
0x183: {  	s2 =	rddreg [dreg:$0xc]  }
0x184: {  	s1 =	simm.s32 @!p0 $0x1C08;
	s9 =	rddreg [dreg:$0x11]  }
0x185: {  	[hbm:s2], [sflag:s1] =	dma.local @!p0 [spmem:s9], $0x27100  }
0x186: {  	s2 =	simm.s32 @!p0 $0x8  }
0x187: {  	_ =	swait.ge @!p0 [sflag:s2], $0x27100  }
0x188: {  	[sflag:s2] =	ssyncset.done @!p0 $0x0  }
0x189: {  	[sflag:s2] =	ssyncadd.s32 @!p0 $0xFFFD8F00  }
0x18a: {  	[bflag:$0x0] =	sbarrier.arrive @!p0 $0xFFFF  }
0x18b: {  	s8 =	rddreg [dreg:$0x3]  }
0x18c: {  	[spmem:s9], [sflag:s1] =	dma.local @!p0 [hbm:s8], $0x27100  }
0x18d: {  	_ =	swait.ge @!p0 [sflag:s2], $0x27100  }
0x18e: {  	[sflag:s2] =	ssyncset.done @!p0 $0x0  }
0x18f: {  	[sflag:s2] =	ssyncadd.s32 @!p0 $0xFFFD8F00  }
0x190: {  	[bflag:$0x0] =	sbarrier.arrive $0xFFFF  }
0x191: {  	s26 =	simm.s32 $0x0;
	s29 =	rddreg [dreg:$0x8]  }
0x192: {  	[tilespmem:s26], [sflag:$0x8] =	stream.linear.gather [hbm4b:s29+s26], $0x28, $0x38;
	[tilespmem:$0x1EE80] =	vst v63  }
0x193: {  	_ =	swait.ge [sflag:s23], $0x28  }
0x194: {  	[sflag:s23] =	ssyncset.done $0x0  }
0x195: {  	s2 =	rddreg [dreg:$0x9];
	[sflag:s23] =	ssyncadd.s32 $0xFFFFFFD8  }
0x196: {  	[tilespmem:s24], [sflag:$0x8] =	stream.linear.gather [hbm4b:s2+s26], $0x28, $0x38;
	[tilespmem:$0x1EE80] =	vst v63  }
0x197: {  	_ =	swait.ge [sflag:s23], $0x28  }
0x198: {  	[sflag:s23] =	ssyncset.done $0x0  }
0x199: {  	s8 =	simm.s32 $0x200;
	[sflag:s23] =	ssyncadd.s32 $0xFFFFFFD8  }
0x19a: {  	[tilespmem:s8], [sflag:$0x1] =	stream.indirect.gather [hbm4b:s7+s25], $0x80, s26, s25, $0xb8;
	[tilespmem:$0x1EE80] =	vst v63  }
0x19b: {  	s9 =	simm.s32 $0x1600  }
0x19c: {  	[tilespmem:s9], [sflag:$0x2] =	stream.indirect.gather [hbm4b:s7+s25], $0x80, s24, s25, $0xb8;
	[tilespmem:$0x1EE80] =	vst v63  }
0x19d: {  	s29 =	simm.s32 $0x5200;
	s28 =	rddreg [dreg:$0xd]  }
0x19e: {  	[tilespmem:s29], [sflag:$0x3] =	stream.linear.gather [hbm4b:s28+s26], $0x1400, $0x38;
	[tilespmem:$0x1EE80] =	vst v63  }
.LBB2_8:
0x19f: {  	s29 =	smul.u32 $0x50, s26  }
0x1a0: {  	s1 =	rddreg [dreg:$0x10]  }
0x1a1: {  	s1 =	sadd.s32 s1, s29  }
0x1a2: {  	s2 =	sshrl.u32 s1, $0x3  }
0x1a3: {  	s8 =	sadd.s32 s10, s2  }
0x1a4: {  	[tilespmem:s30], [sflag:$0x8] =	stream.linear.gather [hbm4b:s8+s5], $0x28, $0x38;
	[tilespmem:$0x1EE80] =	vst v63  }
0x1a5: {  	_ =	swait.ge [sflag:s23], $0x28  }
0x1a6: {  	[sflag:s23] =	ssyncset.done $0x0  }
0x1a7: {  	[sflag:s23] =	ssyncadd.s32 $0xFFFFFFD8  }
0x1a8: {  	s10 =	rddreg [dreg:$0x2]  }
0x1a9: {  	s2 =	sadd.s32 s10, s2  }
0x1aa: {  	[tilespmem:s31], [sflag:$0x8] =	stream.linear.gather [hbm4b:s2+s5], $0x28, $0x38;
	[tilespmem:$0x1EE80] =	vst v63  }
0x1ab: {  	_ =	swait.ge [sflag:s23], $0x28  }
0x1ac: {  	[sflag:s23] =	ssyncset.done $0x0  }
0x1ad: {  	s8 =	simm.s32 $0x2A00;
	[sflag:s23] =	ssyncadd.s32 $0xFFFFFFD8  }
0x1ae: {  	[tilespmem:s8], [sflag:$0x4] =	stream.indirect.gather [hbm4b:s7+s25], $0x80, s30, s25, $0xb8;
	[tilespmem:$0x1EE80] =	vst v63  }
0x1af: {  	s9 =	simm.s32 $0x3E00;
	s28 =	sshll.u32 s1, $0x4  }
0x1b0: {  	[tilespmem:s9], [sflag:$0x5] =	stream.indirect.gather [hbm4b:s7+s25], $0x80, s31, s25, $0xb8;
	[tilespmem:$0x1EE80] =	vst v63  }
0x1b1: {  	s1 =	sadd.s32 s21, s28;
	s10 =	simm.s32 $0x6600  }
0x1b2: {  	[tilespmem:s10], [sflag:$0x6] =	stream.linear.gather [hbm4b:s1+s5], $0x1400, $0x38;
	[tilespmem:$0x1EE80] =	vst v63  }
0x1b3: {  	_ =	swait.ge [sflag:s17], $0x1400  }
0x1b4: {  	[sflag:s17] =	ssyncset.done $0x0  }
0x1b5: {  	[sflag:s17] =	ssyncadd.s32 $0xFFFFEC00  }
0x1b6: {  	_ =	swait.ge [sflag:s18], $0x1400  }
0x1b7: {  	[sflag:s18] =	ssyncset.done $0x0  }
0x1b8: {  	[sflag:s18] =	ssyncadd.s32 $0xFFFFEC00  }
0x1b9: {  	_ =	swait.ge [sflag:s19], $0x1400  }
0x1ba: {  	p1 =	seq.s32 s26, $0x0;
	[sflag:s19] =	ssyncset.done $0x0  }
0x1bb: {  	s1 =	simm.s32 @!p1 $0x7;
	[sflag:s19] =	ssyncadd.s32 $0xFFFFEC00  }
0x1bc: {  	_ =	swait.ge @!p1 [sflag:s1], $0x1400  }
0x1bd: {  	[sflag:s1] =	ssyncset.done @!p1 $0x0  }
0x1be: {  	s8 =	simm.s32 $0x0;
	[sflag:s1] =	ssyncadd.s32 @!p1 $0xFFFFEC00  }
0x1bf: {  	v0 =	vld [tilespmem:s8+$0x230]  }
0x1c0: {  	v1 =	vld [tilespmem:s8+$0x1630];
	_ =	sdelay $0x1  }
0x1c1: {  	v2 =	vld [tilespmem:s8+$0x5230]  }
0x1c2: {  	v6 =	vld [tilespmem:s8+$0x200]  }
0x1c3: {  	v7 =	vld [tilespmem:s8+$0x1600]  }
0x1c4: {  	v8 =	vld [tilespmem:s8+$0x210];
	v0 =	vadd.f32 v1, v0  }
0x1c5: {  	v9 =	vld [tilespmem:s8+$0x1610]  }
0x1c6: {  	v10 =	vld [tilespmem:s8+$0x220];
	v0 =	vadd.f32 v2, v0  }
0x1c7: {  	v11 =	vld [tilespmem:s8+$0x1620]  }
0x1c8: {  	v12 =	vld [tilespmem:s8+$0x5200];
	v1 =	vsub.f32 $0.0e+00, v0  }
0x1c9: {  	v13 =	vld [tilespmem:s8+$0x5210]  }
0x1ca: {  	v14 =	vld [tilespmem:s8+$0x5220];
	v6 =	vadd.f32 v7, v6;
	v7 =	vmul.f32 $1.442695020e+00, v1  }
0x1cb: {  	v3 =	vld [tilespmem:s8+$0x1640]  }
0x1cc: {  	v5 =	vld [tilespmem:s8+$0x240];
	(erf) = vpow2.f32 v7  }
0x1cd: {  	v4 =	vld [tilespmem:s8+$0x1650];
	v8 =	vadd.f32 v9, v8;
	v9 =	vadd.f32 v11, v10  }
0x1ce: {  	v16 =	vld [tilespmem:s8+$0x1670]  }
0x1cf: {  	v21 =	vld [tilespmem:s8+$0x270];
	v6 =	vadd.f32 v12, v6;
	v9 =	vadd.f32 v14, v9  }
0x1d0: {  	s1 =	simm.s32 $0x80;
	v2 =	vld [tilespmem:s8+$0x250];
	v8 =	vadd.f32 v13, v8;
	[tilespmem:s8+$0x7A30] =	vst v0  }
0x1d1: {  	v13 =	vsub.f32 $0.0e+00, v9;
	v7 =	vld [tilespmem:s1+$0x230];
	[tilespmem:s8+$0x7A00] =	vst v6;
	v6 =	vsub.f32 $0.0e+00, v6  }
0x1d2: {  	v10 =	vld [tilespmem:s1+$0x1630];
	[tilespmem:s8+$0x7A10] =	vst v8;
	v8 =	vsub.f32 $0.0e+00, v8  }
0x1d3: {  	v0 =	vld [tilespmem:s8+$0x1660];
	v6 =	vmul.f32 $1.442695020e+00, v6  }
0x1d4: {  	v1 =	vld [tilespmem:s8+$0x260];
	v8 =	vmul.f32 $1.442695020e+00, v8  }
0x1d5: {  	v11 =	vld [tilespmem:s1+$0x200];
	(erf) = vpow2.f32 v6;
	v6 =	vmul.f32 $1.442695020e+00, v13;
	v13 =	vpop (erf)  }
0x1d6: {  	v12 =	vld [tilespmem:s1+$0x5230];
	(erf) = vpow2.f32 v8;
	v8 =	vadd.f32 $1.000000000e+00, v13  }
0x1d7: {  	v14 =	vld [tilespmem:s1+$0x1600];
	(erf) = vpow2.f32 v6  }
0x1d8: {  	v15 =	vld [tilespmem:s1+$0x210];
	(erf) = vrcp.f32 v8  }
0x1d9: {  	v17 =	vld [tilespmem:s1+$0x1610]  }
0x1da: {  	v18 =	vld [tilespmem:s1+$0x1620]  }
0x1db: {  	v19 =	vld [tilespmem:s1+$0x5200]  }
0x1dc: {  	v20 =	vld [tilespmem:s1+$0x5210];
	v7 =	vadd.f32 v10, v7  }
0x1dd: {  	v22 =	vld [tilespmem:s1+$0x5220]  }
0x1de: {  	v6 =	vld [tilespmem:s1+$0x240];
	v10 =	vadd.f32 v12, v7;
	v12 =	vpop (erf)  }
0x1df: {  	v13 =	vld [tilespmem:s1+$0x220];
	v23 =	vpop (erf)  }
0x1e0: {  	v14 =	vadd.f32 v14, v11;
	v15 =	vadd.f32 v17, v15;
	v8 =	vld [tilespmem:s1+$0x1640];
	[tilespmem:s8+$0x7A20] =	vst v9;
	v24 =	vpop (erf)  }
0x1e1: {  	v7 =	vld [tilespmem:s1+$0x1650];
	[tilespmem:s1+$0x7A30] =	vst v10;
	v10 =	vsub.f32 $0.0e+00, v10;
	v12 =	vadd.f32 $1.000000000e+00, v12;
	v25 =	vpop (erf)  }
0x1e2: {  	v19 =	vadd.f32 v19, v14;
	v9 =	vld [tilespmem:s1+$0x250];
	v17 =	vadd.f32 $1.000000000e+00, v23;
	[tilespmem:s8+$0x8E70] =	vst v25;
	v14 =	vmul.f32 v25, v21  }
0x1e3: {  	v10 =	vmul.f32 $1.442695020e+00, v10;
	(erf) = vrcp.f32 v12;
	v11 =	vld [tilespmem:s1+$0x1660];
	[tilespmem:s8+$0xA270] =	vst v25  }
0x1e4: {  	(erf) = vrcp.f32 v17;
	v12 =	vld [tilespmem:s1+$0x260];
	[tilespmem:s8+$0xA230] =	vst v14;
	v14 =	vadd.f32 $1.000000000e+00, v24  }
0x1e5: {  	(erf) = vpow2.f32 v10  }
0x1e6: {  	v15 =	vadd.f32 v20, v15;
	v13 =	vadd.f32 v18, v13;
	(erf) = vrcp.f32 v14  }
0x1e7: {  	v17 =	vsub.f32 $0.0e+00, v19  }
0x1e8: {  	v18 =	vsub.f32 $0.0e+00, v15;
	v13 =	vadd.f32 v22, v13;
	v16 =	vmul.f32 v25, v16  }
0x1e9: {  	v63 =	vmul.f32 $1.442695020e+00, v17  }
0x1ea: {  	s9 =	simm.s32 $0x100;
	v17 =	vsub.f32 $0.0e+00, v13;
	v10 =	vld [tilespmem:s1+$0x1670];
	[tilespmem:s8+$0x8E30] =	vst v16;
	v16 =	vmul.f32 $1.442695020e+00, v18  }
0x1eb: {  	s2 =	sshll.u32 s26, $0x1;
	s10 =	simm.s32 $0x600;
	v14 =	vld [tilespmem:s9+$0x230];
	[tilespmem:s1+$0x7A00] =	vst v19;
	(erf) = vpow2.f32 v63  }
.LBB2_9:
0x1ec: {  	p1 =	sne.s32 s10, $0x4E00;
	v18 =	vld [tilespmem:s9+$0x1630];
	[tilespmem:s1+$0x7A10] =	vst v15;
	v23 =	vmul.f32 $1.442695020e+00, v17;
	(erf) = vpow2.f32 v16;
	v16 =	vpop (erf)  }
0x1ed: {  	v17 =	vld [tilespmem:s9+$0x200];
	v19 =	vmul.f32 v16, v3;
	v20 =	vmul.f32 v16, v5;
	[tilespmem:s8+$0x8E40] =	vst v16;
	v21 =	vpop (erf);
	v3 =	vmov v8  }
0x1ee: {  	v5 =	vmov v6;
	v8 =	vld [tilespmem:s9+$0x5230];
	(erf) = vpow2.f32 v23;
	v15 =	vpop (erf);
	[tilespmem:s8+$0xA240] =	vst v16;
	v16 =	vmul.f32 v21, v4  }
0x1ef: {  	v4 =	vmov v7;
	v6 =	vld [tilespmem:s9+$0x1600];
	v15 =	vadd.f32 $1.000000000e+00, v15;
	[tilespmem:s8+$0x8E00] =	vst v19;
	v19 =	vmul.f32 v21, v2;
	v22 =	vpop (erf)  }
0x1f0: {  	v2 =	vmovc v9;
	v7 =	vld [tilespmem:s9+$0x210];
	[tilespmem:s8+$0xA200] =	vst v20;
	v20 =	vmul.f32 v22, v0;
	v23 =	vmul.f32 v22, v1;
	v0 =	vmov v11  }
0x1f1: {  	v1 =	vmov v12;
	v9 =	vld [tilespmem:s9+$0x1610];
	v11 =	vadd.f32 v18, v14;
	(erf) = vrcp.f32 v15;
	[tilespmem:s8+$0x8E10] =	vst v16  }
0x1f2: {  	v12 =	vld [tilespmem:s9+$0x220];
	[tilespmem:s8+$0xA210] =	vst v19  }
0x1f3: {  	v14 =	vld [tilespmem:s9+$0x1620];
	v11 =	vadd.f32 v8, v11;
	[tilespmem:s8+$0x8E20] =	vst v20  }
0x1f4: {  	v6 =	vadd.f32 v6, v17;
	v15 =	vld [tilespmem:s9+$0x5200];
	v8 =	vpop (erf);
	[tilespmem:s8+$0xA220] =	vst v23  }
0x1f5: {  	v16 =	vld [tilespmem:s9+$0x5210];
	v17 =	vsub.f32 $0.0e+00, v11;
	v8 =	vadd.f32 $1.000000000e+00, v8;
	v18 =	vpop (erf);
	[tilespmem:s8+$0x8E50] =	vst v21  }
0x1f6: {  	v7 =	vadd.f32 v9, v7;
	v9 =	vadd.f32 $1.000000000e+00, v18;
	v18 =	vld [tilespmem:s1+$0x270];
	[tilespmem:s8+$0xA250] =	vst v21  }
0x1f7: {  	v19 =	vld [tilespmem:s9+$0x5220];
	v17 =	vmul.f32 $1.442695020e+00, v17;
	(erf) = vrcp.f32 v8;
	v20 =	vpop (erf);
	[tilespmem:s8+$0x8E60] =	vst v22  }
0x1f8: {  	v8 =	vld [tilespmem:s9+$0x1640];
	v12 =	vadd.f32 v14, v12;
	v21 =	vadd.f32 $1.000000000e+00, v20;
	(erf) = vrcp.f32 v9;
	[tilespmem:s8+$0xA260] =	vst v22;
	s8 =	smov.u32 s1;
	s1 =	smov.u32 s9  }
0x1f9: {  	v20 =	vadd.f32 v15, v6;
	v6 =	vld [tilespmem:s1+$0x240];
	(erf) = vpow2.f32 v17;
	[tilespmem:s8+$0x7A20] =	vst v13  }
0x1fa: {  	v15 =	vadd.f32 v16, v7;
	v7 =	vld [tilespmem:s1+$0x1650];
	[tilespmem:s1+$0x7A30] =	vst v11;
	(erf) = vrcp.f32 v21;
	v14 =	vpop (erf)  }
.Ltmp3:
0x1fb: {  	v16 =	vsub.f32 $0.0e+00, v20;
	v9 =	vld [tilespmem:s1+$0x250];
	v21 =	vmul.f32 v14, v10;
	v10 =	vmul.f32 v14, v18;
	[tilespmem:s8+$0x8E70] =	vst v14;
	(pc) =	sbr.rel @p1 .LBB2_9-.Ltmp3, $4  }
0x1fc: {  	v17 =	vsub.f32 $0.0e+00, v15;
	v13 =	vadd.f32 v19, v12;
	v11 =	vld [tilespmem:s1+$0x1660];
	[tilespmem:s8+$0xA270] =	vst v14  }
0x1fd: {  	v18 =	vmul.f32 $1.442695020e+00, v16;
	v12 =	vld [tilespmem:s1+$0x260];
	[tilespmem:s8+$0xA230] =	vst v10  }
0x1fe: {  	s9 =	sshra.s32 s10, $0x2;
	v16 =	vmul.f32 $1.442695020e+00, v17;
	v17 =	vsub.f32 $0.0e+00, v13;
	v10 =	vld [tilespmem:s1+$0x1670];
	[tilespmem:s8+$0x8E30] =	vst v21  }
0x1ff: {  	s10 =	sadd.s32 $0x200, s10;
	v14 =	vld [tilespmem:s9+$0x230];
	[tilespmem:s1+$0x7A00] =	vst v20;
	(erf) = vpow2.f32 v18  }
0x200: {  	v18 =	vld [tilespmem:s9+$0x1630];
	[tilespmem:s1+$0x7A10] =	vst v15;
	v15 =	vpop (erf)  }
0x201: {  	v3 =	vmul.f32 v15, v3;
	_ =	sdelay $0x1  }
0x202: {  	v19 =	vld [tilespmem:s9+$0x200];
	[tilespmem:s8+$0x8E40] =	vst v15  }
0x203: {  	v20 =	vld [tilespmem:s9+$0x5230];
	[tilespmem:s8+$0xA240] =	vst v15  }
0x204: {  	v21 =	vld [tilespmem:s9+$0x1600];
	[tilespmem:s8+$0x8E00] =	vst v3;
	v3 =	vpop (erf)  }
0x205: {  	v4 =	vmul.f32 v3, v4  }
0x206: {  	v5 =	vmul.f32 v15, v5;
	_ =	sdelay $0x1  }
0x207: {  	v15 =	vld [tilespmem:s9+$0x210];
	[tilespmem:s8+$0xA200] =	vst v5;
	v22 =	vpop (erf)  }
0x208: {  	v5 =	vld [tilespmem:s9+$0x1610];
	v2 =	vmul.f32 v3, v2;
	[tilespmem:s8+$0x8E10] =	vst v4;
	v4 =	vpop (erf)  }
0x209: {  	v0 =	vmul.f32 v4, v0  }
0x20a: {  	(erf) = vpow2.f32 v16;
	v23 =	vld [tilespmem:s9+$0x220];
	[tilespmem:s8+$0xA210] =	vst v2;
	v1 =	vmul.f32 v4, v1  }
0x20b: {  	v2 =	vld [tilespmem:s9+$0x1620];
	[tilespmem:s8+$0x8E20] =	vst v0  }
0x20c: {  	v0 =	vld [tilespmem:s9+$0x5200];
	[tilespmem:s8+$0xA220] =	vst v1;
	v1 =	vmul.f32 $1.442695020e+00, v17  }
0x20d: {  	v16 =	vadd.f32 $1.000000000e+00, v22  }
0x20e: {  	v17 =	vld [tilespmem:s9+$0x5210];
	[tilespmem:s8+$0x8E50] =	vst v3;
	(erf) = vpow2.f32 v1  }
0x20f: {  	v14 =	vadd.f32 v18, v14;
	v1 =	vld [tilespmem:s1+$0x270];
	[tilespmem:s8+$0xA250] =	vst v3;
	(erf) = vrcp.f32 v16  }
0x210: {  	v3 =	vld [tilespmem:s9+$0x5220];
	[tilespmem:s8+$0x8E60] =	vst v4  }
0x211: {  	v16 =	vld [tilespmem:s9+$0x1640];
	[tilespmem:s8+$0xA260] =	vst v4;
	v4 =	vadd.f32 v20, v14  }
0x212: {  	v18 =	vadd.f32 v21, v19;
	v19 =	vpop (erf)  }
0x213: {  	v19 =	vadd.f32 $1.000000000e+00, v19;
	v56 =	vpop (erf);
	v14 =	vld [tilespmem:s9+$0x240];
	[tilespmem:s1+$0x7A20] =	vst v13;
	v13 =	vsub.f32 $0.0e+00, v4  }
0x214: {  	v5 =	vadd.f32 v5, v15;
	v15 =	vadd.f32 $1.000000000e+00, v56  }
0x215: {  	(erf) = vrcp.f32 v19;
	[tilespmem:s9+$0x7A30] =	vst v4;
	v4 =	vmul.f32 $1.442695020e+00, v13  }
0x216: {  	v0 =	vadd.f32 v0, v18;
	(erf) = vrcp.f32 v15  }
0x217: {  	v2 =	vadd.f32 v2, v23;
	(erf) = vpow2.f32 v4;
	v4 =	vadd.f32 v17, v5;
	v58 =	vpop (erf)  }
0x218: {  	v57 =	vld [tilespmem:s9+$0x1650];
	v5 =	vsub.f32 $0.0e+00, v0;
	v13 =	vpop (erf);
	v19 =	vadd.f32 $1.000000000e+00, v58  }
0x219: {  	v18 =	vld [tilespmem:s9+$0x250];
	v17 =	vsub.f32 $0.0e+00, v4;
	[tilespmem:s1+$0x8E70] =	vst v13;
	v1 =	vmul.f32 v13, v1  }
0x21a: {  	v2 =	vadd.f32 v3, v2;
	v3 =	vmul.f32 $1.442695020e+00, v5;
	v15 =	vld [tilespmem:s9+$0x1660];
	(erf) = vrcp.f32 v19;
	[tilespmem:s1+$0xA270] =	vst v13  }
0x21b: {  	v10 =	vmul.f32 v13, v10;
	v5 =	vld [tilespmem:s9+$0x260];
	[tilespmem:s1+$0xA230] =	vst v1;
	v1 =	vmul.f32 $1.442695020e+00, v17;
	_ =	sdelay $0x1  }
0x21c: {  	v13 =	vsub.f32 $0.0e+00, v2;
	(erf) = vpow2.f32 v3;
	v17 =	vld [tilespmem:s9+$0x1670];
	[tilespmem:s1+$0x8E30] =	vst v10  }
0x21d: {  	[tilespmem:s9+$0x7A00] =	vst v0  }
0x21e: {  	v0 =	vmul.f32 $1.442695020e+00, v13;
	(erf) = vpow2.f32 v1;
	[tilespmem:s9+$0x7A10] =	vst v4;
	v1 =	vpop (erf)  }
0x21f: {  	v3 =	vmul.f32 v1, v8;
	[tilespmem:s1+$0x8E40] =	vst v1;
	v4 =	vpop (erf)  }
0x220: {  	(erf) = vpow2.f32 v0;
	v0 =	vmul.f32 v1, v6;
	[tilespmem:s1+$0xA240] =	vst v1;
	v6 =	vpop (erf)  }
0x221: {  	v1 =	vmul.f32 v4, v7;
	v6 =	vadd.f32 $1.000000000e+00, v6;
	[tilespmem:s1+$0x8E00] =	vst v3;
	v3 =	vmul.f32 v4, v9  }
0x222: {  	[tilespmem:s1+$0x8E50] =	vst v4;
	v7 =	vpop (erf)  }
0x223: {  	[tilespmem:s1+$0x8E10] =	vst v1;
	(erf) = vrcp.f32 v6;
	v1 =	vmul.f32 v7, v12  }
0x224: {  	[tilespmem:s1+$0xA200] =	vst v0;
	v0 =	vmul.f32 v7, v11  }
0x225: {  	[tilespmem:s1+$0xA210] =	vst v3;
	v3 =	vpop (erf)  }
0x226: {  	[tilespmem:s1+$0x8E20] =	vst v0;
	v0 =	vadd.f32 $1.000000000e+00, v3  }
0x227: {  	[tilespmem:s1+$0xA220] =	vst v1;
	v1 =	vpop (erf)  }
0x228: {  	v1 =	vadd.f32 $1.000000000e+00, v1;
	(erf) = vrcp.f32 v0;
	v0 =	vld [tilespmem:s9+$0x270];
	_ =	sdelay $0x1  }
0x229: {  	[tilespmem:s1+$0xA250] =	vst v4  }
0x22a: {  	v3 =	vpop (erf);
	[tilespmem:s1+$0x8E60] =	vst v7  }
0x22b: {  	[tilespmem:s1+$0xA260] =	vst v7;
	v3 =	vadd.f32 $1.000000000e+00, v3;
	(erf) = vrcp.f32 v1;
	v1 =	vpop (erf)  }
0x22c: {  	[tilespmem:s9+$0x7A20] =	vst v2;
	v0 =	vmul.f32 v1, v0  }
0x22d: {  	(erf) = vrcp.f32 v3;
	[tilespmem:s9+$0x8E70] =	vst v1  }
0x22e: {  	v2 =	vmul.f32 v1, v17;
	[tilespmem:s9+$0xA270] =	vst v1  }
0x22f: {  	[tilespmem:s9+$0xA230] =	vst v0  }
0x230: {  	[tilespmem:s9+$0x8E30] =	vst v2;
	v0 =	vpop (erf)  }
0x231: {  	v1 =	vmul.f32 v0, v16;
	[tilespmem:s9+$0x8E40] =	vst v0  }
0x232: {  	v2 =	vmul.f32 v0, v14;
	[tilespmem:s9+$0xA240] =	vst v0  }
0x233: {  	[tilespmem:s9+$0x8E00] =	vst v1  }
0x234: {  	v3 =	vpop (erf);
	[tilespmem:s9+$0xA200] =	vst v2  }
0x235: {  	[tilespmem:s9+$0x8E50] =	vst v3  }
0x236: {  	v4 =	vpop (erf);
	[tilespmem:s9+$0xA250] =	vst v3  }
0x237: {  	v0 =	vmul.f32 v3, v57;
	[tilespmem:s9+$0x8E60] =	vst v4  }
0x238: {  	v1 =	vmul.f32 v3, v18;
	[tilespmem:s9+$0xA260] =	vst v4  }
0x239: {  	v2 =	vmul.f32 v4, v15;
	[tilespmem:s9+$0x8E10] =	vst v0  }
0x23a: {  	s10 =	sadd.s32 s11, s29;
	v0 =	vmul.f32 v4, v5;
	[tilespmem:s9+$0xA210] =	vst v1  }
0x23b: {  	s29 =	rddreg [dreg:$0x7];
	s1 =	sshll.u32 s10, $0x4;
	[tilespmem:s9+$0x8E20] =	vst v2  }
0x23c: {  	s8 =	simm.s32 $0x0;
	s1 =	sadd.s32 s29, s1;
	[tilespmem:s9+$0xA220] =	vst v0  }
0x23d: {  	[hbm4b:s1+s8] =	stream.linear.scatter [tilespmem:s20], [sflag:$0x7], $0x1400, $0x38;
	[tilespmem:$0x1EE80] =	vst v63  }
0x23e: {  	_ = 	snop  }
0x23f: {  	[spmem:s4] =	stream.indirect.scatter.add.f32 [tilespmem:s13], [sflag:$0x8], $0x80, s8, s25, $0xb8;
	[tilespmem:$0x1EE80] =	vst v63  }
0x240: {  	_ =	swait.ge [sflag:s23], $0x1400  }
0x241: {  	[sflag:s23] =	ssyncset.done $0x0  }
0x242: {  	s9 =	smin.u32 s2, $0xF7;
	[sflag:s23] =	ssyncadd.s32 $0xFFFFEC00  }
0x243: {  	[spmem:s4] =	stream.indirect.scatter.add.f32 [tilespmem:s14], [sflag:$0x8], $0x80, s24, s25, $0xb8;
	[tilespmem:$0x1EE80] =	vst v63  }
0x244: {  	s1 =	smul.u32 $0x28, s9;
	_ =	swait.ge [sflag:s23], $0x1400  }
0x245: {  	s10 =	rddreg [dreg:$0xb]  }
0x246: {  	s1 =	sadd.s32 s1, s10  }
0x247: {  	[sflag:s23] =	ssyncset.done $0x0;
	s2 =	sshrl.u32 s1, $0x3  }
0x248: {  	[sflag:s23] =	ssyncadd.s32 $0xFFFFEC00;
	s29 =	sadd.s32 s12, s2  }
0x249: {  	[tilespmem:s8], [sflag:$0x8] =	stream.linear.gather [hbm4b:s29+s8], $0x28, $0x38;
	[tilespmem:$0x1EE80] =	vst v63  }
0x24a: {  	_ =	swait.ge [sflag:s23], $0x28  }
0x24b: {  	[sflag:s23] =	ssyncset.done $0x0  }
0x24c: {  	[sflag:s23] =	ssyncadd.s32 $0xFFFFFFD8  }
0x24d: {  	s29 =	rddreg [dreg:$0x2]  }
0x24e: {  	s2 =	sadd.s32 s29, s2  }
0x24f: {  	[tilespmem:s24], [sflag:$0x8] =	stream.linear.gather [hbm4b:s2+s8], $0x28, $0x38;
	[tilespmem:$0x1EE80] =	vst v63  }
0x250: {  	_ =	swait.ge [sflag:s23], $0x28  }
0x251: {  	[sflag:s23] =	ssyncset.done $0x0  }
0x252: {  	s29 =	simm.s32 $0x200;
	[sflag:s23] =	ssyncadd.s32 $0xFFFFFFD8  }
0x253: {  	[tilespmem:s29], [sflag:$0x1] =	stream.indirect.gather [hbm4b:s7+s25], $0x80, s8, s25, $0xb8;
	[tilespmem:$0x1EE80] =	vst v63  }
0x254: {  	s9 =	simm.s32 $0x1600;
	s1 =	sshll.u32 s1, $0x4  }
0x255: {  	[tilespmem:s9], [sflag:$0x2] =	stream.indirect.gather [hbm4b:s7+s25], $0x80, s24, s25, $0xb8;
	[tilespmem:$0x1EE80] =	vst v63  }
0x256: {  	s1 =	sadd.s32 s21, s1;
	s29 =	simm.s32 $0x5200  }
0x257: {  	[tilespmem:s29], [sflag:$0x3] =	stream.linear.gather [hbm4b:s1+s8], $0x1400, $0x38;
	[tilespmem:$0x1EE80] =	vst v63  }
0x258: {  	_ =	swait.ge [sflag:s22], $0x1400  }
0x259: {  	[sflag:s22] =	ssyncset.done $0x0  }
0x25a: {  	[sflag:s22] =	ssyncadd.s32 $0xFFFFEC00  }
0x25b: {  	_ =	swait.ge [sflag:s0], $0x1400  }
0x25c: {  	[sflag:s0] =	ssyncset.done $0x0  }
0x25d: {  	[sflag:s0] =	ssyncadd.s32 $0xFFFFEC00  }
0x25e: {  	_ =	swait.ge [sflag:s3], $0x1400  }
0x25f: {  	[sflag:s3] =	ssyncset.done $0x0  }
0x260: {  	[sflag:s3] =	ssyncadd.s32 $0xFFFFEC00  }
0x261: {  	_ =	swait.ge [sflag:s15], $0x1400  }
0x262: {  	[sflag:s15] =	ssyncset.done $0x0  }
0x263: {  	s2 =	simm.s32 $0x0;
	[sflag:s15] =	ssyncadd.s32 $0xFFFFEC00  }
0x264: {  	v0 =	vld [tilespmem:s2+$0x2A30]  }
0x265: {  	v1 =	vld [tilespmem:s2+$0x3E30];
	_ =	sdelay $0x1  }
0x266: {  	v2 =	vld [tilespmem:s2+$0x6630]  }
0x267: {  	v6 =	vld [tilespmem:s2+$0x2A00]  }
0x268: {  	v7 =	vld [tilespmem:s2+$0x3E00]  }
0x269: {  	v8 =	vld [tilespmem:s2+$0x2A10];
	v0 =	vadd.f32 v1, v0  }
0x26a: {  	v9 =	vld [tilespmem:s2+$0x3E10]  }
0x26b: {  	v10 =	vld [tilespmem:s2+$0x2A20];
	v0 =	vadd.f32 v2, v0  }
0x26c: {  	v11 =	vld [tilespmem:s2+$0x3E20]  }
0x26d: {  	v12 =	vld [tilespmem:s2+$0x6600];
	v1 =	vsub.f32 $0.0e+00, v0  }
0x26e: {  	v13 =	vld [tilespmem:s2+$0x6610]  }
0x26f: {  	v14 =	vld [tilespmem:s2+$0x6620];
	v6 =	vadd.f32 v7, v6;
	v7 =	vmul.f32 $1.442695020e+00, v1  }
0x270: {  	v3 =	vld [tilespmem:s2+$0x3E40]  }
0x271: {  	v5 =	vld [tilespmem:s2+$0x2A40];
	(erf) = vpow2.f32 v7  }
0x272: {  	v4 =	vld [tilespmem:s2+$0x3E50];
	v8 =	vadd.f32 v9, v8;
	v9 =	vadd.f32 v11, v10  }
0x273: {  	v16 =	vld [tilespmem:s2+$0x3E70]  }
0x274: {  	v60 =	vld [tilespmem:s2+$0x2A70];
	v6 =	vadd.f32 v12, v6;
	v9 =	vadd.f32 v14, v9  }
0x275: {  	s1 =	simm.s32 $0x80;
	v2 =	vld [tilespmem:s2+$0x2A50];
	v8 =	vadd.f32 v13, v8;
	[tilespmem:s2+$0x7A30] =	vst v0  }
0x276: {  	v13 =	vsub.f32 $0.0e+00, v9;
	v7 =	vld [tilespmem:s1+$0x2A30];
	[tilespmem:s2+$0x7A00] =	vst v6;
	v6 =	vsub.f32 $0.0e+00, v6  }
0x277: {  	v10 =	vld [tilespmem:s1+$0x3E30];
	[tilespmem:s2+$0x7A10] =	vst v8;
	v8 =	vsub.f32 $0.0e+00, v8  }
0x278: {  	v0 =	vld [tilespmem:s2+$0x3E60];
	v6 =	vmul.f32 $1.442695020e+00, v6  }
0x279: {  	v1 =	vld [tilespmem:s2+$0x2A60];
	v8 =	vmul.f32 $1.442695020e+00, v8  }
0x27a: {  	v11 =	vld [tilespmem:s1+$0x2A00];
	(erf) = vpow2.f32 v6;
	v6 =	vmul.f32 $1.442695020e+00, v13;
	v13 =	vpop (erf)  }
0x27b: {  	v12 =	vld [tilespmem:s1+$0x6630];
	(erf) = vpow2.f32 v8;
	v8 =	vadd.f32 $1.000000000e+00, v13  }
0x27c: {  	v14 =	vld [tilespmem:s1+$0x3E00];
	(erf) = vpow2.f32 v6  }
0x27d: {  	v15 =	vld [tilespmem:s1+$0x2A10];
	(erf) = vrcp.f32 v8  }
0x27e: {  	v17 =	vld [tilespmem:s1+$0x3E10]  }
0x27f: {  	v18 =	vld [tilespmem:s1+$0x3E20]  }
0x280: {  	v19 =	vld [tilespmem:s1+$0x6600]  }
0x281: {  	v59 =	vld [tilespmem:s1+$0x6610];
	v7 =	vadd.f32 v10, v7  }
0x282: {  	v61 =	vld [tilespmem:s1+$0x6620]  }
0x283: {  	v6 =	vld [tilespmem:s1+$0x2A40];
	v10 =	vadd.f32 v12, v7;
	v12 =	vpop (erf)  }
0x284: {  	v13 =	vld [tilespmem:s1+$0x2A20];
	v62 =	vpop (erf)  }
0x285: {  	v14 =	vadd.f32 v14, v11;
	v15 =	vadd.f32 v17, v15;
	v8 =	vld [tilespmem:s1+$0x3E40];
	[tilespmem:s2+$0x7A20] =	vst v9;
	v24 =	vpop (erf)  }
0x286: {  	v7 =	vld [tilespmem:s1+$0x3E50];
	[tilespmem:s1+$0x7A30] =	vst v10;
	v10 =	vsub.f32 $0.0e+00, v10;
	v12 =	vadd.f32 $1.000000000e+00, v12;
	v25 =	vpop (erf)  }
0x287: {  	v19 =	vadd.f32 v19, v14;
	v9 =	vld [tilespmem:s1+$0x2A50];
	v17 =	vadd.f32 $1.000000000e+00, v62;
	[tilespmem:s2+$0x8E70] =	vst v25;
	v14 =	vmul.f32 v25, v60  }
0x288: {  	v10 =	vmul.f32 $1.442695020e+00, v10;
	(erf) = vrcp.f32 v12;
	v11 =	vld [tilespmem:s1+$0x3E60];
	[tilespmem:s2+$0xA270] =	vst v25  }
0x289: {  	(erf) = vrcp.f32 v17;
	v12 =	vld [tilespmem:s1+$0x2A60];
	[tilespmem:s2+$0xA230] =	vst v14;
	v14 =	vadd.f32 $1.000000000e+00, v24  }
0x28a: {  	(erf) = vpow2.f32 v10  }
0x28b: {  	v15 =	vadd.f32 v59, v15;
	v13 =	vadd.f32 v18, v13;
	(erf) = vrcp.f32 v14  }
0x28c: {  	v17 =	vsub.f32 $0.0e+00, v19  }
0x28d: {  	v18 =	vsub.f32 $0.0e+00, v15;
	v13 =	vadd.f32 v61, v13;
	v16 =	vmul.f32 v25, v16  }
0x28e: {  	v63 =	vmul.f32 $1.442695020e+00, v17  }
0x28f: {  	s8 =	simm.s32 $0x100;
	v17 =	vsub.f32 $0.0e+00, v13;
	v10 =	vld [tilespmem:s1+$0x3E70];
	[tilespmem:s2+$0x8E30] =	vst v16;
	v16 =	vmul.f32 $1.442695020e+00, v18  }
0x290: {  	s10 =	smov.u32 s12;
	s9 =	simm.s32 $0x600;
	v14 =	vld [tilespmem:s8+$0x2A30];
	[tilespmem:s1+$0x7A00] =	vst v19;
	(erf) = vpow2.f32 v63  }
.LBB2_11:
0x291: {  	p1 =	sne.s32 s9, $0x4E00;
	v18 =	vld [tilespmem:s8+$0x3E30];
	[tilespmem:s1+$0x7A10] =	vst v15;
	v23 =	vmul.f32 $1.442695020e+00, v17;
	(erf) = vpow2.f32 v16;
	v16 =	vpop (erf)  }
0x292: {  	v17 =	vld [tilespmem:s8+$0x2A00];
	v19 =	vmul.f32 v16, v3;
	v20 =	vmul.f32 v16, v5;
	[tilespmem:s2+$0x8E40] =	vst v16;
	v21 =	vpop (erf);
	v3 =	vmov v8  }
0x293: {  	v5 =	vmov v6;
	v8 =	vld [tilespmem:s8+$0x6630];
	(erf) = vpow2.f32 v23;
	v15 =	vpop (erf);
	[tilespmem:s2+$0xA240] =	vst v16;
	v16 =	vmul.f32 v21, v4  }
0x294: {  	v4 =	vmov v7;
	v6 =	vld [tilespmem:s8+$0x3E00];
	v15 =	vadd.f32 $1.000000000e+00, v15;
	[tilespmem:s2+$0x8E00] =	vst v19;
	v19 =	vmul.f32 v21, v2;
	v22 =	vpop (erf)  }
0x295: {  	v2 =	vmovc v9;
	v7 =	vld [tilespmem:s8+$0x2A10];
	[tilespmem:s2+$0xA200] =	vst v20;
	v20 =	vmul.f32 v22, v0;
	v23 =	vmul.f32 v22, v1;
	v0 =	vmov v11  }
0x296: {  	v1 =	vmov v12;
	v9 =	vld [tilespmem:s8+$0x3E10];
	v11 =	vadd.f32 v18, v14;
	(erf) = vrcp.f32 v15;
	[tilespmem:s2+$0x8E10] =	vst v16  }
0x297: {  	v12 =	vld [tilespmem:s8+$0x2A20];
	[tilespmem:s2+$0xA210] =	vst v19  }
0x298: {  	v14 =	vld [tilespmem:s8+$0x3E20];
	v11 =	vadd.f32 v8, v11;
	[tilespmem:s2+$0x8E20] =	vst v20  }
0x299: {  	v6 =	vadd.f32 v6, v17;
	v15 =	vld [tilespmem:s8+$0x6600];
	v8 =	vpop (erf);
	[tilespmem:s2+$0xA220] =	vst v23  }
0x29a: {  	v16 =	vld [tilespmem:s8+$0x6610];
	v17 =	vsub.f32 $0.0e+00, v11;
	v8 =	vadd.f32 $1.000000000e+00, v8;
	v18 =	vpop (erf);
	[tilespmem:s2+$0x8E50] =	vst v21  }
0x29b: {  	v7 =	vadd.f32 v9, v7;
	v9 =	vadd.f32 $1.000000000e+00, v18;
	v18 =	vld [tilespmem:s1+$0x2A70];
	[tilespmem:s2+$0xA250] =	vst v21  }
0x29c: {  	v19 =	vld [tilespmem:s8+$0x6620];
	v17 =	vmul.f32 $1.442695020e+00, v17;
	(erf) = vrcp.f32 v8;
	v20 =	vpop (erf);
	[tilespmem:s2+$0x8E60] =	vst v22  }
0x29d: {  	v8 =	vld [tilespmem:s8+$0x3E40];
	v12 =	vadd.f32 v14, v12;
	v21 =	vadd.f32 $1.000000000e+00, v20;
	(erf) = vrcp.f32 v9;
	[tilespmem:s2+$0xA260] =	vst v22;
	s2 =	smov.u32 s1;
	s1 =	smov.u32 s8  }
0x29e: {  	v20 =	vadd.f32 v15, v6;
	v6 =	vld [tilespmem:s1+$0x2A40];
	(erf) = vpow2.f32 v17;
	[tilespmem:s2+$0x7A20] =	vst v13  }
0x29f: {  	v15 =	vadd.f32 v16, v7;
	v7 =	vld [tilespmem:s1+$0x3E50];
	[tilespmem:s1+$0x7A30] =	vst v11;
	(erf) = vrcp.f32 v21;
	v14 =	vpop (erf)  }
.Ltmp4:
0x2a0: {  	v16 =	vsub.f32 $0.0e+00, v20;
	v9 =	vld [tilespmem:s1+$0x2A50];
	v21 =	vmul.f32 v14, v10;
	v10 =	vmul.f32 v14, v18;
	[tilespmem:s2+$0x8E70] =	vst v14;
	(pc) =	sbr.rel @p1 .LBB2_11-.Ltmp4, $4  }
0x2a1: {  	v17 =	vsub.f32 $0.0e+00, v15;
	v13 =	vadd.f32 v19, v12;
	v11 =	vld [tilespmem:s1+$0x3E60];
	[tilespmem:s2+$0xA270] =	vst v14  }
0x2a2: {  	v18 =	vmul.f32 $1.442695020e+00, v16;
	v12 =	vld [tilespmem:s1+$0x2A60];
	[tilespmem:s2+$0xA230] =	vst v10  }
0x2a3: {  	s8 =	sshra.s32 s9, $0x2;
	v16 =	vmul.f32 $1.442695020e+00, v17;
	v17 =	vsub.f32 $0.0e+00, v13;
	v10 =	vld [tilespmem:s1+$0x3E70];
	[tilespmem:s2+$0x8E30] =	vst v21  }
0x2a4: {  	s9 =	sadd.s32 $0x200, s9;
	v14 =	vld [tilespmem:s8+$0x2A30];
	[tilespmem:s1+$0x7A00] =	vst v20;
	(erf) = vpow2.f32 v18  }
0x2a5: {  	v18 =	vld [tilespmem:s8+$0x3E30];
	[tilespmem:s1+$0x7A10] =	vst v15;
	v49 =	vpop (erf)  }
0x2a6: {  	v19 =	vld [tilespmem:s8+$0x2A00];
	[tilespmem:s2+$0x8E40] =	vst v49;
	v3 =	vmul.f32 v49, v3;
	v50 =	vpop (erf)  }
0x2a7: {  	v5 =	vmul.f32 v49, v5;
	v20 =	vld [tilespmem:s8+$0x6630];
	[tilespmem:s2+$0xA240] =	vst v49;
	v22 =	vpop (erf);
	(erf) = vpow2.f32 v16  }
0x2a8: {  	v4 =	vmul.f32 v50, v4;
	v21 =	vld [tilespmem:s8+$0x3E00];
	[tilespmem:s2+$0x8E00] =	vst v3  }
0x2a9: {  	v53 =	vmul.f32 $1.442695020e+00, v17;
	v2 =	vmul.f32 v50, v2;
	v52 =	vpop (erf);
	v51 =	vld [tilespmem:s8+$0x2A10];
	[tilespmem:s2+$0xA200] =	vst v5  }
0x2aa: {  	v55 =	vadd.f32 $1.000000000e+00, v22;
	v0 =	vmul.f32 v52, v0;
	v5 =	vld [tilespmem:s8+$0x3E10];
	[tilespmem:s2+$0x8E10] =	vst v4  }
0x2ab: {  	(erf) = vpow2.f32 v53;
	v1 =	vmul.f32 v52, v1;
	v23 =	vld [tilespmem:s8+$0x2A20];
	[tilespmem:s2+$0xA210] =	vst v2  }
0x2ac: {  	(erf) = vrcp.f32 v55;
	v14 =	vadd.f32 v18, v14;
	v2 =	vld [tilespmem:s8+$0x3E20];
	[tilespmem:s2+$0x8E20] =	vst v0  }
0x2ad: {  	v0 =	vld [tilespmem:s8+$0x6600];
	[tilespmem:s2+$0xA220] =	vst v1  }
0x2ae: {  	v58 =	vadd.f32 v20, v14;
	v54 =	vld [tilespmem:s8+$0x6610];
	[tilespmem:s2+$0x8E50] =	vst v50  }
0x2af: {  	v60 =	vadd.f32 v21, v19;
	v61 =	vpop (erf);
	v56 =	vld [tilespmem:s1+$0x2A70];
	[tilespmem:s2+$0xA250] =	vst v50  }
0x2b0: {  	v62 =	vsub.f32 $0.0e+00, v58;
	v19 =	vadd.f32 $1.000000000e+00, v61;
	v3 =	vld [tilespmem:s8+$0x6620];
	[tilespmem:s2+$0x8E60] =	vst v52;
	v63 =	vpop (erf)  }
0x2b1: {  	v5 =	vadd.f32 v5, v51;
	v57 =	vld [tilespmem:s8+$0x3E40];
	[tilespmem:s2+$0xA260] =	vst v52;
	v25 =	vadd.f32 $1.000000000e+00, v63  }
0x2b2: {  	(erf) = vrcp.f32 v19;
	v59 =	vld [tilespmem:s8+$0x2A40];
	[tilespmem:s1+$0x7A20] =	vst v13;
	v13 =	vmul.f32 $1.442695020e+00, v62;
	v0 =	vadd.f32 v0, v60  }
0x2b3: {  	(erf) = vrcp.f32 v25  }
0x2b4: {  	v26 =	vpop (erf);
	v5 =	vadd.f32 v54, v5;
	(erf) = vpow2.f32 v13;
	v29 =	vsub.f32 $0.0e+00, v0  }
0x2b5: {  	v2 =	vadd.f32 v2, v23;
	v4 =	vadd.f32 $1.000000000e+00, v26;
	v24 =	vld [tilespmem:s8+$0x3E50];
	[tilespmem:s8+$0x7A30] =	vst v58;
	v27 =	vpop (erf)  }
0x2b6: {  	v28 =	vld [tilespmem:s8+$0x2A50];
	[tilespmem:s1+$0x8E70] =	vst v27;
	v1 =	vmul.f32 v27, v56;
	v31 =	vsub.f32 $0.0e+00, v5;
	v32 =	vmul.f32 $1.442695020e+00, v29  }
0x2b7: {  	v10 =	vmul.f32 v27, v10;
	v30 =	vld [tilespmem:s8+$0x3E60];
	(erf) = vrcp.f32 v4;
	[tilespmem:s1+$0xA270] =	vst v27;
	v2 =	vadd.f32 v3, v2  }
0x2b8: {  	v33 =	vld [tilespmem:s8+$0x2A60];
	[tilespmem:s1+$0xA230] =	vst v1;
	v34 =	vmul.f32 $1.442695020e+00, v31;
	(erf) = vpow2.f32 v32  }
0x2b9: {  	v35 =	vsub.f32 $0.0e+00, v2;
	v36 =	vld [tilespmem:s8+$0x3E70];
	[tilespmem:s1+$0x8E30] =	vst v10  }
0x2ba: {  	[tilespmem:s8+$0x7A00] =	vst v0;
	(erf) = vpow2.f32 v34  }
0x2bb: {  	[tilespmem:s8+$0x7A10] =	vst v5;
	v37 =	vmul.f32 $1.442695020e+00, v35;
	v38 =	vpop (erf)  }
0x2bc: {  	v39 =	vmul.f32 v38, v8;
	[tilespmem:s1+$0x8E40] =	vst v38;
	v40 =	vpop (erf)  }
0x2bd: {  	v41 =	vmul.f32 v38, v6;
	[tilespmem:s1+$0xA240] =	vst v38;
	(erf) = vpow2.f32 v37;
	v42 =	vpop (erf)  }
0x2be: {  	[tilespmem:s1+$0x8E00] =	vst v39;
	v5 =	vadd.f32 $1.000000000e+00, v42  }
0x2bf: {  	[tilespmem:s1+$0xA200] =	vst v41;
	v43 =	vmul.f32 v40, v7  }
0x2c0: {  	v44 =	vmul.f32 v40, v9;
	[tilespmem:s1+$0x8E50] =	vst v40;
	v45 =	vpop (erf);
	(erf) = vrcp.f32 v5  }
0x2c1: {  	v46 =	vmul.f32 v45, v11;
	[tilespmem:s1+$0x8E10] =	vst v43;
	v48 =	vpop (erf)  }
0x2c2: {  	v47 =	vmul.f32 v45, v12;
	[tilespmem:s1+$0xA210] =	vst v44;
	v49 =	vadd.f32 $1.000000000e+00, v48  }
0x2c3: {  	[tilespmem:s1+$0x8E20] =	vst v46;
	v50 =	vpop (erf)  }
0x2c4: {  	[tilespmem:s1+$0xA220] =	vst v47;
	v1 =	vadd.f32 $1.000000000e+00, v50;
	(erf) = vrcp.f32 v49  }
0x2c5: {  	v51 =	vld [tilespmem:s8+$0x2A70]  }
0x2c6: {  	[tilespmem:s1+$0xA250] =	vst v40;
	v52 =	vpop (erf);
	(erf) = vrcp.f32 v1  }
0x2c7: {  	[tilespmem:s1+$0x8E60] =	vst v45  }
0x2c8: {  	[tilespmem:s1+$0xA260] =	vst v45  }
0x2c9: {  	[tilespmem:s8+$0x7A20] =	vst v2;
	v53 =	vpop (erf)  }
0x2ca: {  	v3 =	vadd.f32 $1.000000000e+00, v52;
	v0 =	vmul.f32 v53, v51;
	[tilespmem:s8+$0x8E70] =	vst v53  }
0x2cb: {  	v54 =	vmul.f32 v53, v36;
	[tilespmem:s8+$0xA270] =	vst v53  }
0x2cc: {  	(erf) = vrcp.f32 v3;
	[tilespmem:s8+$0xA230] =	vst v0  }
0x2cd: {  	[tilespmem:s8+$0x8E30] =	vst v54;
	v55 =	vpop (erf)  }
0x2ce: {  	[tilespmem:s8+$0x8E40] =	vst v55  }
0x2cf: {  	v58 =	vpop (erf);
	[tilespmem:s8+$0xA240] =	vst v55  }
0x2d0: {  	v56 =	vmul.f32 v55, v57;
	[tilespmem:s8+$0x8E50] =	vst v58  }
0x2d1: {  	v57 =	vmul.f32 v55, v59;
	[tilespmem:s8+$0xA250] =	vst v58  }
0x2d2: {  	v59 =	vmul.f32 v58, v24;
	[tilespmem:s8+$0x8E00] =	vst v56  }
0x2d3: {  	v60 =	vmul.f32 v58, v28;
	[tilespmem:s8+$0xA200] =	vst v57  }
0x2d4: {  	[tilespmem:s8+$0x8E10] =	vst v59  }
0x2d5: {  	v61 =	vpop (erf);
	[tilespmem:s8+$0xA210] =	vst v60  }
0x2d6: {  	v62 =	vmul.f32 v61, v30;
	[tilespmem:s8+$0x8E60] =	vst v61  }
0x2d7: {  	v63 =	vmul.f32 v61, v33;
	[tilespmem:s8+$0xA260] =	vst v61  }
0x2d8: {  	s29 =	rddreg [dreg:$0x7];
	[tilespmem:s8+$0x8E20] =	vst v62  }
0x2d9: {  	s1 =	sadd.s32 s29, s28;
	[tilespmem:s8+$0xA220] =	vst v63  }
0x2da: {  	[hbm4b:s1+s5] =	stream.linear.scatter [tilespmem:s20], [sflag:$0x7], $0x1400, $0x38;
	[tilespmem:$0x1EE80] =	vst v63  }
0x2db: {  	_ = 	snop  }
0x2dc: {  	[spmem:s4] =	stream.indirect.scatter.add.f32 [tilespmem:s13], [sflag:$0x8], $0x80, s30, s25, $0xb8;
	[tilespmem:$0x1EE80] =	vst v63  }
0x2dd: {  	s26 =	sadd.s32 $0x1, s26;
	_ =	swait.ge [sflag:s23], $0x1400  }
0x2de: {  	p1 =	sne.s32 s26, $0x7D;
	[sflag:s23] =	ssyncset.done $0x0  }
.Ltmp5:
0x2df: {  	[sflag:s23] =	ssyncadd.s32 $0xFFFFEC00;
	(pc) =	sbr.rel @p1 .LBB2_8-.Ltmp5, $4  }
0x2e0: {  	[spmem:s4] =	stream.indirect.scatter.add.f32 [tilespmem:s14], [sflag:$0x8], $0x80, s31, s25, $0xb8;
	[tilespmem:$0x1EE80] =	vst v63  }
0x2e1: {  	_ =	swait.ge [sflag:s23], $0x1400  }
0x2e2: {  	[sflag:s23] =	ssyncset.done $0x0  }
0x2e3: {  	[sflag:s23] =	ssyncadd.s32 $0xFFFFEC00  }
0x2e4: {  	_ =	swait.ge [sflag:s17], $0x1400  }
0x2e5: {  	[sflag:s17] =	ssyncset.done $0x0  }
0x2e6: {  	[sflag:s17] =	ssyncadd.s32 $0xFFFFEC00  }
0x2e7: {  	_ =	swait.ge [sflag:s18], $0x1400  }
0x2e8: {  	[sflag:s18] =	ssyncset.done $0x0  }
0x2e9: {  	[sflag:s18] =	ssyncadd.s32 $0xFFFFEC00  }
0x2ea: {  	_ =	swait.ge [sflag:s19], $0x1400  }
0x2eb: {  	[sflag:s19] =	ssyncset.done $0x0  }
0x2ec: {  	[sflag:s19] =	ssyncadd.s32 $0xFFFFEC00  }
0x2ed: {  	_ =	swait.ge [sflag:s15], $0x1400  }
0x2ee: {  	[sflag:s15] =	ssyncset.done $0x0  }
0x2ef: {  	[sflag:s15] =	ssyncadd.s32 $0xFFFFEC00  }
0x2f0: {  	[bflag:$0x0] =	sbarrier.arrive $0xFFFF  }
0x2f1: {  	s2 =	rddreg [dreg:$0xe]  }
0x2f2: {  	s1 =	simm.s32 @!p0 $0x1C08;
	s8 =	rddreg [dreg:$0x11]  }
0x2f3: {  	[hbm:s2], [sflag:s1] =	dma.local @!p0 [spmem:s8], $0x27100  }
0x2f4: {  	s1 =	simm.s32 @!p0 $0x8  }
0x2f5: {  	_ =	swait.ge @!p0 [sflag:s1], $0x27100  }
0x2f6: {  	s28 =	rddreg [dreg:$0x12]  }
0x2f7: {  	s29 =	rddreg [dreg:$0xf];
	s2 =	sadd.s32 $0x1, s28  }
0x2f8: {  	p1 =	sne.s32 s2, s29  }
.Ltmp6:
0x2f9: {  	_ = 	snop;
	(pc) =	sbr.rel @p1 .LBB2_1-.Ltmp6, $3  }
0x2fa: {  	[sflag:s1] =	ssyncset.done @!p0 $0x0  }
0x2fb: {  	[sflag:s1] =	ssyncadd.s32 @!p0 $0xFFFD8F00  }
0x2fc: {  	[bflag:$0x0] =	sbarrier.arrive $0xFFFF;
	_ =	sdelay $0x1  }
0x2fd: {  	_ =	sfence.sel $0x180000  }
0x2fe: {  	[bflag:$0x0] =	sbarrier.arrive $0xFFFF  }
0x2ff: {  	_ =	strace $0x90000047  }
0x300: {  	[bflag:$0x2] =	sbarrier.arrive $0xFFFF  }
0x301: {  	s0 =	rddreg [dreg:$0x5]  }
0x302: {  	s0 =	sadd.s32 @!p0 $0x100000, s0  }
0x303: {  	[sflag:s0] =	ssyncadd.tile.s32 @!p0 $0x1;
	_ =	shalt  }
.Lfunc_end2:
_tile_overlayer_lowered:
.L_overlay_start_2:
0x304: {  	(tag) =	ssettag $0x2  }
0x305: {  	s0 =	rddreg [dreg:$0x0];
	s2 =	stileid.u32  }
0x306: {  	s1 =	rddreg [dreg:$0x1];
	p0 =	sne.s32 s2, $0x0  }
0x307: {  	s3 =	rddreg [dreg:$0x2];
	[bflag:$0x3] =	sbarrier.arrive $0xFFFF;
	s2 =	simm.s32 @!p0 $0x1C08  }
0x308: {  	[timem:s3], [sflag:s2] =	dma.local @!p0 [hbm:s0], s1  }
0x309: {  	s0 =	simm.s32 @!p0 $0x8  }
0x30a: {  	_ =	swait.ge @!p0 [sflag:s0], s1  }
0x30b: {  	s1 =	ssub.s32 @!p0 $0x0, s1;
	[sflag:s0] =	ssyncset.done @!p0 $0x0  }
0x30c: {  	[sflag:s0] =	ssyncadd.s32 @!p0 s1  }
0x30d: {  	[bflag:$0x3] =	sbarrier.arrive $0xFFFF  }
0x30e: {  	_ =	shalt  }

</sc_bundles>
